<compile_context>
chip_gen: v7x
topology: tpu7x:2x2x1
jax: 0.10.2.dev20260603
libtpu: 0.0.44.dev20260713+nightly
codegen_flags: <defaults>
</compile_context>

<pallas_src>
import functools

import jax
import jax.numpy as jnp
from jax import lax
from jax.experimental import pallas as pl
from jax.experimental.pallas import tpu as pltpu
from jax.experimental.pallas import tpu_sc as plsc

N_NODES = 10000
N_EDGES = 320000
D_IN = 128
D_HID = 128
D_OUT = 16

NPAD = 10240
PADID = N_NODES
EPAD = 327680
GSZ = 128
NGRP = EPAD // GSZ

NC, NS = 2, 16
ROWS_PER_TILE = NPAD // NS
GRP_W = NGRP // (NC * NS)
EDGES_W = EPAD // (NC * NS)
STEPS = EDGES_W // 16


@functools.cache
def _sc_mesh():
    return plsc.VectorSubcoreMesh(core_axis_name="c", subcore_axis_name="s",
                                  num_cores=NC, num_subcores=NS)


def _deg_body(srcp, dstp, ones_h, z1d, dego_out, degi_out,
              dego_sh, degi_sh, src_v, dst_v, ones_v):
    c = lax.axis_index("c")
    s = lax.axis_index("s")
    w = c * NS + s
    r0 = s * ROWS_PER_TILE
    pltpu.sync_copy(z1d.at[pl.ds(r0, ROWS_PER_TILE)],
                    dego_sh.at[pl.ds(r0, ROWS_PER_TILE)])
    pltpu.sync_copy(z1d.at[pl.ds(r0, ROWS_PER_TILE)],
                    degi_sh.at[pl.ds(r0, ROWS_PER_TILE)])
    pltpu.sync_copy(ones_h, ones_v)
    pltpu.sync_copy(srcp.at[pl.ds(w * GRP_W, GRP_W)], src_v)
    pltpu.sync_copy(dstp.at[pl.ds(w * GRP_W, GRP_W)], dst_v)
    plsc.subcore_barrier()

    def body(j, carry):
        pltpu.sync_copy(ones_v, dego_sh.at[src_v.at[j]], add=True)
        pltpu.sync_copy(ones_v, degi_sh.at[dst_v.at[j]], add=True)
        return carry

    lax.fori_loop(0, GRP_W, body, 0)
    plsc.subcore_barrier()

    @pl.when(s == 0)
    def _():
        pltpu.sync_copy(dego_sh, dego_out.at[c])
        pltpu.sync_copy(degi_sh, degi_out.at[c])


@functools.cache
def _deg_call():
    return pl.kernel(
        _deg_body,
        out_type=(
            jax.ShapeDtypeStruct((NC, NPAD), jnp.float32),
            jax.ShapeDtypeStruct((NC, NPAD), jnp.float32),
        ),
        mesh=_sc_mesh(),
        scratch_types=[
            pltpu.VMEM_SHARED((NPAD,), jnp.float32),
            pltpu.VMEM_SHARED((NPAD,), jnp.float32),
            pltpu.VMEM((GRP_W, GSZ), jnp.int32),
            pltpu.VMEM((GRP_W, GSZ), jnp.int32),
            pltpu.VMEM((GSZ,), jnp.float32),
        ],
    )


def _prep_body(x_ref, w1_ref, dego_ref, degi_ref, g_ref, ns_ref, nd_ref):
    dego = dego_ref[0] + dego_ref[1]
    degi = degi_ref[0] + degi_ref[1]
    ns = lax.rsqrt(jnp.where(dego > 0.0, dego, 1.0))
    nd = lax.rsqrt(jnp.where(degi > 0.0, degi, 1.0))
    h = jnp.dot(x_ref[...], w1_ref[...], preferred_element_type=jnp.float32)
    g_ref[pl.ds(0, N_NODES), :] = h * ns[:N_NODES]
    g_ref[pl.ds(N_NODES, NPAD - N_NODES), :] = jnp.zeros(
        (NPAD - N_NODES, D_HID), jnp.float32)
    ns_ref[...] = ns
    nd_ref[...] = nd


_prep_call = pl.pallas_call(
    _prep_body,
    out_shape=(
        jax.ShapeDtypeStruct((NPAD, D_HID), jnp.float32),
        jax.ShapeDtypeStruct((NPAD, 1), jnp.float32),
        jax.ShapeDtypeStruct((NPAD, 1), jnp.float32),
    ),
)


NG_W = EDGES_W // 128
NSUP = NG_W // 4


def _agg_body(g, srcp, dstp, ndv, z2d, z1d,
              agg_parts, s_parts,
              acc_sh, s_sh, src_v, dst_v, rows2, svals,
              isems, isemd, rgsem, sgsem):
    c = lax.axis_index("c")
    s = lax.axis_index("s")
    w = c * NS + s
    base = w * NG_W
    r0 = s * ROWS_PER_TILE
    pltpu.sync_copy(z2d.at[pl.ds(r0, ROWS_PER_TILE)],
                    acc_sh.at[pl.ds(r0, ROWS_PER_TILE)])

    @pl.when(s == 0)
    def _():
        pltpu.sync_copy(z1d, s_sh)

    plsc.subcore_barrier()

    def fetch_idx(j, b):
        pltpu.async_copy(srcp.at[base + j], src_v.at[b], isems.at[b])
        pltpu.async_copy(dstp.at[base + j], dst_v.at[b], isemd.at[b])

    def fire_gathers(j, b4, br):
        pltpu.make_async_copy(srcp.at[base + j], src_v.at[b4],
                              isems.at[b4]).wait()
        pltpu.make_async_copy(dstp.at[base + j], dst_v.at[b4],
                              isemd.at[b4]).wait()
        pltpu.async_copy(g.at[src_v.at[b4]], rows2.at[br], rgsem.at[br])
        pltpu.async_copy(ndv.at[dst_v.at[b4]], svals.at[br], sgsem.at[br])

    for k in range(3):
        fetch_idx(k, k)
    fire_gathers(0, 0, 0)

    def body(jj, carry):
        for b4 in range(4):
            j = jj * 4 + b4
            br = b4 % 2

            if b4 == 0:
                fetch_idx(j + 3, (b4 + 3) % 4)
            else:
                @pl.when(jj < NSUP - 1)
                def _():
                    fetch_idx(j + 3, (b4 + 3) % 4)

            pltpu.make_async_copy(g.at[src_v.at[b4]], rows2.at[br],
                                  rgsem.at[br]).wait()
            pltpu.make_async_copy(ndv.at[dst_v.at[b4]], svals.at[br],
                                  sgsem.at[br]).wait()

            if b4 == 3:
                @pl.when(jj < NSUP - 1)
                def _():
                    fire_gathers(j + 1, 0, (br + 1) % 2)
            else:
                fire_gathers(j + 1, b4 + 1, (br + 1) % 2)

            pltpu.sync_copy(rows2.at[br], acc_sh.at[dst_v.at[b4]], add=True)
            pltpu.sync_copy(svals.at[br], s_sh.at[src_v.at[b4]], add=True)

        return carry

    lax.fori_loop(0, NSUP, body, 0)
    plsc.subcore_barrier()

    @pl.when(c == 0)
    def _():
        pltpu.sync_copy(acc_sh.at[pl.ds(r0, ROWS_PER_TILE)],
                        agg_parts.at[0].at[pl.ds(r0, ROWS_PER_TILE)])

        @pl.when(s == 0)
        def _():
            pltpu.sync_copy(s_sh, s_parts.at[0])

    @pl.when(c == 1)
    def _():
        pltpu.sync_copy(acc_sh.at[pl.ds(r0, ROWS_PER_TILE)],
                        agg_parts.at[1].at[pl.ds(r0, ROWS_PER_TILE)])

        @pl.when(s == 0)
        def _():
            pltpu.sync_copy(s_sh, s_parts.at[1])


@functools.cache
def _agg_call():
    return pl.kernel(
        _agg_body,
        out_type=(
            jax.ShapeDtypeStruct((NC, NPAD, D_HID), jnp.float32),
            jax.ShapeDtypeStruct((NC, NPAD), jnp.float32),
        ),
        mesh=_sc_mesh(),
        scratch_types=[
            pltpu.VMEM_SHARED((NPAD, D_HID), jnp.float32),
            pltpu.VMEM_SHARED((NPAD,), jnp.float32),
            pltpu.VMEM((4, 128), jnp.int32),
            pltpu.VMEM((4, 128), jnp.int32),
            pltpu.VMEM((2, 128, D_HID), jnp.float32),
            pltpu.VMEM((2, 128), jnp.float32),
            pltpu.SemaphoreType.DMA((4,)),
            pltpu.SemaphoreType.DMA((4,)),
            pltpu.SemaphoreType.DMA((2,)),
            pltpu.SemaphoreType.DMA((2,)),
        ],
    )


def _final_body(ap, ns, nd, sp, b1, w2, b2, wr, br, out_ref):
    agg = ap[0] + ap[1]
    x1 = jnp.maximum(agg * nd[...] + b1[...][None, :], 0.0)
    cvec = ns[...] * (sp[0] + sp[1])
    rid = lax.broadcasted_iota(jnp.int32, (NPAD, 1), 0)
    cvec = jnp.where(rid < N_NODES, cvec, 0.0)
    v = jnp.sum(x1 * cvec, axis=0, keepdims=True) * (1.0 / N_NODES)
    h2 = jnp.dot(v, w2[...], preferred_element_type=jnp.float32)
    h2 = h2 + b2[...][None, :]
    out = jnp.dot(h2, wr[...], preferred_element_type=jnp.float32)
    out_ref[...] = out + br[...][None, :]


_final_call = pl.pallas_call(
    _final_body,
    out_shape=jax.ShapeDtypeStruct((1, D_OUT), jnp.float32),
)


def kernel(features, edge_index, W1, b1, W2, b2, Wr, br):
    src = edge_index[0].astype(jnp.int32)
    dst = edge_index[1].astype(jnp.int32)
    pad = PADID + (jnp.arange(EPAD - N_EDGES, dtype=jnp.int32)
                   % (NPAD - N_NODES))
    src1 = jnp.concatenate([src, pad])
    dst1 = jnp.concatenate([dst, pad])
    srcp = src1.reshape(NGRP, GSZ)
    dstp = dst1.reshape(NGRP, GSZ)
    z1 = jnp.zeros((NPAD,), jnp.float32)
    z2 = jnp.zeros((NPAD, D_HID), jnp.float32)
    onesg = jnp.ones((GSZ,), jnp.float32)

    dego_p, degi_p = _deg_call()(srcp, dstp, onesg, z1)
    g, ns2, nd2 = _prep_call(features, W1,
                             dego_p[:, :, None], degi_p[:, :, None])
    agg_p, s_p = _agg_call()(g, srcp, dstp, nd2.reshape(NPAD), z2, z1)
    out = _final_call(agg_p, ns2, nd2, s_p[:, :, None], b1, W2, b2, Wr, br)
    return out

# --- scband reference (transcript-rebuilt; emitter-appended) ---
"""Pipeline reference for scband-gcnmulti-regressor-58265526337787 (READ-ONLY COPY).

The authoritative reference and input builder live on the scoring server;
editing this copy changes nothing except your own understanding.
"""

import jax, jax.numpy as jnp
import numpy as np

N_NODES = 10000
N_EDGES = 320000
D_IN = 128
D_HID = 128
D_OUT = 16


def setup_inputs(seed: int = 0) -> dict:
    key = jax.random.key(seed)
    ks = jax.random.split(key, 8)
    features = jax.random.normal(ks[0], (N_NODES, D_IN), dtype=jnp.float32)
    edge_index = jax.random.randint(ks[1], (2, N_EDGES), 0, N_NODES, dtype=jnp.int64)
    s1 = 1.0 / np.sqrt(D_IN)
    s2 = 1.0 / np.sqrt(D_HID)
    W1 = jax.random.uniform(ks[2], (D_IN, D_HID), dtype=jnp.float32, minval=-s1, maxval=s1)
    b1 = jnp.zeros((D_HID,), dtype=jnp.float32)
    W2 = jax.random.uniform(ks[3], (D_HID, D_HID), dtype=jnp.float32, minval=-s2, maxval=s2)
    b2 = jnp.zeros((D_HID,), dtype=jnp.float32)
    Wr = jax.random.uniform(ks[4], (D_HID, D_OUT), dtype=jnp.float32, minval=-s2, maxval=s2)
    br = jax.random.uniform(ks[5], (D_OUT,), dtype=jnp.float32, minval=-s2, maxval=s2)
    return {"features": features, "edge_index": edge_index, "W1": W1, "b1": b1, "W2": W2, "b2": b2, "Wr": Wr, "br": br}


def reference(features, edge_index, W1, b1, W2, b2, Wr, br):
    # DGL GraphConv with norm='both': out = D_in^{-1/2} * A * (D_out^{-1/2} * X W) + b
    src = edge_index[0]
    dst = edge_index[1]
    N = features.shape[0]
    ones = jnp.ones((src.shape[0],), dtype=features.dtype)
    deg_out = jax.ops.segment_sum(ones, src, num_segments=N)
    deg_in = jax.ops.segment_sum(ones, dst, num_segments=N)
    # DGL clamps degree to min 1 (avoids div by zero)
    norm_src = jnp.where(deg_out > 0, deg_out, 1.0) ** -0.5
    norm_dst = jnp.where(deg_in > 0, deg_in, 1.0) ** -0.5

    def graph_conv(x, W, b):
        h = x @ W
        m = h[src] * norm_src[src][:, None]
        agg = jax.ops.segment_sum(m, dst, num_segments=N)
        return agg * norm_dst[:, None] + b

    x = jax.nn.relu(graph_conv(features, W1, b1))
    x = graph_conv(x, W2, b2)
    hg = jnp.mean(x, axis=0, keepdims=True)
    return hg @ Wr + br

if __name__ == "__main__":
    import jax
    _d = setup_inputs()
    print(jax.jit(kernel)(*tuple(_d.values())))

</pallas_src>

<mosaic_0001>
#map = affine_map<(d0, d1) -> (0, 0)>
#map1 = affine_map<(d0, d1) -> (0)>
module attributes {stable_mosaic.version = 14 : i64} {
  func.func @_deg_body(%arg0: i32, %arg1: i32, %arg2: memref<2560x128xi32, #tpu.memory_space<hbm>>, %arg3: memref<2560x128xi32, #tpu.memory_space<hbm>>, %arg4: memref<128xf32, #tpu.memory_space<hbm>>, %arg5: memref<10240xf32, #tpu.memory_space<hbm>>, %arg6: memref<2x10240xf32, #tpu.memory_space<hbm>>, %arg7: memref<2x10240xf32, #tpu.memory_space<hbm>>, %arg8: memref<10240xf32, #tpu.memory_space<vmem_shared>>, %arg9: memref<10240xf32, #tpu.memory_space<vmem_shared>>, %arg10: memref<80x128xi32, #tpu.memory_space<vmem>>, %arg11: memref<80x128xi32, #tpu.memory_space<vmem>>, %arg12: memref<128xf32, #tpu.memory_space<vmem>>) attributes {dimension_semantics = [#tpu.dimension_semantics<core_parallel>, #tpu.dimension_semantics<subcore_parallel>], iteration_bounds = array<i64: 2, 16>, scalar_prefetch = 0 : i64, scratch_operands = 5 : i64, tpu.core_type = #tpu.core_type<sc_vector_subcore>, window_params = [{transform_indices = #map}, {transform_indices = #map}, {transform_indices = #map1}, {transform_indices = #map1}, {transform_indices = #map}, {transform_indices = #map}]} {
    %mul3A = arith.constant 16 : i32
    %mul3A_0 = arith.muli %arg0, %mul3A : i32
    %add3A = arith.addi %mul3A_0, %arg1 : i32
    %mul3A_1 = arith.constant 640 : i32
    %mul3A_2 = arith.muli %arg1, %mul3A_1 : i32
    "tpu.region"() ({
      %run_scoped3A = tpu.sem_alloc : memref<!tpu.dma_semaphore, #tpu.memory_space<semaphore_mem>>
      %dma_start3A = tpu.memref_slice %arg8[%mul3A_2] : memref<10240xf32, #tpu.memory_space<vmem_shared>> -> memref<640xf32, #tpu.memory_space<vmem_shared>>
      %dma_start3A_15 = tpu.memref_slice %arg5[%mul3A_2] : memref<10240xf32, #tpu.memory_space<hbm>> -> memref<640xf32, #tpu.memory_space<hbm>>
      tpu.enqueue_dma source(%dma_start3A_15 : memref<640xf32, #tpu.memory_space<hbm>>) target(%dma_start3A : memref<640xf32, #tpu.memory_space<vmem_shared>>) target_semaphore(%run_scoped3A : memref<!tpu.dma_semaphore, #tpu.memory_space<semaphore_mem>>)
      %dma_wait3A = tpu.memref_slice %arg8[%mul3A_2] : memref<10240xf32, #tpu.memory_space<vmem_shared>> -> memref<640xf32, #tpu.memory_space<vmem_shared>>
      %dma_wait3A_16 = tpu.memref_slice %arg5[%mul3A_2] : memref<10240xf32, #tpu.memory_space<hbm>> -> memref<640xf32, #tpu.memory_space<hbm>>
      tpu.wait_dma2 semaphore(%run_scoped3A : memref<!tpu.dma_semaphore, #tpu.memory_space<semaphore_mem>>) src(%dma_wait3A_16 : memref<640xf32, #tpu.memory_space<hbm>>) dst(%dma_wait3A : memref<640xf32, #tpu.memory_space<vmem_shared>>)
      tpu.yield
    }) : () -> ()
    "tpu.region"() ({
      %run_scoped3A = tpu.sem_alloc : memref<!tpu.dma_semaphore, #tpu.memory_space<semaphore_mem>>
      %dma_start3A = tpu.memref_slice %arg9[%mul3A_2] : memref<10240xf32, #tpu.memory_space<vmem_shared>> -> memref<640xf32, #tpu.memory_space<vmem_shared>>
      %dma_start3A_15 = tpu.memref_slice %arg5[%mul3A_2] : memref<10240xf32, #tpu.memory_space<hbm>> -> memref<640xf32, #tpu.memory_space<hbm>>
      tpu.enqueue_dma source(%dma_start3A_15 : memref<640xf32, #tpu.memory_space<hbm>>) target(%dma_start3A : memref<640xf32, #tpu.memory_space<vmem_shared>>) target_semaphore(%run_scoped3A : memref<!tpu.dma_semaphore, #tpu.memory_space<semaphore_mem>>)
      %dma_wait3A = tpu.memref_slice %arg9[%mul3A_2] : memref<10240xf32, #tpu.memory_space<vmem_shared>> -> memref<640xf32, #tpu.memory_space<vmem_shared>>
      %dma_wait3A_16 = tpu.memref_slice %arg5[%mul3A_2] : memref<10240xf32, #tpu.memory_space<hbm>> -> memref<640xf32, #tpu.memory_space<hbm>>
      tpu.wait_dma2 semaphore(%run_scoped3A : memref<!tpu.dma_semaphore, #tpu.memory_space<semaphore_mem>>) src(%dma_wait3A_16 : memref<640xf32, #tpu.memory_space<hbm>>) dst(%dma_wait3A : memref<640xf32, #tpu.memory_space<vmem_shared>>)
      tpu.yield
    }) : () -> ()
    "tpu.region"() ({
      %run_scoped3A = tpu.sem_alloc : memref<!tpu.dma_semaphore, #tpu.memory_space<semaphore_mem>>
      tpu.enqueue_dma source(%arg4 : memref<128xf32, #tpu.memory_space<hbm>>) target(%arg12 : memref<128xf32, #tpu.memory_space<vmem>>) target_semaphore(%run_scoped3A : memref<!tpu.dma_semaphore, #tpu.memory_space<semaphore_mem>>)
      tpu.wait_dma2 semaphore(%run_scoped3A : memref<!tpu.dma_semaphore, #tpu.memory_space<semaphore_mem>>) src(%arg4 : memref<128xf32, #tpu.memory_space<hbm>>) dst(%arg12 : memref<128xf32, #tpu.memory_space<vmem>>)
      tpu.yield
    }) : () -> ()
    %mul3A_3 = arith.constant 80 : i32
    %mul3A_4 = arith.muli %add3A, %mul3A_3 : i32
    "tpu.region"() ({
      %run_scoped3A = tpu.sem_alloc : memref<!tpu.dma_semaphore, #tpu.memory_space<semaphore_mem>>
      %dma_start3A = arith.constant 0 : i32
      %dma_start3A_15 = tpu.memref_slice %arg2[%mul3A_4, %dma_start3A] : memref<2560x128xi32, #tpu.memory_space<hbm>> -> memref<80x128xi32, #tpu.memory_space<hbm>>
      %dma_start3A_16 = arith.constant 0 : i32
      %dma_start3A_17 = tpu.memref_slice %arg2[%mul3A_4, %dma_start3A_16] : memref<2560x128xi32, #tpu.memory_space<hbm>> -> memref<80x128xi32, #tpu.memory_space<hbm>>
      tpu.enqueue_dma source(%dma_start3A_17 : memref<80x128xi32, #tpu.memory_space<hbm>>) target(%arg10 : memref<80x128xi32, #tpu.memory_space<vmem>>) target_semaphore(%run_scoped3A : memref<!tpu.dma_semaphore, #tpu.memory_space<semaphore_mem>>)
      %dma_wait3A = arith.constant 0 : i32
      %dma_wait3A_18 = tpu.memref_slice %arg2[%mul3A_4, %dma_wait3A] : memref<2560x128xi32, #tpu.memory_space<hbm>> -> memref<80x128xi32, #tpu.memory_space<hbm>>
      %dma_wait3A_19 = arith.constant 0 : i32
      %dma_wait3A_20 = tpu.memref_slice %arg2[%mul3A_4, %dma_wait3A_19] : memref<2560x128xi32, #tpu.memory_space<hbm>> -> memref<80x128xi32, #tpu.memory_space<hbm>>
      tpu.wait_dma2 semaphore(%run_scoped3A : memref<!tpu.dma_semaphore, #tpu.memory_space<semaphore_mem>>) src(%dma_wait3A_20 : memref<80x128xi32, #tpu.memory_space<hbm>>) dst(%arg10 : memref<80x128xi32, #tpu.memory_space<vmem>>)
      tpu.yield
    }) : () -> ()
    %mul3A_5 = arith.constant 80 : i32
    %mul3A_6 = arith.muli %add3A, %mul3A_5 : i32
    "tpu.region"() ({
      %run_scoped3A = tpu.sem_alloc : memref<!tpu.dma_semaphore, #tpu.memory_space<semaphore_mem>>
      %dma_start3A = arith.constant 0 : i32
      %dma_start3A_15 = tpu.memref_slice %arg3[%mul3A_6, %dma_start3A] : memref<2560x128xi32, #tpu.memory_space<hbm>> -> memref<80x128xi32, #tpu.memory_space<hbm>>
      %dma_start3A_16 = arith.constant 0 : i32
      %dma_start3A_17 = tpu.memref_slice %arg3[%mul3A_6, %dma_start3A_16] : memref<2560x128xi32, #tpu.memory_space<hbm>> -> memref<80x128xi32, #tpu.memory_space<hbm>>
      tpu.enqueue_dma source(%dma_start3A_17 : memref<80x128xi32, #tpu.memory_space<hbm>>) target(%arg11 : memref<80x128xi32, #tpu.memory_space<vmem>>) target_semaphore(%run_scoped3A : memref<!tpu.dma_semaphore, #tpu.memory_space<semaphore_mem>>)
      %dma_wait3A = arith.constant 0 : i32
      %dma_wait3A_18 = tpu.memref_slice %arg3[%mul3A_6, %dma_wait3A] : memref<2560x128xi32, #tpu.memory_space<hbm>> -> memref<80x128xi32, #tpu.memory_space<hbm>>
      %dma_wait3A_19 = arith.constant 0 : i32
      %dma_wait3A_20 = tpu.memref_slice %arg3[%mul3A_6, %dma_wait3A_19] : memref<2560x128xi32, #tpu.memory_space<hbm>> -> memref<80x128xi32, #tpu.memory_space<hbm>>
      tpu.wait_dma2 semaphore(%run_scoped3A : memref<!tpu.dma_semaphore, #tpu.memory_space<semaphore_mem>>) src(%dma_wait3A_20 : memref<80x128xi32, #tpu.memory_space<hbm>>) dst(%arg11 : memref<80x128xi32, #tpu.memory_space<vmem>>)
      tpu.yield
    }) : () -> ()
    %barrier3A = arith.constant 0 : index
    tpu.barrier barrier_id(%barrier3A)
    %scan3A = arith.constant 0 : i32
    %scan3A_7 = arith.constant 0 : i32
    %scan3A_8 = arith.constant 80 : i32
    %scan3A_9 = arith.addi %scan3A_7, %scan3A_8 : i32
    %scan3A_10 = arith.constant 1 : i32
    scf.for %scan3A_15 = %scan3A_7 to %scan3A_9 step %scan3A_10  : i32 {
      "tpu.region"() ({
        %run_scoped3A = tpu.sem_alloc : memref<!tpu.dma_semaphore, #tpu.memory_space<semaphore_mem>>
        %dma_start3A = arith.constant 0 : i32
        %dma_start3A_16 = tpu.memref_slice %arg10[%scan3A_15, %dma_start3A] : memref<80x128xi32, #tpu.memory_space<vmem>> -> memref<1x128xi32, #tpu.memory_space<vmem>>
        %dma_start3A_17 = tpu.memref_squeeze %dma_start3A_16 : memref<1x128xi32, #tpu.memory_space<vmem>> -> memref<128xi32, #tpu.memory_space<vmem>>
        %dma_start3A_18 = arith.constant 0 : i32
        %dma_start3A_19 = tpu.memref_slice %arg8[%dma_start3A_18] : memref<10240xf32, #tpu.memory_space<vmem_shared>> -> memref<10240xf32, #tpu.memory_space<vmem_shared>>
        tpu.enqueue_indirect_dma source(%arg12 : memref<128xf32, #tpu.memory_space<vmem>>) target(%dma_start3A_19 : memref<10240xf32, #tpu.memory_space<vmem_shared>>) offsets(%dma_start3A_17 : memref<128xi32, #tpu.memory_space<vmem>>) semaphore(%run_scoped3A : memref<!tpu.dma_semaphore, #tpu.memory_space<semaphore_mem>>) {add = true}
        %dma_wait3A = arith.constant 0 : i32
        %dma_wait3A_20 = tpu.memref_slice %arg10[%scan3A_15, %dma_wait3A] : memref<80x128xi32, #tpu.memory_space<vmem>> -> memref<1x128xi32, #tpu.memory_space<vmem>>
        %dma_wait3A_21 = tpu.memref_squeeze %dma_wait3A_20 : memref<1x128xi32, #tpu.memory_space<vmem>> -> memref<128xi32, #tpu.memory_space<vmem>>
        %dma_wait3A_22 = arith.constant 0 : i32
        %dma_wait3A_23 = tpu.memref_slice %arg8[%dma_wait3A_22] : memref<10240xf32, #tpu.memory_space<vmem_shared>> -> memref<10240xf32, #tpu.memory_space<vmem_shared>>
        tpu.wait_indirect_dma semaphore(%run_scoped3A : memref<!tpu.dma_semaphore, #tpu.memory_space<semaphore_mem>>) src(%arg12 : memref<128xf32, #tpu.memory_space<vmem>>) dst(%dma_wait3A_23 : memref<10240xf32, #tpu.memory_space<vmem_shared>>)
        tpu.yield
      }) : () -> ()
      "tpu.region"() ({
        %run_scoped3A = tpu.sem_alloc : memref<!tpu.dma_semaphore, #tpu.memory_space<semaphore_mem>>
        %dma_start3A = arith.constant 0 : i32
        %dma_start3A_16 = tpu.memref_slice %arg11[%scan3A_15, %dma_start3A] : memref<80x128xi32, #tpu.memory_space<vmem>> -> memref<1x128xi32, #tpu.memory_space<vmem>>
        %dma_start3A_17 = tpu.memref_squeeze %dma_start3A_16 : memref<1x128xi32, #tpu.memory_space<vmem>> -> memref<128xi32, #tpu.memory_space<vmem>>
        %dma_start3A_18 = arith.constant 0 : i32
        %dma_start3A_19 = tpu.memref_slice %arg9[%dma_start3A_18] : memref<10240xf32, #tpu.memory_space<vmem_shared>> -> memref<10240xf32, #tpu.memory_space<vmem_shared>>
        tpu.enqueue_indirect_dma source(%arg12 : memref<128xf32, #tpu.memory_space<vmem>>) target(%dma_start3A_19 : memref<10240xf32, #tpu.memory_space<vmem_shared>>) offsets(%dma_start3A_17 : memref<128xi32, #tpu.memory_space<vmem>>) semaphore(%run_scoped3A : memref<!tpu.dma_semaphore, #tpu.memory_space<semaphore_mem>>) {add = true}
        %dma_wait3A = arith.constant 0 : i32
        %dma_wait3A_20 = tpu.memref_slice %arg11[%scan3A_15, %dma_wait3A] : memref<80x128xi32, #tpu.memory_space<vmem>> -> memref<1x128xi32, #tpu.memory_space<vmem>>
        %dma_wait3A_21 = tpu.memref_squeeze %dma_wait3A_20 : memref<1x128xi32, #tpu.memory_space<vmem>> -> memref<128xi32, #tpu.memory_space<vmem>>
        %dma_wait3A_22 = arith.constant 0 : i32
        %dma_wait3A_23 = tpu.memref_slice %arg9[%dma_wait3A_22] : memref<10240xf32, #tpu.memory_space<vmem_shared>> -> memref<10240xf32, #tpu.memory_space<vmem_shared>>
        tpu.wait_indirect_dma semaphore(%run_scoped3A : memref<!tpu.dma_semaphore, #tpu.memory_space<semaphore_mem>>) src(%arg12 : memref<128xf32, #tpu.memory_space<vmem>>) dst(%dma_wait3A_23 : memref<10240xf32, #tpu.memory_space<vmem_shared>>)
        tpu.yield
      }) : () -> ()
    }
    %scan3A_11 = arith.constant 80 : i32
    %barrier3A_12 = arith.constant 0 : index
    tpu.barrier barrier_id(%barrier3A_12)
    %eq3A = arith.constant 0 : i32
    %eq3A_13 = arith.cmpi eq, %arg1, %eq3A : i32
    %convert_element_type3A = arith.extui %eq3A_13 : i1 to i32
    %cond3A = arith.constant 0 : i32
    %cond3A_14 = arith.cmpi ne, %convert_element_type3A, %cond3A : i32
    scf.if %cond3A_14 {
      "tpu.region"() ({
        %run_scoped3A = tpu.sem_alloc : memref<!tpu.dma_semaphore, #tpu.memory_space<semaphore_mem>>
        %dma_start3A = arith.constant 0 : i32
        %dma_start3A_15 = tpu.memref_slice %arg6[%arg0, %dma_start3A] : memref<2x10240xf32, #tpu.memory_space<hbm>> -> memref<1x10240xf32, #tpu.memory_space<hbm>>
        %dma_start3A_16 = tpu.memref_squeeze %dma_start3A_15 : memref<1x10240xf32, #tpu.memory_space<hbm>> -> memref<10240xf32, #tpu.memory_space<hbm>>
        tpu.enqueue_dma source(%arg8 : memref<10240xf32, #tpu.memory_space<vmem_shared>>) target(%dma_start3A_16 : memref<10240xf32, #tpu.memory_space<hbm>>) target_semaphore(%run_scoped3A : memref<!tpu.dma_semaphore, #tpu.memory_space<semaphore_mem>>)
        %dma_wait3A = arith.constant 0 : i32
        %dma_wait3A_17 = tpu.memref_slice %arg6[%arg0, %dma_wait3A] : memref<2x10240xf32, #tpu.memory_space<hbm>> -> memref<1x10240xf32, #tpu.memory_space<hbm>>
        %dma_wait3A_18 = tpu.memref_squeeze %dma_wait3A_17 : memref<1x10240xf32, #tpu.memory_space<hbm>> -> memref<10240xf32, #tpu.memory_space<hbm>>
        tpu.wait_dma2 semaphore(%run_scoped3A : memref<!tpu.dma_semaphore, #tpu.memory_space<semaphore_mem>>) src(%arg8 : memref<10240xf32, #tpu.memory_space<vmem_shared>>) dst(%dma_wait3A_18 : memref<10240xf32, #tpu.memory_space<hbm>>)
        tpu.yield
      }) : () -> ()
      "tpu.region"() ({
        %run_scoped3A = tpu.sem_alloc : memref<!tpu.dma_semaphore, #tpu.memory_space<semaphore_mem>>
        %dma_start3A = arith.constant 0 : i32
        %dma_start3A_15 = tpu.memref_slice %arg7[%arg0, %dma_start3A] : memref<2x10240xf32, #tpu.memory_space<hbm>> -> memref<1x10240xf32, #tpu.memory_space<hbm>>
        %dma_start3A_16 = tpu.memref_squeeze %dma_start3A_15 : memref<1x10240xf32, #tpu.memory_space<hbm>> -> memref<10240xf32, #tpu.memory_space<hbm>>
        tpu.enqueue_dma source(%arg9 : memref<10240xf32, #tpu.memory_space<vmem_shared>>) target(%dma_start3A_16 : memref<10240xf32, #tpu.memory_space<hbm>>) target_semaphore(%run_scoped3A : memref<!tpu.dma_semaphore, #tpu.memory_space<semaphore_mem>>)
        %dma_wait3A = arith.constant 0 : i32
        %dma_wait3A_17 = tpu.memref_slice %arg7[%arg0, %dma_wait3A] : memref<2x10240xf32, #tpu.memory_space<hbm>> -> memref<1x10240xf32, #tpu.memory_space<hbm>>
        %dma_wait3A_18 = tpu.memref_squeeze %dma_wait3A_17 : memref<1x10240xf32, #tpu.memory_space<hbm>> -> memref<10240xf32, #tpu.memory_space<hbm>>
        tpu.wait_dma2 semaphore(%run_scoped3A : memref<!tpu.dma_semaphore, #tpu.memory_space<semaphore_mem>>) src(%arg9 : memref<10240xf32, #tpu.memory_space<vmem_shared>>) dst(%dma_wait3A_18 : memref<10240xf32, #tpu.memory_space<hbm>>)
        tpu.yield
      }) : () -> ()
    } else {
    }
    return
  }
}

#map = affine_map<(d0, d1) -> (0, 0)>
#map1 = affine_map<(d0, d1) -> (0)>
#map2 = affine_map<(d0, d1) -> (0, 0, 0)>
module attributes {stable_mosaic.version = 14 : i64} {
  func.func @_agg_body(%arg0: i32, %arg1: i32, %arg2: memref<10240x128xf32, #tpu.memory_space<hbm>>, %arg3: memref<2560x128xi32, #tpu.memory_space<hbm>>, %arg4: memref<2560x128xi32, #tpu.memory_space<hbm>>, %arg5: memref<10240xf32, #tpu.memory_space<hbm>>, %arg6: memref<10240x128xf32, #tpu.memory_space<hbm>>, %arg7: memref<10240xf32, #tpu.memory_space<hbm>>, %arg8: memref<2x10240x128xf32, #tpu.memory_space<hbm>>, %arg9: memref<2x10240xf32, #tpu.memory_space<hbm>>, %arg10: memref<10240x128xf32, #tpu.memory_space<vmem_shared>>, %arg11: memref<10240xf32, #tpu.memory_space<vmem_shared>>, %arg12: memref<4x128xi32, #tpu.memory_space<vmem>>, %arg13: memref<4x128xi32, #tpu.memory_space<vmem>>, %arg14: memref<2x128x128xf32, #tpu.memory_space<vmem>>, %arg15: memref<2x128xf32, #tpu.memory_space<vmem>>, %arg16: memref<4x!tpu.dma_semaphore, #tpu.memory_space<semaphore_mem>>, %arg17: memref<4x!tpu.dma_semaphore, #tpu.memory_space<semaphore_mem>>, %arg18: memref<2x!tpu.dma_semaphore, #tpu.memory_space<semaphore_mem>>, %arg19: memref<2x!tpu.dma_semaphore, #tpu.memory_space<semaphore_mem>>) attributes {dimension_semantics = [#tpu.dimension_semantics<core_parallel>, #tpu.dimension_semantics<subcore_parallel>], iteration_bounds = array<i64: 2, 16>, scalar_prefetch = 0 : i64, scratch_operands = 10 : i64, tpu.core_type = #tpu.core_type<sc_vector_subcore>, window_params = [{transform_indices = #map}, {transform_indices = #map}, {transform_indices = #map}, {transform_indices = #map1}, {transform_indices = #map}, {transform_indices = #map1}, {transform_indices = #map2}, {transform_indices = #map}]} {
    %mul3A = arith.constant 16 : i32
    %mul3A_0 = arith.muli %arg0, %mul3A : i32
    %add3A = arith.addi %mul3A_0, %arg1 : i32
    %mul3A_1 = arith.constant 80 : i32
    %mul3A_2 = arith.muli %add3A, %mul3A_1 : i32
    %mul3A_3 = arith.constant 640 : i32
    %mul3A_4 = arith.muli %arg1, %mul3A_3 : i32
    "tpu.region"() ({
      %run_scoped3A = tpu.sem_alloc : memref<!tpu.dma_semaphore, #tpu.memory_space<semaphore_mem>>
      %dma_start3A_193 = arith.constant 0 : i32
      %dma_start3A_194 = tpu.memref_slice %arg10[%mul3A_4, %dma_start3A_193] : memref<10240x128xf32, #tpu.memory_space<vmem_shared>> -> memref<640x128xf32, #tpu.memory_space<vmem_shared>>
      %dma_start3A_195 = arith.constant 0 : i32
      %dma_start3A_196 = tpu.memref_slice %arg6[%mul3A_4, %dma_start3A_195] : memref<10240x128xf32, #tpu.memory_space<hbm>> -> memref<640x128xf32, #tpu.memory_space<hbm>>
      tpu.enqueue_dma source(%dma_start3A_196 : memref<640x128xf32, #tpu.memory_space<hbm>>) target(%dma_start3A_194 : memref<640x128xf32, #tpu.memory_space<vmem_shared>>) target_semaphore(%run_scoped3A : memref<!tpu.dma_semaphore, #tpu.memory_space<semaphore_mem>>)
      %dma_wait3A_197 = arith.constant 0 : i32
      %dma_wait3A_198 = tpu.memref_slice %arg10[%mul3A_4, %dma_wait3A_197] : memref<10240x128xf32, #tpu.memory_space<vmem_shared>> -> memref<640x128xf32, #tpu.memory_space<vmem_shared>>
      %dma_wait3A_199 = arith.constant 0 : i32
      %dma_wait3A_200 = tpu.memref_slice %arg6[%mul3A_4, %dma_wait3A_199] : memref<10240x128xf32, #tpu.memory_space<hbm>> -> memref<640x128xf32, #tpu.memory_space<hbm>>
      tpu.wait_dma2 semaphore(%run_scoped3A : memref<!tpu.dma_semaphore, #tpu.memory_space<semaphore_mem>>) src(%dma_wait3A_200 : memref<640x128xf32, #tpu.memory_space<hbm>>) dst(%dma_wait3A_198 : memref<640x128xf32, #tpu.memory_space<vmem_shared>>)
      tpu.yield
    }) : () -> ()
    %eq3A = arith.constant 0 : i32
    %eq3A_5 = arith.cmpi eq, %arg1, %eq3A : i32
    %convert_element_type3A = arith.extui %eq3A_5 : i1 to i32
    %cond3A = arith.constant 0 : i32
    %cond3A_6 = arith.cmpi ne, %convert_element_type3A, %cond3A : i32
    scf.if %cond3A_6 {
      "tpu.region"() ({
        %run_scoped3A = tpu.sem_alloc : memref<!tpu.dma_semaphore, #tpu.memory_space<semaphore_mem>>
        tpu.enqueue_dma source(%arg7 : memref<10240xf32, #tpu.memory_space<hbm>>) target(%arg11 : memref<10240xf32, #tpu.memory_space<vmem_shared>>) target_semaphore(%run_scoped3A : memref<!tpu.dma_semaphore, #tpu.memory_space<semaphore_mem>>)
        tpu.wait_dma2 semaphore(%run_scoped3A : memref<!tpu.dma_semaphore, #tpu.memory_space<semaphore_mem>>) src(%arg7 : memref<10240xf32, #tpu.memory_space<hbm>>) dst(%arg11 : memref<10240xf32, #tpu.memory_space<vmem_shared>>)
        tpu.yield
      }) : () -> ()
    } else {
    }
    %barrier3A = arith.constant 0 : index
    tpu.barrier barrier_id(%barrier3A)
    %add3A_7 = arith.constant 0 : i32
    %add3A_8 = arith.addi %mul3A_2, %add3A_7 : i32
    %dma_start3A = arith.constant 0 : i32
    %dma_start3A_9 = arith.constant 0 : i32
    %dma_start3A_10 = arith.constant 0 : i32
    %dma_start3A_11 = tpu.memref_slice %arg12[%dma_start3A, %dma_start3A_10] : memref<4x128xi32, #tpu.memory_space<vmem>> -> memref<1x128xi32, #tpu.memory_space<vmem>>
    %dma_start3A_12 = tpu.memref_squeeze %dma_start3A_11 : memref<1x128xi32, #tpu.memory_space<vmem>> -> memref<128xi32, #tpu.memory_space<vmem>>
    %dma_start3A_13 = arith.constant 0 : i32
    %dma_start3A_14 = tpu.memref_slice %arg3[%add3A_8, %dma_start3A_13] : memref<2560x128xi32, #tpu.memory_space<hbm>> -> memref<1x128xi32, #tpu.memory_space<hbm>>
    %dma_start3A_15 = tpu.memref_squeeze %dma_start3A_14 : memref<1x128xi32, #tpu.memory_space<hbm>> -> memref<128xi32, #tpu.memory_space<hbm>>
    %dma_start3A_16 = tpu.memref_slice %arg16[%dma_start3A_9] : memref<4x!tpu.dma_semaphore, #tpu.memory_space<semaphore_mem>> -> memref<1x!tpu.dma_semaphore, #tpu.memory_space<semaphore_mem>>
    %dma_start3A_17 = tpu.memref_squeeze %dma_start3A_16 : memref<1x!tpu.dma_semaphore, #tpu.memory_space<semaphore_mem>> -> memref<!tpu.dma_semaphore, #tpu.memory_space<semaphore_mem>>
    %dma_start3A_18 = arith.constant 0 : i32
    %dma_start3A_19 = tpu.memref_slice %arg12[%dma_start3A, %dma_start3A_18] : memref<4x128xi32, #tpu.memory_space<vmem>> -> memref<1x128xi32, #tpu.memory_space<vmem>>
    %dma_start3A_20 = tpu.memref_squeeze %dma_start3A_19 : memref<1x128xi32, #tpu.memory_space<vmem>> -> memref<128xi32, #tpu.memory_space<vmem>>
    %dma_start3A_21 = arith.constant 0 : i32
    %dma_start3A_22 = tpu.memref_slice %arg3[%add3A_8, %dma_start3A_21] : memref<2560x128xi32, #tpu.memory_space<hbm>> -> memref<1x128xi32, #tpu.memory_space<hbm>>
    %dma_start3A_23 = tpu.memref_squeeze %dma_start3A_22 : memref<1x128xi32, #tpu.memory_space<hbm>> -> memref<128xi32, #tpu.memory_space<hbm>>
    tpu.enqueue_dma source(%dma_start3A_23 : memref<128xi32, #tpu.memory_space<hbm>>) target(%dma_start3A_20 : memref<128xi32, #tpu.memory_space<vmem>>) target_semaphore(%dma_start3A_17 : memref<!tpu.dma_semaphore, #tpu.memory_space<semaphore_mem>>)
    %add3A_24 = arith.constant 0 : i32
    %add3A_25 = arith.addi %mul3A_2, %add3A_24 : i32
    %dma_start3A_26 = arith.constant 0 : i32
    %dma_start3A_27 = arith.constant 0 : i32
    %dma_start3A_28 = arith.constant 0 : i32
    %dma_start3A_29 = tpu.memref_slice %arg13[%dma_start3A_26, %dma_start3A_28] : memref<4x128xi32, #tpu.memory_space<vmem>> -> memref<1x128xi32, #tpu.memory_space<vmem>>
    %dma_start3A_30 = tpu.memref_squeeze %dma_start3A_29 : memref<1x128xi32, #tpu.memory_space<vmem>> -> memref<128xi32, #tpu.memory_space<vmem>>
    %dma_start3A_31 = arith.constant 0 : i32
    %dma_start3A_32 = tpu.memref_slice %arg4[%add3A_25, %dma_start3A_31] : memref<2560x128xi32, #tpu.memory_space<hbm>> -> memref<1x128xi32, #tpu.memory_space<hbm>>
    %dma_start3A_33 = tpu.memref_squeeze %dma_start3A_32 : memref<1x128xi32, #tpu.memory_space<hbm>> -> memref<128xi32, #tpu.memory_space<hbm>>
    %dma_start3A_34 = tpu.memref_slice %arg17[%dma_start3A_27] : memref<4x!tpu.dma_semaphore, #tpu.memory_space<semaphore_mem>> -> memref<1x!tpu.dma_semaphore, #tpu.memory_space<semaphore_mem>>
    %dma_start3A_35 = tpu.memref_squeeze %dma_start3A_34 : memref<1x!tpu.dma_semaphore, #tpu.memory_space<semaphore_mem>> -> memref<!tpu.dma_semaphore, #tpu.memory_space<semaphore_mem>>
    %dma_start3A_36 = arith.constant 0 : i32
    %dma_start3A_37 = tpu.memref_slice %arg13[%dma_start3A_26, %dma_start3A_36] : memref<4x128xi32, #tpu.memory_space<vmem>> -> memref<1x128xi32, #tpu.memory_space<vmem>>
    %dma_start3A_38 = tpu.memref_squeeze %dma_start3A_37 : memref<1x128xi32, #tpu.memory_space<vmem>> -> memref<128xi32, #tpu.memory_space<vmem>>
    %dma_start3A_39 = arith.constant 0 : i32
    %dma_start3A_40 = tpu.memref_slice %arg4[%add3A_25, %dma_start3A_39] : memref<2560x128xi32, #tpu.memory_space<hbm>> -> memref<1x128xi32, #tpu.memory_space<hbm>>
    %dma_start3A_41 = tpu.memref_squeeze %dma_start3A_40 : memref<1x128xi32, #tpu.memory_space<hbm>> -> memref<128xi32, #tpu.memory_space<hbm>>
    tpu.enqueue_dma source(%dma_start3A_41 : memref<128xi32, #tpu.memory_space<hbm>>) target(%dma_start3A_38 : memref<128xi32, #tpu.memory_space<vmem>>) target_semaphore(%dma_start3A_35 : memref<!tpu.dma_semaphore, #tpu.memory_space<semaphore_mem>>)
    %add3A_42 = arith.constant 1 : i32
    %add3A_43 = arith.addi %mul3A_2, %add3A_42 : i32
    %dma_start3A_44 = arith.constant 1 : i32
    %dma_start3A_45 = arith.constant 1 : i32
    %dma_start3A_46 = arith.constant 0 : i32
    %dma_start3A_47 = tpu.memref_slice %arg12[%dma_start3A_44, %dma_start3A_46] : memref<4x128xi32, #tpu.memory_space<vmem>> -> memref<1x128xi32, #tpu.memory_space<vmem>>
    %dma_start3A_48 = tpu.memref_squeeze %dma_start3A_47 : memref<1x128xi32, #tpu.memory_space<vmem>> -> memref<128xi32, #tpu.memory_space<vmem>>
    %dma_start3A_49 = arith.constant 0 : i32
    %dma_start3A_50 = tpu.memref_slice %arg3[%add3A_43, %dma_start3A_49] : memref<2560x128xi32, #tpu.memory_space<hbm>> -> memref<1x128xi32, #tpu.memory_space<hbm>>
    %dma_start3A_51 = tpu.memref_squeeze %dma_start3A_50 : memref<1x128xi32, #tpu.memory_space<hbm>> -> memref<128xi32, #tpu.memory_space<hbm>>
    %dma_start3A_52 = tpu.memref_slice %arg16[%dma_start3A_45] : memref<4x!tpu.dma_semaphore, #tpu.memory_space<semaphore_mem>> -> memref<1x!tpu.dma_semaphore, #tpu.memory_space<semaphore_mem>>
    %dma_start3A_53 = tpu.memref_squeeze %dma_start3A_52 : memref<1x!tpu.dma_semaphore, #tpu.memory_space<semaphore_mem>> -> memref<!tpu.dma_semaphore, #tpu.memory_space<semaphore_mem>>
    %dma_start3A_54 = arith.constant 0 : i32
    %dma_start3A_55 = tpu.memref_slice %arg12[%dma_start3A_44, %dma_start3A_54] : memref<4x128xi32, #tpu.memory_space<vmem>> -> memref<1x128xi32, #tpu.memory_space<vmem>>
    %dma_start3A_56 = tpu.memref_squeeze %dma_start3A_55 : memref<1x128xi32, #tpu.memory_space<vmem>> -> memref<128xi32, #tpu.memory_space<vmem>>
    %dma_start3A_57 = arith.constant 0 : i32
    %dma_start3A_58 = tpu.memref_slice %arg3[%add3A_43, %dma_start3A_57] : memref<2560x128xi32, #tpu.memory_space<hbm>> -> memref<1x128xi32, #tpu.memory_space<hbm>>
    %dma_start3A_59 = tpu.memref_squeeze %dma_start3A_58 : memref<1x128xi32, #tpu.memory_space<hbm>> -> memref<128xi32, #tpu.memory_space<hbm>>
    tpu.enqueue_dma source(%dma_start3A_59 : memref<128xi32, #tpu.memory_space<hbm>>) target(%dma_start3A_56 : memref<128xi32, #tpu.memory_space<vmem>>) target_semaphore(%dma_start3A_53 : memref<!tpu.dma_semaphore, #tpu.memory_space<semaphore_mem>>)
    %add3A_60 = arith.constant 1 : i32
    %add3A_61 = arith.addi %mul3A_2, %add3A_60 : i32
    %dma_start3A_62 = arith.constant 1 : i32
    %dma_start3A_63 = arith.constant 1 : i32
    %dma_start3A_64 = arith.constant 0 : i32
    %dma_start3A_65 = tpu.memref_slice %arg13[%dma_start3A_62, %dma_start3A_64] : memref<4x128xi32, #tpu.memory_space<vmem>> -> memref<1x128xi32, #tpu.memory_space<vmem>>
    %dma_start3A_66 = tpu.memref_squeeze %dma_start3A_65 : memref<1x128xi32, #tpu.memory_space<vmem>> -> memref<128xi32, #tpu.memory_space<vmem>>
    %dma_start3A_67 = arith.constant 0 : i32
    %dma_start3A_68 = tpu.memref_slice %arg4[%add3A_61, %dma_start3A_67] : memref<2560x128xi32, #tpu.memory_space<hbm>> -> memref<1x128xi32, #tpu.memory_space<hbm>>
    %dma_start3A_69 = tpu.memref_squeeze %dma_start3A_68 : memref<1x128xi32, #tpu.memory_space<hbm>> -> memref<128xi32, #tpu.memory_space<hbm>>
    %dma_start3A_70 = tpu.memref_slice %arg17[%dma_start3A_63] : memref<4x!tpu.dma_semaphore, #tpu.memory_space<semaphore_mem>> -> memref<1x!tpu.dma_semaphore, #tpu.memory_space<semaphore_mem>>
    %dma_start3A_71 = tpu.memref_squeeze %dma_start3A_70 : memref<1x!tpu.dma_semaphore, #tpu.memory_space<semaphore_mem>> -> memref<!tpu.dma_semaphore, #tpu.memory_space<semaphore_mem>>
    %dma_start3A_72 = arith.constant 0 : i32
    %dma_start3A_73 = tpu.memref_slice %arg13[%dma_start3A_62, %dma_start3A_72] : memref<4x128xi32, #tpu.memory_space<vmem>> -> memref<1x128xi32, #tpu.memory_space<vmem>>
    %dma_start3A_74 = tpu.memref_squeeze %dma_start3A_73 : memref<1x128xi32, #tpu.memory_space<vmem>> -> memref<128xi32, #tpu.memory_space<vmem>>
    %dma_start3A_75 = arith.constant 0 : i32
    %dma_start3A_76 = tpu.memref_slice %arg4[%add3A_61, %dma_start3A_75] : memref<2560x128xi32, #tpu.memory_space<hbm>> -> memref<1x128xi32, #tpu.memory_space<hbm>>
    %dma_start3A_77 = tpu.memref_squeeze %dma_start3A_76 : memref<1x128xi32, #tpu.memory_space<hbm>> -> memref<128xi32, #tpu.memory_space<hbm>>
    tpu.enqueue_dma source(%dma_start3A_77 : memref<128xi32, #tpu.memory_space<hbm>>) target(%dma_start3A_74 : memref<128xi32, #tpu.memory_space<vmem>>) target_semaphore(%dma_start3A_71 : memref<!tpu.dma_semaphore, #tpu.memory_space<semaphore_mem>>)
    %add3A_78 = arith.constant 2 : i32
    %add3A_79 = arith.addi %mul3A_2, %add3A_78 : i32
    %dma_start3A_80 = arith.constant 2 : i32
    %dma_start3A_81 = arith.constant 2 : i32
    %dma_start3A_82 = arith.constant 0 : i32
    %dma_start3A_83 = tpu.memref_slice %arg12[%dma_start3A_80, %dma_start3A_82] : memref<4x128xi32, #tpu.memory_space<vmem>> -> memref<1x128xi32, #tpu.memory_space<vmem>>
    %dma_start3A_84 = tpu.memref_squeeze %dma_start3A_83 : memref<1x128xi32, #tpu.memory_space<vmem>> -> memref<128xi32, #tpu.memory_space<vmem>>
    %dma_start3A_85 = arith.constant 0 : i32
    %dma_start3A_86 = tpu.memref_slice %arg3[%add3A_79, %dma_start3A_85] : memref<2560x128xi32, #tpu.memory_space<hbm>> -> memref<1x128xi32, #tpu.memory_space<hbm>>
    %dma_start3A_87 = tpu.memref_squeeze %dma_start3A_86 : memref<1x128xi32, #tpu.memory_space<hbm>> -> memref<128xi32, #tpu.memory_space<hbm>>
    %dma_start3A_88 = tpu.memref_slice %arg16[%dma_start3A_81] : memref<4x!tpu.dma_semaphore, #tpu.memory_space<semaphore_mem>> -> memref<1x!tpu.dma_semaphore, #tpu.memory_space<semaphore_mem>>
    %dma_start3A_89 = tpu.memref_squeeze %dma_start3A_88 : memref<1x!tpu.dma_semaphore, #tpu.memory_space<semaphore_mem>> -> memref<!tpu.dma_semaphore, #tpu.memory_space<semaphore_mem>>
    %dma_start3A_90 = arith.constant 0 : i32
    %dma_start3A_91 = tpu.memref_slice %arg12[%dma_start3A_80, %dma_start3A_90] : memref<4x128xi32, #tpu.memory_space<vmem>> -> memref<1x128xi32, #tpu.memory_space<vmem>>
    %dma_start3A_92 = tpu.memref_squeeze %dma_start3A_91 : memref<1x128xi32, #tpu.memory_space<vmem>> -> memref<128xi32, #tpu.memory_space<vmem>>
    %dma_start3A_93 = arith.constant 0 : i32
    %dma_start3A_94 = tpu.memref_slice %arg3[%add3A_79, %dma_start3A_93] : memref<2560x128xi32, #tpu.memory_space<hbm>> -> memref<1x128xi32, #tpu.memory_space<hbm>>
    %dma_start3A_95 = tpu.memref_squeeze %dma_start3A_94 : memref<1x128xi32, #tpu.memory_space<hbm>> -> memref<128xi32, #tpu.memory_space<hbm>>
    tpu.enqueue_dma source(%dma_start3A_95 : memref<128xi32, #tpu.memory_space<hbm>>) target(%dma_start3A_92 : memref<128xi32, #tpu.memory_space<vmem>>) target_semaphore(%dma_start3A_89 : memref<!tpu.dma_semaphore, #tpu.memory_space<semaphore_mem>>)
    %add3A_96 = arith.constant 2 : i32
    %add3A_97 = arith.addi %mul3A_2, %add3A_96 : i32
    %dma_start3A_98 = arith.constant 2 : i32
    %dma_start3A_99 = arith.constant 2 : i32
    %dma_start3A_100 = arith.constant 0 : i32
    %dma_start3A_101 = tpu.memref_slice %arg13[%dma_start3A_98, %dma_start3A_100] : memref<4x128xi32, #tpu.memory_space<vmem>> -> memref<1x128xi32, #tpu.memory_space<vmem>>
    %dma_start3A_102 = tpu.memref_squeeze %dma_start3A_101 : memref<1x128xi32, #tpu.memory_space<vmem>> -> memref<128xi32, #tpu.memory_space<vmem>>
    %dma_start3A_103 = arith.constant 0 : i32
    %dma_start3A_104 = tpu.memref_slice %arg4[%add3A_97, %dma_start3A_103] : memref<2560x128xi32, #tpu.memory_space<hbm>> -> memref<1x128xi32, #tpu.memory_space<hbm>>
    %dma_start3A_105 = tpu.memref_squeeze %dma_start3A_104 : memref<1x128xi32, #tpu.memory_space<hbm>> -> memref<128xi32, #tpu.memory_space<hbm>>
    %dma_start3A_106 = tpu.memref_slice %arg17[%dma_start3A_99] : memref<4x!tpu.dma_semaphore, #tpu.memory_space<semaphore_mem>> -> memref<1x!tpu.dma_semaphore, #tpu.memory_space<semaphore_mem>>
    %dma_start3A_107 = tpu.memref_squeeze %dma_start3A_106 : memref<1x!tpu.dma_semaphore, #tpu.memory_space<semaphore_mem>> -> memref<!tpu.dma_semaphore, #tpu.memory_space<semaphore_mem>>
    %dma_start3A_108 = arith.constant 0 : i32
    %dma_start3A_109 = tpu.memref_slice %arg13[%dma_start3A_98, %dma_start3A_108] : memref<4x128xi32, #tpu.memory_space<vmem>> -> memref<1x128xi32, #tpu.memory_space<vmem>>
    %dma_start3A_110 = tpu.memref_squeeze %dma_start3A_109 : memref<1x128xi32, #tpu.memory_space<vmem>> -> memref<128xi32, #tpu.memory_space<vmem>>
    %dma_start3A_111 = arith.constant 0 : i32
    %dma_start3A_112 = tpu.memref_slice %arg4[%add3A_97, %dma_start3A_111] : memref<2560x128xi32, #tpu.memory_space<hbm>> -> memref<1x128xi32, #tpu.memory_space<hbm>>
    %dma_start3A_113 = tpu.memref_squeeze %dma_start3A_112 : memref<1x128xi32, #tpu.memory_space<hbm>> -> memref<128xi32, #tpu.memory_space<hbm>>
    tpu.enqueue_dma source(%dma_start3A_113 : memref<128xi32, #tpu.memory_space<hbm>>) target(%dma_start3A_110 : memref<128xi32, #tpu.memory_space<vmem>>) target_semaphore(%dma_start3A_107 : memref<!tpu.dma_semaphore, #tpu.memory_space<semaphore_mem>>)
    %add3A_114 = arith.constant 0 : i32
    %add3A_115 = arith.addi %mul3A_2, %add3A_114 : i32
    %dma_wait3A = arith.constant 0 : i32
    %dma_wait3A_116 = arith.constant 0 : i32
    %dma_wait3A_117 = arith.constant 0 : i32
    %dma_wait3A_118 = tpu.memref_slice %arg12[%dma_wait3A, %dma_wait3A_117] : memref<4x128xi32, #tpu.memory_space<vmem>> -> memref<1x128xi32, #tpu.memory_space<vmem>>
    %dma_wait3A_119 = tpu.memref_squeeze %dma_wait3A_118 : memref<1x128xi32, #tpu.memory_space<vmem>> -> memref<128xi32, #tpu.memory_space<vmem>>
    %dma_wait3A_120 = arith.constant 0 : i32
    %dma_wait3A_121 = tpu.memref_slice %arg3[%add3A_115, %dma_wait3A_120] : memref<2560x128xi32, #tpu.memory_space<hbm>> -> memref<1x128xi32, #tpu.memory_space<hbm>>
    %dma_wait3A_122 = tpu.memref_squeeze %dma_wait3A_121 : memref<1x128xi32, #tpu.memory_space<hbm>> -> memref<128xi32, #tpu.memory_space<hbm>>
    %dma_wait3A_123 = tpu.memref_slice %arg16[%dma_wait3A_116] : memref<4x!tpu.dma_semaphore, #tpu.memory_space<semaphore_mem>> -> memref<1x!tpu.dma_semaphore, #tpu.memory_space<semaphore_mem>>
    %dma_wait3A_124 = tpu.memref_squeeze %dma_wait3A_123 : memref<1x!tpu.dma_semaphore, #tpu.memory_space<semaphore_mem>> -> memref<!tpu.dma_semaphore, #tpu.memory_space<semaphore_mem>>
    %dma_wait3A_125 = arith.constant 0 : i32
    %dma_wait3A_126 = tpu.memref_slice %arg12[%dma_wait3A, %dma_wait3A_125] : memref<4x128xi32, #tpu.memory_space<vmem>> -> memref<1x128xi32, #tpu.memory_space<vmem>>
    %dma_wait3A_127 = tpu.memref_squeeze %dma_wait3A_126 : memref<1x128xi32, #tpu.memory_space<vmem>> -> memref<128xi32, #tpu.memory_space<vmem>>
    %dma_wait3A_128 = arith.constant 0 : i32
    %dma_wait3A_129 = tpu.memref_slice %arg3[%add3A_115, %dma_wait3A_128] : memref<2560x128xi32, #tpu.memory_space<hbm>> -> memref<1x128xi32, #tpu.memory_space<hbm>>
    %dma_wait3A_130 = tpu.memref_squeeze %dma_wait3A_129 : memref<1x128xi32, #tpu.memory_space<hbm>> -> memref<128xi32, #tpu.memory_space<hbm>>
    tpu.wait_dma2 semaphore(%dma_wait3A_124 : memref<!tpu.dma_semaphore, #tpu.memory_space<semaphore_mem>>) src(%dma_wait3A_130 : memref<128xi32, #tpu.memory_space<hbm>>) dst(%dma_wait3A_127 : memref<128xi32, #tpu.memory_space<vmem>>)
    %add3A_131 = arith.constant 0 : i32
    %add3A_132 = arith.addi %mul3A_2, %add3A_131 : i32
    %dma_wait3A_133 = arith.constant 0 : i32
    %dma_wait3A_134 = arith.constant 0 : i32
    %dma_wait3A_135 = arith.constant 0 : i32
    %dma_wait3A_136 = tpu.memref_slice %arg13[%dma_wait3A_133, %dma_wait3A_135] : memref<4x128xi32, #tpu.memory_space<vmem>> -> memref<1x128xi32, #tpu.memory_space<vmem>>
    %dma_wait3A_137 = tpu.memref_squeeze %dma_wait3A_136 : memref<1x128xi32, #tpu.memory_space<vmem>> -> memref<128xi32, #tpu.memory_space<vmem>>
    %dma_wait3A_138 = arith.constant 0 : i32
    %dma_wait3A_139 = tpu.memref_slice %arg4[%add3A_132, %dma_wait3A_138] : memref<2560x128xi32, #tpu.memory_space<hbm>> -> memref<1x128xi32, #tpu.memory_space<hbm>>
    %dma_wait3A_140 = tpu.memref_squeeze %dma_wait3A_139 : memref<1x128xi32, #tpu.memory_space<hbm>> -> memref<128xi32, #tpu.memory_space<hbm>>
    %dma_wait3A_141 = tpu.memref_slice %arg17[%dma_wait3A_134] : memref<4x!tpu.dma_semaphore, #tpu.memory_space<semaphore_mem>> -> memref<1x!tpu.dma_semaphore, #tpu.memory_space<semaphore_mem>>
    %dma_wait3A_142 = tpu.memref_squeeze %dma_wait3A_141 : memref<1x!tpu.dma_semaphore, #tpu.memory_space<semaphore_mem>> -> memref<!tpu.dma_semaphore, #tpu.memory_space<semaphore_mem>>
    %dma_wait3A_143 = arith.constant 0 : i32
    %dma_wait3A_144 = tpu.memref_slice %arg13[%dma_wait3A_133, %dma_wait3A_143] : memref<4x128xi32, #tpu.memory_space<vmem>> -> memref<1x128xi32, #tpu.memory_space<vmem>>
    %dma_wait3A_145 = tpu.memref_squeeze %dma_wait3A_144 : memref<1x128xi32, #tpu.memory_space<vmem>> -> memref<128xi32, #tpu.memory_space<vmem>>
    %dma_wait3A_146 = arith.constant 0 : i32
    %dma_wait3A_147 = tpu.memref_slice %arg4[%add3A_132, %dma_wait3A_146] : memref<2560x128xi32, #tpu.memory_space<hbm>> -> memref<1x128xi32, #tpu.memory_space<hbm>>
    %dma_wait3A_148 = tpu.memref_squeeze %dma_wait3A_147 : memref<1x128xi32, #tpu.memory_space<hbm>> -> memref<128xi32, #tpu.memory_space<hbm>>
    tpu.wait_dma2 semaphore(%dma_wait3A_142 : memref<!tpu.dma_semaphore, #tpu.memory_space<semaphore_mem>>) src(%dma_wait3A_148 : memref<128xi32, #tpu.memory_space<hbm>>) dst(%dma_wait3A_145 : memref<128xi32, #tpu.memory_space<vmem>>)
    %dma_start3A_149 = arith.constant 0 : i32
    %dma_start3A_150 = arith.constant 0 : i32
    %dma_start3A_151 = arith.constant 0 : i32
    %dma_start3A_152 = arith.constant 0 : i32
    %dma_start3A_153 = arith.constant 0 : i32
    %dma_start3A_154 = tpu.memref_slice %arg14[%dma_start3A_150, %dma_start3A_152, %dma_start3A_153] : memref<2x128x128xf32, #tpu.memory_space<vmem>> -> memref<1x128x128xf32, #tpu.memory_space<vmem>>
    %dma_start3A_155 = tpu.memref_squeeze %dma_start3A_154 : memref<1x128x128xf32, #tpu.memory_space<vmem>> -> memref<128x128xf32, #tpu.memory_space<vmem>>
    %dma_start3A_156 = arith.constant 0 : i32
    %dma_start3A_157 = tpu.memref_slice %arg12[%dma_start3A_149, %dma_start3A_156] : memref<4x128xi32, #tpu.memory_space<vmem>> -> memref<1x128xi32, #tpu.memory_space<vmem>>
    %dma_start3A_158 = tpu.memref_squeeze %dma_start3A_157 : memref<1x128xi32, #tpu.memory_space<vmem>> -> memref<128xi32, #tpu.memory_space<vmem>>
    %dma_start3A_159 = arith.constant 0 : i32
    %dma_start3A_160 = arith.constant 0 : i32
    %dma_start3A_161 = tpu.memref_slice %arg2[%dma_start3A_159, %dma_start3A_160] : memref<10240x128xf32, #tpu.memory_space<hbm>> -> memref<10240x128xf32, #tpu.memory_space<hbm>>
    %dma_start3A_162 = tpu.memref_slice %arg18[%dma_start3A_151] : memref<2x!tpu.dma_semaphore, #tpu.memory_space<semaphore_mem>> -> memref<1x!tpu.dma_semaphore, #tpu.memory_space<semaphore_mem>>
    %dma_start3A_163 = tpu.memref_squeeze %dma_start3A_162 : memref<1x!tpu.dma_semaphore, #tpu.memory_space<semaphore_mem>> -> memref<!tpu.dma_semaphore, #tpu.memory_space<semaphore_mem>>
    tpu.enqueue_indirect_dma source(%dma_start3A_161 : memref<10240x128xf32, #tpu.memory_space<hbm>>) target(%dma_start3A_155 : memref<128x128xf32, #tpu.memory_space<vmem>>) offsets(%dma_start3A_158 : memref<128xi32, #tpu.memory_space<vmem>>) semaphore(%dma_start3A_163 : memref<!tpu.dma_semaphore, #tpu.memory_space<semaphore_mem>>)
    %dma_start3A_164 = arith.constant 0 : i32
    %dma_start3A_165 = arith.constant 0 : i32
    %dma_start3A_166 = arith.constant 0 : i32
    %dma_start3A_167 = arith.constant 0 : i32
    %dma_start3A_168 = tpu.memref_slice %arg15[%dma_start3A_165, %dma_start3A_167] : memref<2x128xf32, #tpu.memory_space<vmem>> -> memref<1x128xf32, #tpu.memory_space<vmem>>
    %dma_start3A_169 = tpu.memref_squeeze %dma_start3A_168 : memref<1x128xf32, #tpu.memory_space<vmem>> -> memref<128xf32, #tpu.memory_space<vmem>>
    %dma_start3A_170 = arith.constant 0 : i32
    %dma_start3A_171 = tpu.memref_slice %arg13[%dma_start3A_164, %dma_start3A_170] : memref<4x128xi32, #tpu.memory_space<vmem>> -> memref<1x128xi32, #tpu.memory_space<vmem>>
    %dma_start3A_172 = tpu.memref_squeeze %dma_start3A_171 : memref<1x128xi32, #tpu.memory_space<vmem>> -> memref<128xi32, #tpu.memory_space<vmem>>
    %dma_start3A_173 = arith.constant 0 : i32
    %dma_start3A_174 = tpu.memref_slice %arg5[%dma_start3A_173] : memref<10240xf32, #tpu.memory_space<hbm>> -> memref<10240xf32, #tpu.memory_space<hbm>>
    %dma_start3A_175 = tpu.memref_slice %arg19[%dma_start3A_166] : memref<2x!tpu.dma_semaphore, #tpu.memory_space<semaphore_mem>> -> memref<1x!tpu.dma_semaphore, #tpu.memory_space<semaphore_mem>>
    %dma_start3A_176 = tpu.memref_squeeze %dma_start3A_175 : memref<1x!tpu.dma_semaphore, #tpu.memory_space<semaphore_mem>> -> memref<!tpu.dma_semaphore, #tpu.memory_space<semaphore_mem>>
    tpu.enqueue_indirect_dma source(%dma_start3A_174 : memref<10240xf32, #tpu.memory_space<hbm>>) target(%dma_start3A_169 : memref<128xf32, #tpu.memory_space<vmem>>) offsets(%dma_start3A_172 : memref<128xi32, #tpu.memory_space<vmem>>) semaphore(%dma_start3A_176 : memref<!tpu.dma_semaphore, #tpu.memory_space<semaphore_mem>>)
    %scan3A = arith.constant 0 : i32
    %scan3A_177 = arith.constant 0 : i32
    %scan3A_178 = arith.constant 20 : i32
    %scan3A_179 = arith.addi %scan3A_177, %scan3A_178 : i32
    %scan3A_180 = arith.constant 1 : i32
    scf.for %scan3A_193 = %scan3A_177 to %scan3A_179 step %scan3A_180  : i32 {
      %mul3A_194 = arith.constant 4 : i32
      %mul3A_195 = arith.muli %scan3A_193, %mul3A_194 : i32
      %add3A_196 = arith.constant 0 : i32
      %add3A_197 = arith.addi %mul3A_195, %add3A_196 : i32
      %add3A_198 = arith.constant 3 : i32
      %add3A_199 = arith.addi %add3A_197, %add3A_198 : i32
      %add3A_200 = arith.addi %mul3A_2, %add3A_199 : i32
      %dma_start3A_201 = arith.constant 3 : i32
      %dma_start3A_202 = arith.constant 3 : i32
      %dma_start3A_203 = arith.constant 0 : i32
      %dma_start3A_204 = tpu.memref_slice %arg12[%dma_start3A_201, %dma_start3A_203] : memref<4x128xi32, #tpu.memory_space<vmem>> -> memref<1x128xi32, #tpu.memory_space<vmem>>
      %dma_start3A_205 = tpu.memref_squeeze %dma_start3A_204 : memref<1x128xi32, #tpu.memory_space<vmem>> -> memref<128xi32, #tpu.memory_space<vmem>>
      %dma_start3A_206 = arith.constant 0 : i32
      %dma_start3A_207 = tpu.memref_slice %arg3[%add3A_200, %dma_start3A_206] : memref<2560x128xi32, #tpu.memory_space<hbm>> -> memref<1x128xi32, #tpu.memory_space<hbm>>
      %dma_start3A_208 = tpu.memref_squeeze %dma_start3A_207 : memref<1x128xi32, #tpu.memory_space<hbm>> -> memref<128xi32, #tpu.memory_space<hbm>>
      %dma_start3A_209 = tpu.memref_slice %arg16[%dma_start3A_202] : memref<4x!tpu.dma_semaphore, #tpu.memory_space<semaphore_mem>> -> memref<1x!tpu.dma_semaphore, #tpu.memory_space<semaphore_mem>>
      %dma_start3A_210 = tpu.memref_squeeze %dma_start3A_209 : memref<1x!tpu.dma_semaphore, #tpu.memory_space<semaphore_mem>> -> memref<!tpu.dma_semaphore, #tpu.memory_space<semaphore_mem>>
      %dma_start3A_211 = arith.constant 0 : i32
      %dma_start3A_212 = tpu.memref_slice %arg12[%dma_start3A_201, %dma_start3A_211] : memref<4x128xi32, #tpu.memory_space<vmem>> -> memref<1x128xi32, #tpu.memory_space<vmem>>
      %dma_start3A_213 = tpu.memref_squeeze %dma_start3A_212 : memref<1x128xi32, #tpu.memory_space<vmem>> -> memref<128xi32, #tpu.memory_space<vmem>>
      %dma_start3A_214 = arith.constant 0 : i32
      %dma_start3A_215 = tpu.memref_slice %arg3[%add3A_200, %dma_start3A_214] : memref<2560x128xi32, #tpu.memory_space<hbm>> -> memref<1x128xi32, #tpu.memory_space<hbm>>
      %dma_start3A_216 = tpu.memref_squeeze %dma_start3A_215 : memref<1x128xi32, #tpu.memory_space<hbm>> -> memref<128xi32, #tpu.memory_space<hbm>>
      tpu.enqueue_dma source(%dma_start3A_216 : memref<128xi32, #tpu.memory_space<hbm>>) target(%dma_start3A_213 : memref<128xi32, #tpu.memory_space<vmem>>) target_semaphore(%dma_start3A_210 : memref<!tpu.dma_semaphore, #tpu.memory_space<semaphore_mem>>)
      %add3A_217 = arith.addi %mul3A_2, %add3A_199 : i32
      %dma_start3A_218 = arith.constant 3 : i32
      %dma_start3A_219 = arith.constant 3 : i32
      %dma_start3A_220 = arith.constant 0 : i32
      %dma_start3A_221 = tpu.memref_slice %arg13[%dma_start3A_218, %dma_start3A_220] : memref<4x128xi32, #tpu.memory_space<vmem>> -> memref<1x128xi32, #tpu.memory_space<vmem>>
      %dma_start3A_222 = tpu.memref_squeeze %dma_start3A_221 : memref<1x128xi32, #tpu.memory_space<vmem>> -> memref<128xi32, #tpu.memory_space<vmem>>
      %dma_start3A_223 = arith.constant 0 : i32
      %dma_start3A_224 = tpu.memref_slice %arg4[%add3A_217, %dma_start3A_223] : memref<2560x128xi32, #tpu.memory_space<hbm>> -> memref<1x128xi32, #tpu.memory_space<hbm>>
      %dma_start3A_225 = tpu.memref_squeeze %dma_start3A_224 : memref<1x128xi32, #tpu.memory_space<hbm>> -> memref<128xi32, #tpu.memory_space<hbm>>
      %dma_start3A_226 = tpu.memref_slice %arg17[%dma_start3A_219] : memref<4x!tpu.dma_semaphore, #tpu.memory_space<semaphore_mem>> -> memref<1x!tpu.dma_semaphore, #tpu.memory_space<semaphore_mem>>
      %dma_start3A_227 = tpu.memref_squeeze %dma_start3A_226 : memref<1x!tpu.dma_semaphore, #tpu.memory_space<semaphore_mem>> -> memref<!tpu.dma_semaphore, #tpu.memory_space<semaphore_mem>>
      %dma_start3A_228 = arith.constant 0 : i32
      %dma_start3A_229 = tpu.memref_slice %arg13[%dma_start3A_218, %dma_start3A_228] : memref<4x128xi32, #tpu.memory_space<vmem>> -> memref<1x128xi32, #tpu.memory_space<vmem>>
      %dma_start3A_230 = tpu.memref_squeeze %dma_start3A_229 : memref<1x128xi32, #tpu.memory_space<vmem>> -> memref<128xi32, #tpu.memory_space<vmem>>
      %dma_start3A_231 = arith.constant 0 : i32
      %dma_start3A_232 = tpu.memref_slice %arg4[%add3A_217, %dma_start3A_231] : memref<2560x128xi32, #tpu.memory_space<hbm>> -> memref<1x128xi32, #tpu.memory_space<hbm>>
      %dma_start3A_233 = tpu.memref_squeeze %dma_start3A_232 : memref<1x128xi32, #tpu.memory_space<hbm>> -> memref<128xi32, #tpu.memory_space<hbm>>
      tpu.enqueue_dma source(%dma_start3A_233 : memref<128xi32, #tpu.memory_space<hbm>>) target(%dma_start3A_230 : memref<128xi32, #tpu.memory_space<vmem>>) target_semaphore(%dma_start3A_227 : memref<!tpu.dma_semaphore, #tpu.memory_space<semaphore_mem>>)
      %dma_wait3A_234 = arith.constant 0 : i32
      %dma_wait3A_235 = arith.constant 0 : i32
      %dma_wait3A_236 = arith.constant 0 : i32
      %dma_wait3A_237 = arith.constant 0 : i32
      %dma_wait3A_238 = arith.constant 0 : i32
      %dma_wait3A_239 = tpu.memref_slice %arg14[%dma_wait3A_235, %dma_wait3A_237, %dma_wait3A_238] : memref<2x128x128xf32, #tpu.memory_space<vmem>> -> memref<1x128x128xf32, #tpu.memory_space<vmem>>
      %dma_wait3A_240 = tpu.memref_squeeze %dma_wait3A_239 : memref<1x128x128xf32, #tpu.memory_space<vmem>> -> memref<128x128xf32, #tpu.memory_space<vmem>>
      %dma_wait3A_241 = arith.constant 0 : i32
      %dma_wait3A_242 = tpu.memref_slice %arg12[%dma_wait3A_234, %dma_wait3A_241] : memref<4x128xi32, #tpu.memory_space<vmem>> -> memref<1x128xi32, #tpu.memory_space<vmem>>
      %dma_wait3A_243 = tpu.memref_squeeze %dma_wait3A_242 : memref<1x128xi32, #tpu.memory_space<vmem>> -> memref<128xi32, #tpu.memory_space<vmem>>
      %dma_wait3A_244 = arith.constant 0 : i32
      %dma_wait3A_245 = arith.constant 0 : i32
      %dma_wait3A_246 = tpu.memref_slice %arg2[%dma_wait3A_244, %dma_wait3A_245] : memref<10240x128xf32, #tpu.memory_space<hbm>> -> memref<10240x128xf32, #tpu.memory_space<hbm>>
      %dma_wait3A_247 = tpu.memref_slice %arg18[%dma_wait3A_236] : memref<2x!tpu.dma_semaphore, #tpu.memory_space<semaphore_mem>> -> memref<1x!tpu.dma_semaphore, #tpu.memory_space<semaphore_mem>>
      %dma_wait3A_248 = tpu.memref_squeeze %dma_wait3A_247 : memref<1x!tpu.dma_semaphore, #tpu.memory_space<semaphore_mem>> -> memref<!tpu.dma_semaphore, #tpu.memory_space<semaphore_mem>>
      tpu.wait_indirect_dma semaphore(%dma_wait3A_248 : memref<!tpu.dma_semaphore, #tpu.memory_space<semaphore_mem>>) src(%dma_wait3A_246 : memref<10240x128xf32, #tpu.memory_space<hbm>>) dst(%dma_wait3A_240 : memref<128x128xf32, #tpu.memory_space<vmem>>)
      %dma_wait3A_249 = arith.constant 0 : i32
      %dma_wait3A_250 = arith.constant 0 : i32
      %dma_wait3A_251 = arith.constant 0 : i32
      %dma_wait3A_252 = arith.constant 0 : i32
      %dma_wait3A_253 = tpu.memref_slice %arg15[%dma_wait3A_250, %dma_wait3A_252] : memref<2x128xf32, #tpu.memory_space<vmem>> -> memref<1x128xf32, #tpu.memory_space<vmem>>
      %dma_wait3A_254 = tpu.memref_squeeze %dma_wait3A_253 : memref<1x128xf32, #tpu.memory_space<vmem>> -> memref<128xf32, #tpu.memory_space<vmem>>
      %dma_wait3A_255 = arith.constant 0 : i32
      %dma_wait3A_256 = tpu.memref_slice %arg13[%dma_wait3A_249, %dma_wait3A_255] : memref<4x128xi32, #tpu.memory_space<vmem>> -> memref<1x128xi32, #tpu.memory_space<vmem>>
      %dma_wait3A_257 = tpu.memref_squeeze %dma_wait3A_256 : memref<1x128xi32, #tpu.memory_space<vmem>> -> memref<128xi32, #tpu.memory_space<vmem>>
      %dma_wait3A_258 = arith.constant 0 : i32
      %dma_wait3A_259 = tpu.memref_slice %arg5[%dma_wait3A_258] : memref<10240xf32, #tpu.memory_space<hbm>> -> memref<10240xf32, #tpu.memory_space<hbm>>
      %dma_wait3A_260 = tpu.memref_slice %arg19[%dma_wait3A_251] : memref<2x!tpu.dma_semaphore, #tpu.memory_space<semaphore_mem>> -> memref<1x!tpu.dma_semaphore, #tpu.memory_space<semaphore_mem>>
      %dma_wait3A_261 = tpu.memref_squeeze %dma_wait3A_260 : memref<1x!tpu.dma_semaphore, #tpu.memory_space<semaphore_mem>> -> memref<!tpu.dma_semaphore, #tpu.memory_space<semaphore_mem>>
      tpu.wait_indirect_dma semaphore(%dma_wait3A_261 : memref<!tpu.dma_semaphore, #tpu.memory_space<semaphore_mem>>) src(%dma_wait3A_259 : memref<10240xf32, #tpu.memory_space<hbm>>) dst(%dma_wait3A_254 : memref<128xf32, #tpu.memory_space<vmem>>)
      %add3A_262 = arith.constant 1 : i32
      %add3A_263 = arith.addi %add3A_197, %add3A_262 : i32
      %add3A_264 = arith.addi %mul3A_2, %add3A_263 : i32
      %dma_wait3A_265 = arith.constant 1 : i32
      %dma_wait3A_266 = arith.constant 1 : i32
      %dma_wait3A_267 = arith.constant 0 : i32
      %dma_wait3A_268 = tpu.memref_slice %arg12[%dma_wait3A_265, %dma_wait3A_267] : memref<4x128xi32, #tpu.memory_space<vmem>> -> memref<1x128xi32, #tpu.memory_space<vmem>>
      %dma_wait3A_269 = tpu.memref_squeeze %dma_wait3A_268 : memref<1x128xi32, #tpu.memory_space<vmem>> -> memref<128xi32, #tpu.memory_space<vmem>>
      %dma_wait3A_270 = arith.constant 0 : i32
      %dma_wait3A_271 = tpu.memref_slice %arg3[%add3A_264, %dma_wait3A_270] : memref<2560x128xi32, #tpu.memory_space<hbm>> -> memref<1x128xi32, #tpu.memory_space<hbm>>
      %dma_wait3A_272 = tpu.memref_squeeze %dma_wait3A_271 : memref<1x128xi32, #tpu.memory_space<hbm>> -> memref<128xi32, #tpu.memory_space<hbm>>
      %dma_wait3A_273 = tpu.memref_slice %arg16[%dma_wait3A_266] : memref<4x!tpu.dma_semaphore, #tpu.memory_space<semaphore_mem>> -> memref<1x!tpu.dma_semaphore, #tpu.memory_space<semaphore_mem>>
      %dma_wait3A_274 = tpu.memref_squeeze %dma_wait3A_273 : memref<1x!tpu.dma_semaphore, #tpu.memory_space<semaphore_mem>> -> memref<!tpu.dma_semaphore, #tpu.memory_space<semaphore_mem>>
      %dma_wait3A_275 = arith.constant 0 : i32
      %dma_wait3A_276 = tpu.memref_slice %arg12[%dma_wait3A_265, %dma_wait3A_275] : memref<4x128xi32, #tpu.memory_space<vmem>> -> memref<1x128xi32, #tpu.memory_space<vmem>>
      %dma_wait3A_277 = tpu.memref_squeeze %dma_wait3A_276 : memref<1x128xi32, #tpu.memory_space<vmem>> -> memref<128xi32, #tpu.memory_space<vmem>>
      %dma_wait3A_278 = arith.constant 0 : i32
      %dma_wait3A_279 = tpu.memref_slice %arg3[%add3A_264, %dma_wait3A_278] : memref<2560x128xi32, #tpu.memory_space<hbm>> -> memref<1x128xi32, #tpu.memory_space<hbm>>
      %dma_wait3A_280 = tpu.memref_squeeze %dma_wait3A_279 : memref<1x128xi32, #tpu.memory_space<hbm>> -> memref<128xi32, #tpu.memory_space<hbm>>
      tpu.wait_dma2 semaphore(%dma_wait3A_274 : memref<!tpu.dma_semaphore, #tpu.memory_space<semaphore_mem>>) src(%dma_wait3A_280 : memref<128xi32, #tpu.memory_space<hbm>>) dst(%dma_wait3A_277 : memref<128xi32, #tpu.memory_space<vmem>>)
      %add3A_281 = arith.addi %mul3A_2, %add3A_263 : i32
      %dma_wait3A_282 = arith.constant 1 : i32
      %dma_wait3A_283 = arith.constant 1 : i32
      %dma_wait3A_284 = arith.constant 0 : i32
      %dma_wait3A_285 = tpu.memref_slice %arg13[%dma_wait3A_282, %dma_wait3A_284] : memref<4x128xi32, #tpu.memory_space<vmem>> -> memref<1x128xi32, #tpu.memory_space<vmem>>
      %dma_wait3A_286 = tpu.memref_squeeze %dma_wait3A_285 : memref<1x128xi32, #tpu.memory_space<vmem>> -> memref<128xi32, #tpu.memory_space<vmem>>
      %dma_wait3A_287 = arith.constant 0 : i32
      %dma_wait3A_288 = tpu.memref_slice %arg4[%add3A_281, %dma_wait3A_287] : memref<2560x128xi32, #tpu.memory_space<hbm>> -> memref<1x128xi32, #tpu.memory_space<hbm>>
      %dma_wait3A_289 = tpu.memref_squeeze %dma_wait3A_288 : memref<1x128xi32, #tpu.memory_space<hbm>> -> memref<128xi32, #tpu.memory_space<hbm>>
      %dma_wait3A_290 = tpu.memref_slice %arg17[%dma_wait3A_283] : memref<4x!tpu.dma_semaphore, #tpu.memory_space<semaphore_mem>> -> memref<1x!tpu.dma_semaphore, #tpu.memory_space<semaphore_mem>>
      %dma_wait3A_291 = tpu.memref_squeeze %dma_wait3A_290 : memref<1x!tpu.dma_semaphore, #tpu.memory_space<semaphore_mem>> -> memref<!tpu.dma_semaphore, #tpu.memory_space<semaphore_mem>>
      %dma_wait3A_292 = arith.constant 0 : i32
      %dma_wait3A_293 = tpu.memref_slice %arg13[%dma_wait3A_282, %dma_wait3A_292] : memref<4x128xi32, #tpu.memory_space<vmem>> -> memref<1x128xi32, #tpu.memory_space<vmem>>
      %dma_wait3A_294 = tpu.memref_squeeze %dma_wait3A_293 : memref<1x128xi32, #tpu.memory_space<vmem>> -> memref<128xi32, #tpu.memory_space<vmem>>
      %dma_wait3A_295 = arith.constant 0 : i32
      %dma_wait3A_296 = tpu.memref_slice %arg4[%add3A_281, %dma_wait3A_295] : memref<2560x128xi32, #tpu.memory_space<hbm>> -> memref<1x128xi32, #tpu.memory_space<hbm>>
      %dma_wait3A_297 = tpu.memref_squeeze %dma_wait3A_296 : memref<1x128xi32, #tpu.memory_space<hbm>> -> memref<128xi32, #tpu.memory_space<hbm>>
      tpu.wait_dma2 semaphore(%dma_wait3A_291 : memref<!tpu.dma_semaphore, #tpu.memory_space<semaphore_mem>>) src(%dma_wait3A_297 : memref<128xi32, #tpu.memory_space<hbm>>) dst(%dma_wait3A_294 : memref<128xi32, #tpu.memory_space<vmem>>)
      %dma_start3A_298 = arith.constant 1 : i32
      %dma_start3A_299 = arith.constant 1 : i32
      %dma_start3A_300 = arith.constant 1 : i32
      %dma_start3A_301 = arith.constant 0 : i32
      %dma_start3A_302 = arith.constant 0 : i32
      %dma_start3A_303 = tpu.memref_slice %arg14[%dma_start3A_299, %dma_start3A_301, %dma_start3A_302] : memref<2x128x128xf32, #tpu.memory_space<vmem>> -> memref<1x128x128xf32, #tpu.memory_space<vmem>>
      %dma_start3A_304 = tpu.memref_squeeze %dma_start3A_303 : memref<1x128x128xf32, #tpu.memory_space<vmem>> -> memref<128x128xf32, #tpu.memory_space<vmem>>
      %dma_start3A_305 = arith.constant 0 : i32
      %dma_start3A_306 = tpu.memref_slice %arg12[%dma_start3A_298, %dma_start3A_305] : memref<4x128xi32, #tpu.memory_space<vmem>> -> memref<1x128xi32, #tpu.memory_space<vmem>>
      %dma_start3A_307 = tpu.memref_squeeze %dma_start3A_306 : memref<1x128xi32, #tpu.memory_space<vmem>> -> memref<128xi32, #tpu.memory_space<vmem>>
      %dma_start3A_308 = arith.constant 0 : i32
      %dma_start3A_309 = arith.constant 0 : i32
      %dma_start3A_310 = tpu.memref_slice %arg2[%dma_start3A_308, %dma_start3A_309] : memref<10240x128xf32, #tpu.memory_space<hbm>> -> memref<10240x128xf32, #tpu.memory_space<hbm>>
      %dma_start3A_311 = tpu.memref_slice %arg18[%dma_start3A_300] : memref<2x!tpu.dma_semaphore, #tpu.memory_space<semaphore_mem>> -> memref<1x!tpu.dma_semaphore, #tpu.memory_space<semaphore_mem>>
      %dma_start3A_312 = tpu.memref_squeeze %dma_start3A_311 : memref<1x!tpu.dma_semaphore, #tpu.memory_space<semaphore_mem>> -> memref<!tpu.dma_semaphore, #tpu.memory_space<semaphore_mem>>
      tpu.enqueue_indirect_dma source(%dma_start3A_310 : memref<10240x128xf32, #tpu.memory_space<hbm>>) target(%dma_start3A_304 : memref<128x128xf32, #tpu.memory_space<vmem>>) offsets(%dma_start3A_307 : memref<128xi32, #tpu.memory_space<vmem>>) semaphore(%dma_start3A_312 : memref<!tpu.dma_semaphore, #tpu.memory_space<semaphore_mem>>)
      %dma_start3A_313 = arith.constant 1 : i32
      %dma_start3A_314 = arith.constant 1 : i32
      %dma_start3A_315 = arith.constant 1 : i32
      %dma_start3A_316 = arith.constant 0 : i32
      %dma_start3A_317 = tpu.memref_slice %arg15[%dma_start3A_314, %dma_start3A_316] : memref<2x128xf32, #tpu.memory_space<vmem>> -> memref<1x128xf32, #tpu.memory_space<vmem>>
      %dma_start3A_318 = tpu.memref_squeeze %dma_start3A_317 : memref<1x128xf32, #tpu.memory_space<vmem>> -> memref<128xf32, #tpu.memory_space<vmem>>
      %dma_start3A_319 = arith.constant 0 : i32
      %dma_start3A_320 = tpu.memref_slice %arg13[%dma_start3A_313, %dma_start3A_319] : memref<4x128xi32, #tpu.memory_space<vmem>> -> memref<1x128xi32, #tpu.memory_space<vmem>>
      %dma_start3A_321 = tpu.memref_squeeze %dma_start3A_320 : memref<1x128xi32, #tpu.memory_space<vmem>> -> memref<128xi32, #tpu.memory_space<vmem>>
      %dma_start3A_322 = arith.constant 0 : i32
      %dma_start3A_323 = tpu.memref_slice %arg5[%dma_start3A_322] : memref<10240xf32, #tpu.memory_space<hbm>> -> memref<10240xf32, #tpu.memory_space<hbm>>
      %dma_start3A_324 = tpu.memref_slice %arg19[%dma_start3A_315] : memref<2x!tpu.dma_semaphore, #tpu.memory_space<semaphore_mem>> -> memref<1x!tpu.dma_semaphore, #tpu.memory_space<semaphore_mem>>
      %dma_start3A_325 = tpu.memref_squeeze %dma_start3A_324 : memref<1x!tpu.dma_semaphore, #tpu.memory_space<semaphore_mem>> -> memref<!tpu.dma_semaphore, #tpu.memory_space<semaphore_mem>>
      tpu.enqueue_indirect_dma source(%dma_start3A_323 : memref<10240xf32, #tpu.memory_space<hbm>>) target(%dma_start3A_318 : memref<128xf32, #tpu.memory_space<vmem>>) offsets(%dma_start3A_321 : memref<128xi32, #tpu.memory_space<vmem>>) semaphore(%dma_start3A_325 : memref<!tpu.dma_semaphore, #tpu.memory_space<semaphore_mem>>)
      %run_scoped3A = arith.constant 0 : i32
      %run_scoped3A_326 = arith.constant 0 : i32
      "tpu.region"() ({
        %run_scoped3A_584 = tpu.sem_alloc : memref<!tpu.dma_semaphore, #tpu.memory_space<semaphore_mem>>
        %dma_start3A_585 = arith.constant 0 : i32
        %dma_start3A_586 = arith.constant 0 : i32
        %dma_start3A_587 = tpu.memref_slice %arg14[%run_scoped3A, %dma_start3A_585, %dma_start3A_586] : memref<2x128x128xf32, #tpu.memory_space<vmem>> -> memref<1x128x128xf32, #tpu.memory_space<vmem>>
        %dma_start3A_588 = tpu.memref_squeeze %dma_start3A_587 : memref<1x128x128xf32, #tpu.memory_space<vmem>> -> memref<128x128xf32, #tpu.memory_space<vmem>>
        %dma_start3A_589 = arith.constant 0 : i32
        %dma_start3A_590 = tpu.memref_slice %arg13[%run_scoped3A_326, %dma_start3A_589] : memref<4x128xi32, #tpu.memory_space<vmem>> -> memref<1x128xi32, #tpu.memory_space<vmem>>
        %dma_start3A_591 = tpu.memref_squeeze %dma_start3A_590 : memref<1x128xi32, #tpu.memory_space<vmem>> -> memref<128xi32, #tpu.memory_space<vmem>>
        %dma_start3A_592 = arith.constant 0 : i32
        %dma_start3A_593 = arith.constant 0 : i32
        %dma_start3A_594 = tpu.memref_slice %arg10[%dma_start3A_592, %dma_start3A_593] : memref<10240x128xf32, #tpu.memory_space<vmem_shared>> -> memref<10240x128xf32, #tpu.memory_space<vmem_shared>>
        tpu.enqueue_indirect_dma source(%dma_start3A_588 : memref<128x128xf32, #tpu.memory_space<vmem>>) target(%dma_start3A_594 : memref<10240x128xf32, #tpu.memory_space<vmem_shared>>) offsets(%dma_start3A_591 : memref<128xi32, #tpu.memory_space<vmem>>) semaphore(%run_scoped3A_584 : memref<!tpu.dma_semaphore, #tpu.memory_space<semaphore_mem>>) {add = true}
        %dma_wait3A_595 = arith.constant 0 : i32
        %dma_wait3A_596 = arith.constant 0 : i32
        %dma_wait3A_597 = tpu.memref_slice %arg14[%run_scoped3A, %dma_wait3A_595, %dma_wait3A_596] : memref<2x128x128xf32, #tpu.memory_space<vmem>> -> memref<1x128x128xf32, #tpu.memory_space<vmem>>
        %dma_wait3A_598 = tpu.memref_squeeze %dma_wait3A_597 : memref<1x128x128xf32, #tpu.memory_space<vmem>> -> memref<128x128xf32, #tpu.memory_space<vmem>>
        %dma_wait3A_599 = arith.constant 0 : i32
        %dma_wait3A_600 = tpu.memref_slice %arg13[%run_scoped3A_326, %dma_wait3A_599] : memref<4x128xi32, #tpu.memory_space<vmem>> -> memref<1x128xi32, #tpu.memory_space<vmem>>
        %dma_wait3A_601 = tpu.memref_squeeze %dma_wait3A_600 : memref<1x128xi32, #tpu.memory_space<vmem>> -> memref<128xi32, #tpu.memory_space<vmem>>
        %dma_wait3A_602 = arith.constant 0 : i32
        %dma_wait3A_603 = arith.constant 0 : i32
        %dma_wait3A_604 = tpu.memref_slice %arg10[%dma_wait3A_602, %dma_wait3A_603] : memref<10240x128xf32, #tpu.memory_space<vmem_shared>> -> memref<10240x128xf32, #tpu.memory_space<vmem_shared>>
        tpu.wait_indirect_dma semaphore(%run_scoped3A_584 : memref<!tpu.dma_semaphore, #tpu.memory_space<semaphore_mem>>) src(%dma_wait3A_598 : memref<128x128xf32, #tpu.memory_space<vmem>>) dst(%dma_wait3A_604 : memref<10240x128xf32, #tpu.memory_space<vmem_shared>>)
        tpu.yield
      }) : () -> ()
      %run_scoped3A_327 = arith.constant 0 : i32
      %run_scoped3A_328 = arith.constant 0 : i32
      "tpu.region"() ({
        %run_scoped3A_584 = tpu.sem_alloc : memref<!tpu.dma_semaphore, #tpu.memory_space<semaphore_mem>>
        %dma_start3A_585 = arith.constant 0 : i32
        %dma_start3A_586 = tpu.memref_slice %arg15[%run_scoped3A_327, %dma_start3A_585] : memref<2x128xf32, #tpu.memory_space<vmem>> -> memref<1x128xf32, #tpu.memory_space<vmem>>
        %dma_start3A_587 = tpu.memref_squeeze %dma_start3A_586 : memref<1x128xf32, #tpu.memory_space<vmem>> -> memref<128xf32, #tpu.memory_space<vmem>>
        %dma_start3A_588 = arith.constant 0 : i32
        %dma_start3A_589 = tpu.memref_slice %arg12[%run_scoped3A_328, %dma_start3A_588] : memref<4x128xi32, #tpu.memory_space<vmem>> -> memref<1x128xi32, #tpu.memory_space<vmem>>
        %dma_start3A_590 = tpu.memref_squeeze %dma_start3A_589 : memref<1x128xi32, #tpu.memory_space<vmem>> -> memref<128xi32, #tpu.memory_space<vmem>>
        %dma_start3A_591 = arith.constant 0 : i32
        %dma_start3A_592 = tpu.memref_slice %arg11[%dma_start3A_591] : memref<10240xf32, #tpu.memory_space<vmem_shared>> -> memref<10240xf32, #tpu.memory_space<vmem_shared>>
        tpu.enqueue_indirect_dma source(%dma_start3A_587 : memref<128xf32, #tpu.memory_space<vmem>>) target(%dma_start3A_592 : memref<10240xf32, #tpu.memory_space<vmem_shared>>) offsets(%dma_start3A_590 : memref<128xi32, #tpu.memory_space<vmem>>) semaphore(%run_scoped3A_584 : memref<!tpu.dma_semaphore, #tpu.memory_space<semaphore_mem>>) {add = true}
        %dma_wait3A_593 = arith.constant 0 : i32
        %dma_wait3A_594 = tpu.memref_slice %arg15[%run_scoped3A_327, %dma_wait3A_593] : memref<2x128xf32, #tpu.memory_space<vmem>> -> memref<1x128xf32, #tpu.memory_space<vmem>>
        %dma_wait3A_595 = tpu.memref_squeeze %dma_wait3A_594 : memref<1x128xf32, #tpu.memory_space<vmem>> -> memref<128xf32, #tpu.memory_space<vmem>>
        %dma_wait3A_596 = arith.constant 0 : i32
        %dma_wait3A_597 = tpu.memref_slice %arg12[%run_scoped3A_328, %dma_wait3A_596] : memref<4x128xi32, #tpu.memory_space<vmem>> -> memref<1x128xi32, #tpu.memory_space<vmem>>
        %dma_wait3A_598 = tpu.memref_squeeze %dma_wait3A_597 : memref<1x128xi32, #tpu.memory_space<vmem>> -> memref<128xi32, #tpu.memory_space<vmem>>
        %dma_wait3A_599 = arith.constant 0 : i32
        %dma_wait3A_600 = tpu.memref_slice %arg11[%dma_wait3A_599] : memref<10240xf32, #tpu.memory_space<vmem_shared>> -> memref<10240xf32, #tpu.memory_space<vmem_shared>>
        tpu.wait_indirect_dma semaphore(%run_scoped3A_584 : memref<!tpu.dma_semaphore, #tpu.memory_space<semaphore_mem>>) src(%dma_wait3A_595 : memref<128xf32, #tpu.memory_space<vmem>>) dst(%dma_wait3A_600 : memref<10240xf32, #tpu.memory_space<vmem_shared>>)
        tpu.yield
      }) : () -> ()
      %mul3A_329 = arith.constant 4 : i32
      %mul3A_330 = arith.muli %scan3A_193, %mul3A_329 : i32
      %add3A_331 = arith.constant 1 : i32
      %add3A_332 = arith.addi %mul3A_330, %add3A_331 : i32
      %lt3A = arith.constant 19 : i32
      %lt3A_333 = arith.cmpi slt, %scan3A_193, %lt3A : i32
      %convert_element_type3A_334 = arith.extui %lt3A_333 : i1 to i32
      %cond3A_335 = arith.constant 0 : i32
      %cond3A_336 = arith.cmpi ne, %convert_element_type3A_334, %cond3A_335 : i32
      scf.if %cond3A_336 {
        %add3A_584 = arith.constant 3 : i32
        %add3A_585 = arith.addi %add3A_332, %add3A_584 : i32
        %add3A_586 = arith.addi %mul3A_2, %add3A_585 : i32
        %dma_start3A_587 = arith.constant 0 : i32
        %dma_start3A_588 = arith.constant 0 : i32
        %dma_start3A_589 = arith.constant 0 : i32
        %dma_start3A_590 = tpu.memref_slice %arg12[%dma_start3A_587, %dma_start3A_589] : memref<4x128xi32, #tpu.memory_space<vmem>> -> memref<1x128xi32, #tpu.memory_space<vmem>>
        %dma_start3A_591 = tpu.memref_squeeze %dma_start3A_590 : memref<1x128xi32, #tpu.memory_space<vmem>> -> memref<128xi32, #tpu.memory_space<vmem>>
        %dma_start3A_592 = arith.constant 0 : i32
        %dma_start3A_593 = tpu.memref_slice %arg3[%add3A_586, %dma_start3A_592] : memref<2560x128xi32, #tpu.memory_space<hbm>> -> memref<1x128xi32, #tpu.memory_space<hbm>>
        %dma_start3A_594 = tpu.memref_squeeze %dma_start3A_593 : memref<1x128xi32, #tpu.memory_space<hbm>> -> memref<128xi32, #tpu.memory_space<hbm>>
        %dma_start3A_595 = tpu.memref_slice %arg16[%dma_start3A_588] : memref<4x!tpu.dma_semaphore, #tpu.memory_space<semaphore_mem>> -> memref<1x!tpu.dma_semaphore, #tpu.memory_space<semaphore_mem>>
        %dma_start3A_596 = tpu.memref_squeeze %dma_start3A_595 : memref<1x!tpu.dma_semaphore, #tpu.memory_space<semaphore_mem>> -> memref<!tpu.dma_semaphore, #tpu.memory_space<semaphore_mem>>
        %dma_start3A_597 = arith.constant 0 : i32
        %dma_start3A_598 = tpu.memref_slice %arg12[%dma_start3A_587, %dma_start3A_597] : memref<4x128xi32, #tpu.memory_space<vmem>> -> memref<1x128xi32, #tpu.memory_space<vmem>>
        %dma_start3A_599 = tpu.memref_squeeze %dma_start3A_598 : memref<1x128xi32, #tpu.memory_space<vmem>> -> memref<128xi32, #tpu.memory_space<vmem>>
        %dma_start3A_600 = arith.constant 0 : i32
        %dma_start3A_601 = tpu.memref_slice %arg3[%add3A_586, %dma_start3A_600] : memref<2560x128xi32, #tpu.memory_space<hbm>> -> memref<1x128xi32, #tpu.memory_space<hbm>>
        %dma_start3A_602 = tpu.memref_squeeze %dma_start3A_601 : memref<1x128xi32, #tpu.memory_space<hbm>> -> memref<128xi32, #tpu.memory_space<hbm>>
        tpu.enqueue_dma source(%dma_start3A_602 : memref<128xi32, #tpu.memory_space<hbm>>) target(%dma_start3A_599 : memref<128xi32, #tpu.memory_space<vmem>>) target_semaphore(%dma_start3A_596 : memref<!tpu.dma_semaphore, #tpu.memory_space<semaphore_mem>>)
        %add3A_603 = arith.addi %mul3A_2, %add3A_585 : i32
        %dma_start3A_604 = arith.constant 0 : i32
        %dma_start3A_605 = arith.constant 0 : i32
        %dma_start3A_606 = arith.constant 0 : i32
        %dma_start3A_607 = tpu.memref_slice %arg13[%dma_start3A_604, %dma_start3A_606] : memref<4x128xi32, #tpu.memory_space<vmem>> -> memref<1x128xi32, #tpu.memory_space<vmem>>
        %dma_start3A_608 = tpu.memref_squeeze %dma_start3A_607 : memref<1x128xi32, #tpu.memory_space<vmem>> -> memref<128xi32, #tpu.memory_space<vmem>>
        %dma_start3A_609 = arith.constant 0 : i32
        %dma_start3A_610 = tpu.memref_slice %arg4[%add3A_603, %dma_start3A_609] : memref<2560x128xi32, #tpu.memory_space<hbm>> -> memref<1x128xi32, #tpu.memory_space<hbm>>
        %dma_start3A_611 = tpu.memref_squeeze %dma_start3A_610 : memref<1x128xi32, #tpu.memory_space<hbm>> -> memref<128xi32, #tpu.memory_space<hbm>>
        %dma_start3A_612 = tpu.memref_slice %arg17[%dma_start3A_605] : memref<4x!tpu.dma_semaphore, #tpu.memory_space<semaphore_mem>> -> memref<1x!tpu.dma_semaphore, #tpu.memory_space<semaphore_mem>>
        %dma_start3A_613 = tpu.memref_squeeze %dma_start3A_612 : memref<1x!tpu.dma_semaphore, #tpu.memory_space<semaphore_mem>> -> memref<!tpu.dma_semaphore, #tpu.memory_space<semaphore_mem>>
        %dma_start3A_614 = arith.constant 0 : i32
        %dma_start3A_615 = tpu.memref_slice %arg13[%dma_start3A_604, %dma_start3A_614] : memref<4x128xi32, #tpu.memory_space<vmem>> -> memref<1x128xi32, #tpu.memory_space<vmem>>
        %dma_start3A_616 = tpu.memref_squeeze %dma_start3A_615 : memref<1x128xi32, #tpu.memory_space<vmem>> -> memref<128xi32, #tpu.memory_space<vmem>>
        %dma_start3A_617 = arith.constant 0 : i32
        %dma_start3A_618 = tpu.memref_slice %arg4[%add3A_603, %dma_start3A_617] : memref<2560x128xi32, #tpu.memory_space<hbm>> -> memref<1x128xi32, #tpu.memory_space<hbm>>
        %dma_start3A_619 = tpu.memref_squeeze %dma_start3A_618 : memref<1x128xi32, #tpu.memory_space<hbm>> -> memref<128xi32, #tpu.memory_space<hbm>>
        tpu.enqueue_dma source(%dma_start3A_619 : memref<128xi32, #tpu.memory_space<hbm>>) target(%dma_start3A_616 : memref<128xi32, #tpu.memory_space<vmem>>) target_semaphore(%dma_start3A_613 : memref<!tpu.dma_semaphore, #tpu.memory_space<semaphore_mem>>)
      } else {
      }
      %dma_wait3A_337 = arith.constant 1 : i32
      %dma_wait3A_338 = arith.constant 1 : i32
      %dma_wait3A_339 = arith.constant 1 : i32
      %dma_wait3A_340 = arith.constant 0 : i32
      %dma_wait3A_341 = arith.constant 0 : i32
      %dma_wait3A_342 = tpu.memref_slice %arg14[%dma_wait3A_338, %dma_wait3A_340, %dma_wait3A_341] : memref<2x128x128xf32, #tpu.memory_space<vmem>> -> memref<1x128x128xf32, #tpu.memory_space<vmem>>
      %dma_wait3A_343 = tpu.memref_squeeze %dma_wait3A_342 : memref<1x128x128xf32, #tpu.memory_space<vmem>> -> memref<128x128xf32, #tpu.memory_space<vmem>>
      %dma_wait3A_344 = arith.constant 0 : i32
      %dma_wait3A_345 = tpu.memref_slice %arg12[%dma_wait3A_337, %dma_wait3A_344] : memref<4x128xi32, #tpu.memory_space<vmem>> -> memref<1x128xi32, #tpu.memory_space<vmem>>
      %dma_wait3A_346 = tpu.memref_squeeze %dma_wait3A_345 : memref<1x128xi32, #tpu.memory_space<vmem>> -> memref<128xi32, #tpu.memory_space<vmem>>
      %dma_wait3A_347 = arith.constant 0 : i32
      %dma_wait3A_348 = arith.constant 0 : i32
      %dma_wait3A_349 = tpu.memref_slice %arg2[%dma_wait3A_347, %dma_wait3A_348] : memref<10240x128xf32, #tpu.memory_space<hbm>> -> memref<10240x128xf32, #tpu.memory_space<hbm>>
      %dma_wait3A_350 = tpu.memref_slice %arg18[%dma_wait3A_339] : memref<2x!tpu.dma_semaphore, #tpu.memory_space<semaphore_mem>> -> memref<1x!tpu.dma_semaphore, #tpu.memory_space<semaphore_mem>>
      %dma_wait3A_351 = tpu.memref_squeeze %dma_wait3A_350 : memref<1x!tpu.dma_semaphore, #tpu.memory_space<semaphore_mem>> -> memref<!tpu.dma_semaphore, #tpu.memory_space<semaphore_mem>>
      tpu.wait_indirect_dma semaphore(%dma_wait3A_351 : memref<!tpu.dma_semaphore, #tpu.memory_space<semaphore_mem>>) src(%dma_wait3A_349 : memref<10240x128xf32, #tpu.memory_space<hbm>>) dst(%dma_wait3A_343 : memref<128x128xf32, #tpu.memory_space<vmem>>)
      %dma_wait3A_352 = arith.constant 1 : i32
      %dma_wait3A_353 = arith.constant 1 : i32
      %dma_wait3A_354 = arith.constant 1 : i32
      %dma_wait3A_355 = arith.constant 0 : i32
      %dma_wait3A_356 = tpu.memref_slice %arg15[%dma_wait3A_353, %dma_wait3A_355] : memref<2x128xf32, #tpu.memory_space<vmem>> -> memref<1x128xf32, #tpu.memory_space<vmem>>
      %dma_wait3A_357 = tpu.memref_squeeze %dma_wait3A_356 : memref<1x128xf32, #tpu.memory_space<vmem>> -> memref<128xf32, #tpu.memory_space<vmem>>
      %dma_wait3A_358 = arith.constant 0 : i32
      %dma_wait3A_359 = tpu.memref_slice %arg13[%dma_wait3A_352, %dma_wait3A_358] : memref<4x128xi32, #tpu.memory_space<vmem>> -> memref<1x128xi32, #tpu.memory_space<vmem>>
      %dma_wait3A_360 = tpu.memref_squeeze %dma_wait3A_359 : memref<1x128xi32, #tpu.memory_space<vmem>> -> memref<128xi32, #tpu.memory_space<vmem>>
      %dma_wait3A_361 = arith.constant 0 : i32
      %dma_wait3A_362 = tpu.memref_slice %arg5[%dma_wait3A_361] : memref<10240xf32, #tpu.memory_space<hbm>> -> memref<10240xf32, #tpu.memory_space<hbm>>
      %dma_wait3A_363 = tpu.memref_slice %arg19[%dma_wait3A_354] : memref<2x!tpu.dma_semaphore, #tpu.memory_space<semaphore_mem>> -> memref<1x!tpu.dma_semaphore, #tpu.memory_space<semaphore_mem>>
      %dma_wait3A_364 = tpu.memref_squeeze %dma_wait3A_363 : memref<1x!tpu.dma_semaphore, #tpu.memory_space<semaphore_mem>> -> memref<!tpu.dma_semaphore, #tpu.memory_space<semaphore_mem>>
      tpu.wait_indirect_dma semaphore(%dma_wait3A_364 : memref<!tpu.dma_semaphore, #tpu.memory_space<semaphore_mem>>) src(%dma_wait3A_362 : memref<10240xf32, #tpu.memory_space<hbm>>) dst(%dma_wait3A_357 : memref<128xf32, #tpu.memory_space<vmem>>)
      %add3A_365 = arith.constant 1 : i32
      %add3A_366 = arith.addi %add3A_332, %add3A_365 : i32
      %add3A_367 = arith.addi %mul3A_2, %add3A_366 : i32
      %dma_wait3A_368 = arith.constant 2 : i32
      %dma_wait3A_369 = arith.constant 2 : i32
      %dma_wait3A_370 = arith.constant 0 : i32
      %dma_wait3A_371 = tpu.memref_slice %arg12[%dma_wait3A_368, %dma_wait3A_370] : memref<4x128xi32, #tpu.memory_space<vmem>> -> memref<1x128xi32, #tpu.memory_space<vmem>>
      %dma_wait3A_372 = tpu.memref_squeeze %dma_wait3A_371 : memref<1x128xi32, #tpu.memory_space<vmem>> -> memref<128xi32, #tpu.memory_space<vmem>>
      %dma_wait3A_373 = arith.constant 0 : i32
      %dma_wait3A_374 = tpu.memref_slice %arg3[%add3A_367, %dma_wait3A_373] : memref<2560x128xi32, #tpu.memory_space<hbm>> -> memref<1x128xi32, #tpu.memory_space<hbm>>
      %dma_wait3A_375 = tpu.memref_squeeze %dma_wait3A_374 : memref<1x128xi32, #tpu.memory_space<hbm>> -> memref<128xi32, #tpu.memory_space<hbm>>
      %dma_wait3A_376 = tpu.memref_slice %arg16[%dma_wait3A_369] : memref<4x!tpu.dma_semaphore, #tpu.memory_space<semaphore_mem>> -> memref<1x!tpu.dma_semaphore, #tpu.memory_space<semaphore_mem>>
      %dma_wait3A_377 = tpu.memref_squeeze %dma_wait3A_376 : memref<1x!tpu.dma_semaphore, #tpu.memory_space<semaphore_mem>> -> memref<!tpu.dma_semaphore, #tpu.memory_space<semaphore_mem>>
      %dma_wait3A_378 = arith.constant 0 : i32
      %dma_wait3A_379 = tpu.memref_slice %arg12[%dma_wait3A_368, %dma_wait3A_378] : memref<4x128xi32, #tpu.memory_space<vmem>> -> memref<1x128xi32, #tpu.memory_space<vmem>>
      %dma_wait3A_380 = tpu.memref_squeeze %dma_wait3A_379 : memref<1x128xi32, #tpu.memory_space<vmem>> -> memref<128xi32, #tpu.memory_space<vmem>>
      %dma_wait3A_381 = arith.constant 0 : i32
      %dma_wait3A_382 = tpu.memref_slice %arg3[%add3A_367, %dma_wait3A_381] : memref<2560x128xi32, #tpu.memory_space<hbm>> -> memref<1x128xi32, #tpu.memory_space<hbm>>
      %dma_wait3A_383 = tpu.memref_squeeze %dma_wait3A_382 : memref<1x128xi32, #tpu.memory_space<hbm>> -> memref<128xi32, #tpu.memory_space<hbm>>
      tpu.wait_dma2 semaphore(%dma_wait3A_377 : memref<!tpu.dma_semaphore, #tpu.memory_space<semaphore_mem>>) src(%dma_wait3A_383 : memref<128xi32, #tpu.memory_space<hbm>>) dst(%dma_wait3A_380 : memref<128xi32, #tpu.memory_space<vmem>>)
      %add3A_384 = arith.addi %mul3A_2, %add3A_366 : i32
      %dma_wait3A_385 = arith.constant 2 : i32
      %dma_wait3A_386 = arith.constant 2 : i32
      %dma_wait3A_387 = arith.constant 0 : i32
      %dma_wait3A_388 = tpu.memref_slice %arg13[%dma_wait3A_385, %dma_wait3A_387] : memref<4x128xi32, #tpu.memory_space<vmem>> -> memref<1x128xi32, #tpu.memory_space<vmem>>
      %dma_wait3A_389 = tpu.memref_squeeze %dma_wait3A_388 : memref<1x128xi32, #tpu.memory_space<vmem>> -> memref<128xi32, #tpu.memory_space<vmem>>
      %dma_wait3A_390 = arith.constant 0 : i32
      %dma_wait3A_391 = tpu.memref_slice %arg4[%add3A_384, %dma_wait3A_390] : memref<2560x128xi32, #tpu.memory_space<hbm>> -> memref<1x128xi32, #tpu.memory_space<hbm>>
      %dma_wait3A_392 = tpu.memref_squeeze %dma_wait3A_391 : memref<1x128xi32, #tpu.memory_space<hbm>> -> memref<128xi32, #tpu.memory_space<hbm>>
      %dma_wait3A_393 = tpu.memref_slice %arg17[%dma_wait3A_386] : memref<4x!tpu.dma_semaphore, #tpu.memory_space<semaphore_mem>> -> memref<1x!tpu.dma_semaphore, #tpu.memory_space<semaphore_mem>>
      %dma_wait3A_394 = tpu.memref_squeeze %dma_wait3A_393 : memref<1x!tpu.dma_semaphore, #tpu.memory_space<semaphore_mem>> -> memref<!tpu.dma_semaphore, #tpu.memory_space<semaphore_mem>>
      %dma_wait3A_395 = arith.constant 0 : i32
      %dma_wait3A_396 = tpu.memref_slice %arg13[%dma_wait3A_385, %dma_wait3A_395] : memref<4x128xi32, #tpu.memory_space<vmem>> -> memref<1x128xi32, #tpu.memory_space<vmem>>
      %dma_wait3A_397 = tpu.memref_squeeze %dma_wait3A_396 : memref<1x128xi32, #tpu.memory_space<vmem>> -> memref<128xi32, #tpu.memory_space<vmem>>
      %dma_wait3A_398 = arith.constant 0 : i32
      %dma_wait3A_399 = tpu.memref_slice %arg4[%add3A_384, %dma_wait3A_398] : memref<2560x128xi32, #tpu.memory_space<hbm>> -> memref<1x128xi32, #tpu.memory_space<hbm>>
      %dma_wait3A_400 = tpu.memref_squeeze %dma_wait3A_399 : memref<1x128xi32, #tpu.memory_space<hbm>> -> memref<128xi32, #tpu.memory_space<hbm>>
      tpu.wait_dma2 semaphore(%dma_wait3A_394 : memref<!tpu.dma_semaphore, #tpu.memory_space<semaphore_mem>>) src(%dma_wait3A_400 : memref<128xi32, #tpu.memory_space<hbm>>) dst(%dma_wait3A_397 : memref<128xi32, #tpu.memory_space<vmem>>)
      %dma_start3A_401 = arith.constant 2 : i32
      %dma_start3A_402 = arith.constant 0 : i32
      %dma_start3A_403 = arith.constant 0 : i32
      %dma_start3A_404 = arith.constant 0 : i32
      %dma_start3A_405 = arith.constant 0 : i32
      %dma_start3A_406 = tpu.memref_slice %arg14[%dma_start3A_402, %dma_start3A_404, %dma_start3A_405] : memref<2x128x128xf32, #tpu.memory_space<vmem>> -> memref<1x128x128xf32, #tpu.memory_space<vmem>>
      %dma_start3A_407 = tpu.memref_squeeze %dma_start3A_406 : memref<1x128x128xf32, #tpu.memory_space<vmem>> -> memref<128x128xf32, #tpu.memory_space<vmem>>
      %dma_start3A_408 = arith.constant 0 : i32
      %dma_start3A_409 = tpu.memref_slice %arg12[%dma_start3A_401, %dma_start3A_408] : memref<4x128xi32, #tpu.memory_space<vmem>> -> memref<1x128xi32, #tpu.memory_space<vmem>>
      %dma_start3A_410 = tpu.memref_squeeze %dma_start3A_409 : memref<1x128xi32, #tpu.memory_space<vmem>> -> memref<128xi32, #tpu.memory_space<vmem>>
      %dma_start3A_411 = arith.constant 0 : i32
      %dma_start3A_412 = arith.constant 0 : i32
      %dma_start3A_413 = tpu.memref_slice %arg2[%dma_start3A_411, %dma_start3A_412] : memref<10240x128xf32, #tpu.memory_space<hbm>> -> memref<10240x128xf32, #tpu.memory_space<hbm>>
      %dma_start3A_414 = tpu.memref_slice %arg18[%dma_start3A_403] : memref<2x!tpu.dma_semaphore, #tpu.memory_space<semaphore_mem>> -> memref<1x!tpu.dma_semaphore, #tpu.memory_space<semaphore_mem>>
      %dma_start3A_415 = tpu.memref_squeeze %dma_start3A_414 : memref<1x!tpu.dma_semaphore, #tpu.memory_space<semaphore_mem>> -> memref<!tpu.dma_semaphore, #tpu.memory_space<semaphore_mem>>
      tpu.enqueue_indirect_dma source(%dma_start3A_413 : memref<10240x128xf32, #tpu.memory_space<hbm>>) target(%dma_start3A_407 : memref<128x128xf32, #tpu.memory_space<vmem>>) offsets(%dma_start3A_410 : memref<128xi32, #tpu.memory_space<vmem>>) semaphore(%dma_start3A_415 : memref<!tpu.dma_semaphore, #tpu.memory_space<semaphore_mem>>)
      %dma_start3A_416 = arith.constant 2 : i32
      %dma_start3A_417 = arith.constant 0 : i32
      %dma_start3A_418 = arith.constant 0 : i32
      %dma_start3A_419 = arith.constant 0 : i32
      %dma_start3A_420 = tpu.memref_slice %arg15[%dma_start3A_417, %dma_start3A_419] : memref<2x128xf32, #tpu.memory_space<vmem>> -> memref<1x128xf32, #tpu.memory_space<vmem>>
      %dma_start3A_421 = tpu.memref_squeeze %dma_start3A_420 : memref<1x128xf32, #tpu.memory_space<vmem>> -> memref<128xf32, #tpu.memory_space<vmem>>
      %dma_start3A_422 = arith.constant 0 : i32
      %dma_start3A_423 = tpu.memref_slice %arg13[%dma_start3A_416, %dma_start3A_422] : memref<4x128xi32, #tpu.memory_space<vmem>> -> memref<1x128xi32, #tpu.memory_space<vmem>>
      %dma_start3A_424 = tpu.memref_squeeze %dma_start3A_423 : memref<1x128xi32, #tpu.memory_space<vmem>> -> memref<128xi32, #tpu.memory_space<vmem>>
      %dma_start3A_425 = arith.constant 0 : i32
      %dma_start3A_426 = tpu.memref_slice %arg5[%dma_start3A_425] : memref<10240xf32, #tpu.memory_space<hbm>> -> memref<10240xf32, #tpu.memory_space<hbm>>
      %dma_start3A_427 = tpu.memref_slice %arg19[%dma_start3A_418] : memref<2x!tpu.dma_semaphore, #tpu.memory_space<semaphore_mem>> -> memref<1x!tpu.dma_semaphore, #tpu.memory_space<semaphore_mem>>
      %dma_start3A_428 = tpu.memref_squeeze %dma_start3A_427 : memref<1x!tpu.dma_semaphore, #tpu.memory_space<semaphore_mem>> -> memref<!tpu.dma_semaphore, #tpu.memory_space<semaphore_mem>>
      tpu.enqueue_indirect_dma source(%dma_start3A_426 : memref<10240xf32, #tpu.memory_space<hbm>>) target(%dma_start3A_421 : memref<128xf32, #tpu.memory_space<vmem>>) offsets(%dma_start3A_424 : memref<128xi32, #tpu.memory_space<vmem>>) semaphore(%dma_start3A_428 : memref<!tpu.dma_semaphore, #tpu.memory_space<semaphore_mem>>)
      %run_scoped3A_429 = arith.constant 1 : i32
      %run_scoped3A_430 = arith.constant 1 : i32
      "tpu.region"() ({
        %run_scoped3A_584 = tpu.sem_alloc : memref<!tpu.dma_semaphore, #tpu.memory_space<semaphore_mem>>
        %dma_start3A_585 = arith.constant 0 : i32
        %dma_start3A_586 = arith.constant 0 : i32
        %dma_start3A_587 = tpu.memref_slice %arg14[%run_scoped3A_429, %dma_start3A_585, %dma_start3A_586] : memref<2x128x128xf32, #tpu.memory_space<vmem>> -> memref<1x128x128xf32, #tpu.memory_space<vmem>>
        %dma_start3A_588 = tpu.memref_squeeze %dma_start3A_587 : memref<1x128x128xf32, #tpu.memory_space<vmem>> -> memref<128x128xf32, #tpu.memory_space<vmem>>
        %dma_start3A_589 = arith.constant 0 : i32
        %dma_start3A_590 = tpu.memref_slice %arg13[%run_scoped3A_430, %dma_start3A_589] : memref<4x128xi32, #tpu.memory_space<vmem>> -> memref<1x128xi32, #tpu.memory_space<vmem>>
        %dma_start3A_591 = tpu.memref_squeeze %dma_start3A_590 : memref<1x128xi32, #tpu.memory_space<vmem>> -> memref<128xi32, #tpu.memory_space<vmem>>
        %dma_start3A_592 = arith.constant 0 : i32
        %dma_start3A_593 = arith.constant 0 : i32
        %dma_start3A_594 = tpu.memref_slice %arg10[%dma_start3A_592, %dma_start3A_593] : memref<10240x128xf32, #tpu.memory_space<vmem_shared>> -> memref<10240x128xf32, #tpu.memory_space<vmem_shared>>
        tpu.enqueue_indirect_dma source(%dma_start3A_588 : memref<128x128xf32, #tpu.memory_space<vmem>>) target(%dma_start3A_594 : memref<10240x128xf32, #tpu.memory_space<vmem_shared>>) offsets(%dma_start3A_591 : memref<128xi32, #tpu.memory_space<vmem>>) semaphore(%run_scoped3A_584 : memref<!tpu.dma_semaphore, #tpu.memory_space<semaphore_mem>>) {add = true}
        %dma_wait3A_595 = arith.constant 0 : i32
        %dma_wait3A_596 = arith.constant 0 : i32
        %dma_wait3A_597 = tpu.memref_slice %arg14[%run_scoped3A_429, %dma_wait3A_595, %dma_wait3A_596] : memref<2x128x128xf32, #tpu.memory_space<vmem>> -> memref<1x128x128xf32, #tpu.memory_space<vmem>>
        %dma_wait3A_598 = tpu.memref_squeeze %dma_wait3A_597 : memref<1x128x128xf32, #tpu.memory_space<vmem>> -> memref<128x128xf32, #tpu.memory_space<vmem>>
        %dma_wait3A_599 = arith.constant 0 : i32
        %dma_wait3A_600 = tpu.memref_slice %arg13[%run_scoped3A_430, %dma_wait3A_599] : memref<4x128xi32, #tpu.memory_space<vmem>> -> memref<1x128xi32, #tpu.memory_space<vmem>>
        %dma_wait3A_601 = tpu.memref_squeeze %dma_wait3A_600 : memref<1x128xi32, #tpu.memory_space<vmem>> -> memref<128xi32, #tpu.memory_space<vmem>>
        %dma_wait3A_602 = arith.constant 0 : i32
        %dma_wait3A_603 = arith.constant 0 : i32
        %dma_wait3A_604 = tpu.memref_slice %arg10[%dma_wait3A_602, %dma_wait3A_603] : memref<10240x128xf32, #tpu.memory_space<vmem_shared>> -> memref<10240x128xf32, #tpu.memory_space<vmem_shared>>
        tpu.wait_indirect_dma semaphore(%run_scoped3A_584 : memref<!tpu.dma_semaphore, #tpu.memory_space<semaphore_mem>>) src(%dma_wait3A_598 : memref<128x128xf32, #tpu.memory_space<vmem>>) dst(%dma_wait3A_604 : memref<10240x128xf32, #tpu.memory_space<vmem_shared>>)
        tpu.yield
      }) : () -> ()
      %run_scoped3A_431 = arith.constant 1 : i32
      %run_scoped3A_432 = arith.constant 1 : i32
      "tpu.region"() ({
        %run_scoped3A_584 = tpu.sem_alloc : memref<!tpu.dma_semaphore, #tpu.memory_space<semaphore_mem>>
        %dma_start3A_585 = arith.constant 0 : i32
        %dma_start3A_586 = tpu.memref_slice %arg15[%run_scoped3A_431, %dma_start3A_585] : memref<2x128xf32, #tpu.memory_space<vmem>> -> memref<1x128xf32, #tpu.memory_space<vmem>>
        %dma_start3A_587 = tpu.memref_squeeze %dma_start3A_586 : memref<1x128xf32, #tpu.memory_space<vmem>> -> memref<128xf32, #tpu.memory_space<vmem>>
        %dma_start3A_588 = arith.constant 0 : i32
        %dma_start3A_589 = tpu.memref_slice %arg12[%run_scoped3A_432, %dma_start3A_588] : memref<4x128xi32, #tpu.memory_space<vmem>> -> memref<1x128xi32, #tpu.memory_space<vmem>>
        %dma_start3A_590 = tpu.memref_squeeze %dma_start3A_589 : memref<1x128xi32, #tpu.memory_space<vmem>> -> memref<128xi32, #tpu.memory_space<vmem>>
        %dma_start3A_591 = arith.constant 0 : i32
        %dma_start3A_592 = tpu.memref_slice %arg11[%dma_start3A_591] : memref<10240xf32, #tpu.memory_space<vmem_shared>> -> memref<10240xf32, #tpu.memory_space<vmem_shared>>
        tpu.enqueue_indirect_dma source(%dma_start3A_587 : memref<128xf32, #tpu.memory_space<vmem>>) target(%dma_start3A_592 : memref<10240xf32, #tpu.memory_space<vmem_shared>>) offsets(%dma_start3A_590 : memref<128xi32, #tpu.memory_space<vmem>>) semaphore(%run_scoped3A_584 : memref<!tpu.dma_semaphore, #tpu.memory_space<semaphore_mem>>) {add = true}
        %dma_wait3A_593 = arith.constant 0 : i32
        %dma_wait3A_594 = tpu.memref_slice %arg15[%run_scoped3A_431, %dma_wait3A_593] : memref<2x128xf32, #tpu.memory_space<vmem>> -> memref<1x128xf32, #tpu.memory_space<vmem>>
        %dma_wait3A_595 = tpu.memref_squeeze %dma_wait3A_594 : memref<1x128xf32, #tpu.memory_space<vmem>> -> memref<128xf32, #tpu.memory_space<vmem>>
        %dma_wait3A_596 = arith.constant 0 : i32
        %dma_wait3A_597 = tpu.memref_slice %arg12[%run_scoped3A_432, %dma_wait3A_596] : memref<4x128xi32, #tpu.memory_space<vmem>> -> memref<1x128xi32, #tpu.memory_space<vmem>>
        %dma_wait3A_598 = tpu.memref_squeeze %dma_wait3A_597 : memref<1x128xi32, #tpu.memory_space<vmem>> -> memref<128xi32, #tpu.memory_space<vmem>>
        %dma_wait3A_599 = arith.constant 0 : i32
        %dma_wait3A_600 = tpu.memref_slice %arg11[%dma_wait3A_599] : memref<10240xf32, #tpu.memory_space<vmem_shared>> -> memref<10240xf32, #tpu.memory_space<vmem_shared>>
        tpu.wait_indirect_dma semaphore(%run_scoped3A_584 : memref<!tpu.dma_semaphore, #tpu.memory_space<semaphore_mem>>) src(%dma_wait3A_595 : memref<128xf32, #tpu.memory_space<vmem>>) dst(%dma_wait3A_600 : memref<10240xf32, #tpu.memory_space<vmem_shared>>)
        tpu.yield
      }) : () -> ()
      %mul3A_433 = arith.constant 4 : i32
      %mul3A_434 = arith.muli %scan3A_193, %mul3A_433 : i32
      %add3A_435 = arith.constant 2 : i32
      %add3A_436 = arith.addi %mul3A_434, %add3A_435 : i32
      %lt3A_437 = arith.constant 19 : i32
      %lt3A_438 = arith.cmpi slt, %scan3A_193, %lt3A_437 : i32
      %convert_element_type3A_439 = arith.extui %lt3A_438 : i1 to i32
      %cond3A_440 = arith.constant 0 : i32
      %cond3A_441 = arith.cmpi ne, %convert_element_type3A_439, %cond3A_440 : i32
      scf.if %cond3A_441 {
        %add3A_584 = arith.constant 3 : i32
        %add3A_585 = arith.addi %add3A_436, %add3A_584 : i32
        %add3A_586 = arith.addi %mul3A_2, %add3A_585 : i32
        %dma_start3A_587 = arith.constant 1 : i32
        %dma_start3A_588 = arith.constant 1 : i32
        %dma_start3A_589 = arith.constant 0 : i32
        %dma_start3A_590 = tpu.memref_slice %arg12[%dma_start3A_587, %dma_start3A_589] : memref<4x128xi32, #tpu.memory_space<vmem>> -> memref<1x128xi32, #tpu.memory_space<vmem>>
        %dma_start3A_591 = tpu.memref_squeeze %dma_start3A_590 : memref<1x128xi32, #tpu.memory_space<vmem>> -> memref<128xi32, #tpu.memory_space<vmem>>
        %dma_start3A_592 = arith.constant 0 : i32
        %dma_start3A_593 = tpu.memref_slice %arg3[%add3A_586, %dma_start3A_592] : memref<2560x128xi32, #tpu.memory_space<hbm>> -> memref<1x128xi32, #tpu.memory_space<hbm>>
        %dma_start3A_594 = tpu.memref_squeeze %dma_start3A_593 : memref<1x128xi32, #tpu.memory_space<hbm>> -> memref<128xi32, #tpu.memory_space<hbm>>
        %dma_start3A_595 = tpu.memref_slice %arg16[%dma_start3A_588] : memref<4x!tpu.dma_semaphore, #tpu.memory_space<semaphore_mem>> -> memref<1x!tpu.dma_semaphore, #tpu.memory_space<semaphore_mem>>
        %dma_start3A_596 = tpu.memref_squeeze %dma_start3A_595 : memref<1x!tpu.dma_semaphore, #tpu.memory_space<semaphore_mem>> -> memref<!tpu.dma_semaphore, #tpu.memory_space<semaphore_mem>>
        %dma_start3A_597 = arith.constant 0 : i32
        %dma_start3A_598 = tpu.memref_slice %arg12[%dma_start3A_587, %dma_start3A_597] : memref<4x128xi32, #tpu.memory_space<vmem>> -> memref<1x128xi32, #tpu.memory_space<vmem>>
        %dma_start3A_599 = tpu.memref_squeeze %dma_start3A_598 : memref<1x128xi32, #tpu.memory_space<vmem>> -> memref<128xi32, #tpu.memory_space<vmem>>
        %dma_start3A_600 = arith.constant 0 : i32
        %dma_start3A_601 = tpu.memref_slice %arg3[%add3A_586, %dma_start3A_600] : memref<2560x128xi32, #tpu.memory_space<hbm>> -> memref<1x128xi32, #tpu.memory_space<hbm>>
        %dma_start3A_602 = tpu.memref_squeeze %dma_start3A_601 : memref<1x128xi32, #tpu.memory_space<hbm>> -> memref<128xi32, #tpu.memory_space<hbm>>
        tpu.enqueue_dma source(%dma_start3A_602 : memref<128xi32, #tpu.memory_space<hbm>>) target(%dma_start3A_599 : memref<128xi32, #tpu.memory_space<vmem>>) target_semaphore(%dma_start3A_596 : memref<!tpu.dma_semaphore, #tpu.memory_space<semaphore_mem>>)
        %add3A_603 = arith.addi %mul3A_2, %add3A_585 : i32
        %dma_start3A_604 = arith.constant 1 : i32
        %dma_start3A_605 = arith.constant 1 : i32
        %dma_start3A_606 = arith.constant 0 : i32
        %dma_start3A_607 = tpu.memref_slice %arg13[%dma_start3A_604, %dma_start3A_606] : memref<4x128xi32, #tpu.memory_space<vmem>> -> memref<1x128xi32, #tpu.memory_space<vmem>>
        %dma_start3A_608 = tpu.memref_squeeze %dma_start3A_607 : memref<1x128xi32, #tpu.memory_space<vmem>> -> memref<128xi32, #tpu.memory_space<vmem>>
        %dma_start3A_609 = arith.constant 0 : i32
        %dma_start3A_610 = tpu.memref_slice %arg4[%add3A_603, %dma_start3A_609] : memref<2560x128xi32, #tpu.memory_space<hbm>> -> memref<1x128xi32, #tpu.memory_space<hbm>>
        %dma_start3A_611 = tpu.memref_squeeze %dma_start3A_610 : memref<1x128xi32, #tpu.memory_space<hbm>> -> memref<128xi32, #tpu.memory_space<hbm>>
        %dma_start3A_612 = tpu.memref_slice %arg17[%dma_start3A_605] : memref<4x!tpu.dma_semaphore, #tpu.memory_space<semaphore_mem>> -> memref<1x!tpu.dma_semaphore, #tpu.memory_space<semaphore_mem>>
        %dma_start3A_613 = tpu.memref_squeeze %dma_start3A_612 : memref<1x!tpu.dma_semaphore, #tpu.memory_space<semaphore_mem>> -> memref<!tpu.dma_semaphore, #tpu.memory_space<semaphore_mem>>
        %dma_start3A_614 = arith.constant 0 : i32
        %dma_start3A_615 = tpu.memref_slice %arg13[%dma_start3A_604, %dma_start3A_614] : memref<4x128xi32, #tpu.memory_space<vmem>> -> memref<1x128xi32, #tpu.memory_space<vmem>>
        %dma_start3A_616 = tpu.memref_squeeze %dma_start3A_615 : memref<1x128xi32, #tpu.memory_space<vmem>> -> memref<128xi32, #tpu.memory_space<vmem>>
        %dma_start3A_617 = arith.constant 0 : i32
        %dma_start3A_618 = tpu.memref_slice %arg4[%add3A_603, %dma_start3A_617] : memref<2560x128xi32, #tpu.memory_space<hbm>> -> memref<1x128xi32, #tpu.memory_space<hbm>>
        %dma_start3A_619 = tpu.memref_squeeze %dma_start3A_618 : memref<1x128xi32, #tpu.memory_space<hbm>> -> memref<128xi32, #tpu.memory_space<hbm>>
        tpu.enqueue_dma source(%dma_start3A_619 : memref<128xi32, #tpu.memory_space<hbm>>) target(%dma_start3A_616 : memref<128xi32, #tpu.memory_space<vmem>>) target_semaphore(%dma_start3A_613 : memref<!tpu.dma_semaphore, #tpu.memory_space<semaphore_mem>>)
      } else {
      }
      %dma_wait3A_442 = arith.constant 2 : i32
      %dma_wait3A_443 = arith.constant 0 : i32
      %dma_wait3A_444 = arith.constant 0 : i32
      %dma_wait3A_445 = arith.constant 0 : i32
      %dma_wait3A_446 = arith.constant 0 : i32
      %dma_wait3A_447 = tpu.memref_slice %arg14[%dma_wait3A_443, %dma_wait3A_445, %dma_wait3A_446] : memref<2x128x128xf32, #tpu.memory_space<vmem>> -> memref<1x128x128xf32, #tpu.memory_space<vmem>>
      %dma_wait3A_448 = tpu.memref_squeeze %dma_wait3A_447 : memref<1x128x128xf32, #tpu.memory_space<vmem>> -> memref<128x128xf32, #tpu.memory_space<vmem>>
      %dma_wait3A_449 = arith.constant 0 : i32
      %dma_wait3A_450 = tpu.memref_slice %arg12[%dma_wait3A_442, %dma_wait3A_449] : memref<4x128xi32, #tpu.memory_space<vmem>> -> memref<1x128xi32, #tpu.memory_space<vmem>>
      %dma_wait3A_451 = tpu.memref_squeeze %dma_wait3A_450 : memref<1x128xi32, #tpu.memory_space<vmem>> -> memref<128xi32, #tpu.memory_space<vmem>>
      %dma_wait3A_452 = arith.constant 0 : i32
      %dma_wait3A_453 = arith.constant 0 : i32
      %dma_wait3A_454 = tpu.memref_slice %arg2[%dma_wait3A_452, %dma_wait3A_453] : memref<10240x128xf32, #tpu.memory_space<hbm>> -> memref<10240x128xf32, #tpu.memory_space<hbm>>
      %dma_wait3A_455 = tpu.memref_slice %arg18[%dma_wait3A_444] : memref<2x!tpu.dma_semaphore, #tpu.memory_space<semaphore_mem>> -> memref<1x!tpu.dma_semaphore, #tpu.memory_space<semaphore_mem>>
      %dma_wait3A_456 = tpu.memref_squeeze %dma_wait3A_455 : memref<1x!tpu.dma_semaphore, #tpu.memory_space<semaphore_mem>> -> memref<!tpu.dma_semaphore, #tpu.memory_space<semaphore_mem>>
      tpu.wait_indirect_dma semaphore(%dma_wait3A_456 : memref<!tpu.dma_semaphore, #tpu.memory_space<semaphore_mem>>) src(%dma_wait3A_454 : memref<10240x128xf32, #tpu.memory_space<hbm>>) dst(%dma_wait3A_448 : memref<128x128xf32, #tpu.memory_space<vmem>>)
      %dma_wait3A_457 = arith.constant 2 : i32
      %dma_wait3A_458 = arith.constant 0 : i32
      %dma_wait3A_459 = arith.constant 0 : i32
      %dma_wait3A_460 = arith.constant 0 : i32
      %dma_wait3A_461 = tpu.memref_slice %arg15[%dma_wait3A_458, %dma_wait3A_460] : memref<2x128xf32, #tpu.memory_space<vmem>> -> memref<1x128xf32, #tpu.memory_space<vmem>>
      %dma_wait3A_462 = tpu.memref_squeeze %dma_wait3A_461 : memref<1x128xf32, #tpu.memory_space<vmem>> -> memref<128xf32, #tpu.memory_space<vmem>>
      %dma_wait3A_463 = arith.constant 0 : i32
      %dma_wait3A_464 = tpu.memref_slice %arg13[%dma_wait3A_457, %dma_wait3A_463] : memref<4x128xi32, #tpu.memory_space<vmem>> -> memref<1x128xi32, #tpu.memory_space<vmem>>
      %dma_wait3A_465 = tpu.memref_squeeze %dma_wait3A_464 : memref<1x128xi32, #tpu.memory_space<vmem>> -> memref<128xi32, #tpu.memory_space<vmem>>
      %dma_wait3A_466 = arith.constant 0 : i32
      %dma_wait3A_467 = tpu.memref_slice %arg5[%dma_wait3A_466] : memref<10240xf32, #tpu.memory_space<hbm>> -> memref<10240xf32, #tpu.memory_space<hbm>>
      %dma_wait3A_468 = tpu.memref_slice %arg19[%dma_wait3A_459] : memref<2x!tpu.dma_semaphore, #tpu.memory_space<semaphore_mem>> -> memref<1x!tpu.dma_semaphore, #tpu.memory_space<semaphore_mem>>
      %dma_wait3A_469 = tpu.memref_squeeze %dma_wait3A_468 : memref<1x!tpu.dma_semaphore, #tpu.memory_space<semaphore_mem>> -> memref<!tpu.dma_semaphore, #tpu.memory_space<semaphore_mem>>
      tpu.wait_indirect_dma semaphore(%dma_wait3A_469 : memref<!tpu.dma_semaphore, #tpu.memory_space<semaphore_mem>>) src(%dma_wait3A_467 : memref<10240xf32, #tpu.memory_space<hbm>>) dst(%dma_wait3A_462 : memref<128xf32, #tpu.memory_space<vmem>>)
      %add3A_470 = arith.constant 1 : i32
      %add3A_471 = arith.addi %add3A_436, %add3A_470 : i32
      %add3A_472 = arith.addi %mul3A_2, %add3A_471 : i32
      %dma_wait3A_473 = arith.constant 3 : i32
      %dma_wait3A_474 = arith.constant 3 : i32
      %dma_wait3A_475 = arith.constant 0 : i32
      %dma_wait3A_476 = tpu.memref_slice %arg12[%dma_wait3A_473, %dma_wait3A_475] : memref<4x128xi32, #tpu.memory_space<vmem>> -> memref<1x128xi32, #tpu.memory_space<vmem>>
      %dma_wait3A_477 = tpu.memref_squeeze %dma_wait3A_476 : memref<1x128xi32, #tpu.memory_space<vmem>> -> memref<128xi32, #tpu.memory_space<vmem>>
      %dma_wait3A_478 = arith.constant 0 : i32
      %dma_wait3A_479 = tpu.memref_slice %arg3[%add3A_472, %dma_wait3A_478] : memref<2560x128xi32, #tpu.memory_space<hbm>> -> memref<1x128xi32, #tpu.memory_space<hbm>>
      %dma_wait3A_480 = tpu.memref_squeeze %dma_wait3A_479 : memref<1x128xi32, #tpu.memory_space<hbm>> -> memref<128xi32, #tpu.memory_space<hbm>>
      %dma_wait3A_481 = tpu.memref_slice %arg16[%dma_wait3A_474] : memref<4x!tpu.dma_semaphore, #tpu.memory_space<semaphore_mem>> -> memref<1x!tpu.dma_semaphore, #tpu.memory_space<semaphore_mem>>
      %dma_wait3A_482 = tpu.memref_squeeze %dma_wait3A_481 : memref<1x!tpu.dma_semaphore, #tpu.memory_space<semaphore_mem>> -> memref<!tpu.dma_semaphore, #tpu.memory_space<semaphore_mem>>
      %dma_wait3A_483 = arith.constant 0 : i32
      %dma_wait3A_484 = tpu.memref_slice %arg12[%dma_wait3A_473, %dma_wait3A_483] : memref<4x128xi32, #tpu.memory_space<vmem>> -> memref<1x128xi32, #tpu.memory_space<vmem>>
      %dma_wait3A_485 = tpu.memref_squeeze %dma_wait3A_484 : memref<1x128xi32, #tpu.memory_space<vmem>> -> memref<128xi32, #tpu.memory_space<vmem>>
      %dma_wait3A_486 = arith.constant 0 : i32
      %dma_wait3A_487 = tpu.memref_slice %arg3[%add3A_472, %dma_wait3A_486] : memref<2560x128xi32, #tpu.memory_space<hbm>> -> memref<1x128xi32, #tpu.memory_space<hbm>>
      %dma_wait3A_488 = tpu.memref_squeeze %dma_wait3A_487 : memref<1x128xi32, #tpu.memory_space<hbm>> -> memref<128xi32, #tpu.memory_space<hbm>>
      tpu.wait_dma2 semaphore(%dma_wait3A_482 : memref<!tpu.dma_semaphore, #tpu.memory_space<semaphore_mem>>) src(%dma_wait3A_488 : memref<128xi32, #tpu.memory_space<hbm>>) dst(%dma_wait3A_485 : memref<128xi32, #tpu.memory_space<vmem>>)
      %add3A_489 = arith.addi %mul3A_2, %add3A_471 : i32
      %dma_wait3A_490 = arith.constant 3 : i32
      %dma_wait3A_491 = arith.constant 3 : i32
      %dma_wait3A_492 = arith.constant 0 : i32
      %dma_wait3A_493 = tpu.memref_slice %arg13[%dma_wait3A_490, %dma_wait3A_492] : memref<4x128xi32, #tpu.memory_space<vmem>> -> memref<1x128xi32, #tpu.memory_space<vmem>>
      %dma_wait3A_494 = tpu.memref_squeeze %dma_wait3A_493 : memref<1x128xi32, #tpu.memory_space<vmem>> -> memref<128xi32, #tpu.memory_space<vmem>>
      %dma_wait3A_495 = arith.constant 0 : i32
      %dma_wait3A_496 = tpu.memref_slice %arg4[%add3A_489, %dma_wait3A_495] : memref<2560x128xi32, #tpu.memory_space<hbm>> -> memref<1x128xi32, #tpu.memory_space<hbm>>
      %dma_wait3A_497 = tpu.memref_squeeze %dma_wait3A_496 : memref<1x128xi32, #tpu.memory_space<hbm>> -> memref<128xi32, #tpu.memory_space<hbm>>
      %dma_wait3A_498 = tpu.memref_slice %arg17[%dma_wait3A_491] : memref<4x!tpu.dma_semaphore, #tpu.memory_space<semaphore_mem>> -> memref<1x!tpu.dma_semaphore, #tpu.memory_space<semaphore_mem>>
      %dma_wait3A_499 = tpu.memref_squeeze %dma_wait3A_498 : memref<1x!tpu.dma_semaphore, #tpu.memory_space<semaphore_mem>> -> memref<!tpu.dma_semaphore, #tpu.memory_space<semaphore_mem>>
      %dma_wait3A_500 = arith.constant 0 : i32
      %dma_wait3A_501 = tpu.memref_slice %arg13[%dma_wait3A_490, %dma_wait3A_500] : memref<4x128xi32, #tpu.memory_space<vmem>> -> memref<1x128xi32, #tpu.memory_space<vmem>>
      %dma_wait3A_502 = tpu.memref_squeeze %dma_wait3A_501 : memref<1x128xi32, #tpu.memory_space<vmem>> -> memref<128xi32, #tpu.memory_space<vmem>>
      %dma_wait3A_503 = arith.constant 0 : i32
      %dma_wait3A_504 = tpu.memref_slice %arg4[%add3A_489, %dma_wait3A_503] : memref<2560x128xi32, #tpu.memory_space<hbm>> -> memref<1x128xi32, #tpu.memory_space<hbm>>
      %dma_wait3A_505 = tpu.memref_squeeze %dma_wait3A_504 : memref<1x128xi32, #tpu.memory_space<hbm>> -> memref<128xi32, #tpu.memory_space<hbm>>
      tpu.wait_dma2 semaphore(%dma_wait3A_499 : memref<!tpu.dma_semaphore, #tpu.memory_space<semaphore_mem>>) src(%dma_wait3A_505 : memref<128xi32, #tpu.memory_space<hbm>>) dst(%dma_wait3A_502 : memref<128xi32, #tpu.memory_space<vmem>>)
      %dma_start3A_506 = arith.constant 3 : i32
      %dma_start3A_507 = arith.constant 1 : i32
      %dma_start3A_508 = arith.constant 1 : i32
      %dma_start3A_509 = arith.constant 0 : i32
      %dma_start3A_510 = arith.constant 0 : i32
      %dma_start3A_511 = tpu.memref_slice %arg14[%dma_start3A_507, %dma_start3A_509, %dma_start3A_510] : memref<2x128x128xf32, #tpu.memory_space<vmem>> -> memref<1x128x128xf32, #tpu.memory_space<vmem>>
      %dma_start3A_512 = tpu.memref_squeeze %dma_start3A_511 : memref<1x128x128xf32, #tpu.memory_space<vmem>> -> memref<128x128xf32, #tpu.memory_space<vmem>>
      %dma_start3A_513 = arith.constant 0 : i32
      %dma_start3A_514 = tpu.memref_slice %arg12[%dma_start3A_506, %dma_start3A_513] : memref<4x128xi32, #tpu.memory_space<vmem>> -> memref<1x128xi32, #tpu.memory_space<vmem>>
      %dma_start3A_515 = tpu.memref_squeeze %dma_start3A_514 : memref<1x128xi32, #tpu.memory_space<vmem>> -> memref<128xi32, #tpu.memory_space<vmem>>
      %dma_start3A_516 = arith.constant 0 : i32
      %dma_start3A_517 = arith.constant 0 : i32
      %dma_start3A_518 = tpu.memref_slice %arg2[%dma_start3A_516, %dma_start3A_517] : memref<10240x128xf32, #tpu.memory_space<hbm>> -> memref<10240x128xf32, #tpu.memory_space<hbm>>
      %dma_start3A_519 = tpu.memref_slice %arg18[%dma_start3A_508] : memref<2x!tpu.dma_semaphore, #tpu.memory_space<semaphore_mem>> -> memref<1x!tpu.dma_semaphore, #tpu.memory_space<semaphore_mem>>
      %dma_start3A_520 = tpu.memref_squeeze %dma_start3A_519 : memref<1x!tpu.dma_semaphore, #tpu.memory_space<semaphore_mem>> -> memref<!tpu.dma_semaphore, #tpu.memory_space<semaphore_mem>>
      tpu.enqueue_indirect_dma source(%dma_start3A_518 : memref<10240x128xf32, #tpu.memory_space<hbm>>) target(%dma_start3A_512 : memref<128x128xf32, #tpu.memory_space<vmem>>) offsets(%dma_start3A_515 : memref<128xi32, #tpu.memory_space<vmem>>) semaphore(%dma_start3A_520 : memref<!tpu.dma_semaphore, #tpu.memory_space<semaphore_mem>>)
      %dma_start3A_521 = arith.constant 3 : i32
      %dma_start3A_522 = arith.constant 1 : i32
      %dma_start3A_523 = arith.constant 1 : i32
      %dma_start3A_524 = arith.constant 0 : i32
      %dma_start3A_525 = tpu.memref_slice %arg15[%dma_start3A_522, %dma_start3A_524] : memref<2x128xf32, #tpu.memory_space<vmem>> -> memref<1x128xf32, #tpu.memory_space<vmem>>
      %dma_start3A_526 = tpu.memref_squeeze %dma_start3A_525 : memref<1x128xf32, #tpu.memory_space<vmem>> -> memref<128xf32, #tpu.memory_space<vmem>>
      %dma_start3A_527 = arith.constant 0 : i32
      %dma_start3A_528 = tpu.memref_slice %arg13[%dma_start3A_521, %dma_start3A_527] : memref<4x128xi32, #tpu.memory_space<vmem>> -> memref<1x128xi32, #tpu.memory_space<vmem>>
      %dma_start3A_529 = tpu.memref_squeeze %dma_start3A_528 : memref<1x128xi32, #tpu.memory_space<vmem>> -> memref<128xi32, #tpu.memory_space<vmem>>
      %dma_start3A_530 = arith.constant 0 : i32
      %dma_start3A_531 = tpu.memref_slice %arg5[%dma_start3A_530] : memref<10240xf32, #tpu.memory_space<hbm>> -> memref<10240xf32, #tpu.memory_space<hbm>>
      %dma_start3A_532 = tpu.memref_slice %arg19[%dma_start3A_523] : memref<2x!tpu.dma_semaphore, #tpu.memory_space<semaphore_mem>> -> memref<1x!tpu.dma_semaphore, #tpu.memory_space<semaphore_mem>>
      %dma_start3A_533 = tpu.memref_squeeze %dma_start3A_532 : memref<1x!tpu.dma_semaphore, #tpu.memory_space<semaphore_mem>> -> memref<!tpu.dma_semaphore, #tpu.memory_space<semaphore_mem>>
      tpu.enqueue_indirect_dma source(%dma_start3A_531 : memref<10240xf32, #tpu.memory_space<hbm>>) target(%dma_start3A_526 : memref<128xf32, #tpu.memory_space<vmem>>) offsets(%dma_start3A_529 : memref<128xi32, #tpu.memory_space<vmem>>) semaphore(%dma_start3A_533 : memref<!tpu.dma_semaphore, #tpu.memory_space<semaphore_mem>>)
      %run_scoped3A_534 = arith.constant 0 : i32
      %run_scoped3A_535 = arith.constant 2 : i32
      "tpu.region"() ({
        %run_scoped3A_584 = tpu.sem_alloc : memref<!tpu.dma_semaphore, #tpu.memory_space<semaphore_mem>>
        %dma_start3A_585 = arith.constant 0 : i32
        %dma_start3A_586 = arith.constant 0 : i32
        %dma_start3A_587 = tpu.memref_slice %arg14[%run_scoped3A_534, %dma_start3A_585, %dma_start3A_586] : memref<2x128x128xf32, #tpu.memory_space<vmem>> -> memref<1x128x128xf32, #tpu.memory_space<vmem>>
        %dma_start3A_588 = tpu.memref_squeeze %dma_start3A_587 : memref<1x128x128xf32, #tpu.memory_space<vmem>> -> memref<128x128xf32, #tpu.memory_space<vmem>>
        %dma_start3A_589 = arith.constant 0 : i32
        %dma_start3A_590 = tpu.memref_slice %arg13[%run_scoped3A_535, %dma_start3A_589] : memref<4x128xi32, #tpu.memory_space<vmem>> -> memref<1x128xi32, #tpu.memory_space<vmem>>
        %dma_start3A_591 = tpu.memref_squeeze %dma_start3A_590 : memref<1x128xi32, #tpu.memory_space<vmem>> -> memref<128xi32, #tpu.memory_space<vmem>>
        %dma_start3A_592 = arith.constant 0 : i32
        %dma_start3A_593 = arith.constant 0 : i32
        %dma_start3A_594 = tpu.memref_slice %arg10[%dma_start3A_592, %dma_start3A_593] : memref<10240x128xf32, #tpu.memory_space<vmem_shared>> -> memref<10240x128xf32, #tpu.memory_space<vmem_shared>>
        tpu.enqueue_indirect_dma source(%dma_start3A_588 : memref<128x128xf32, #tpu.memory_space<vmem>>) target(%dma_start3A_594 : memref<10240x128xf32, #tpu.memory_space<vmem_shared>>) offsets(%dma_start3A_591 : memref<128xi32, #tpu.memory_space<vmem>>) semaphore(%run_scoped3A_584 : memref<!tpu.dma_semaphore, #tpu.memory_space<semaphore_mem>>) {add = true}
        %dma_wait3A_595 = arith.constant 0 : i32
        %dma_wait3A_596 = arith.constant 0 : i32
        %dma_wait3A_597 = tpu.memref_slice %arg14[%run_scoped3A_534, %dma_wait3A_595, %dma_wait3A_596] : memref<2x128x128xf32, #tpu.memory_space<vmem>> -> memref<1x128x128xf32, #tpu.memory_space<vmem>>
        %dma_wait3A_598 = tpu.memref_squeeze %dma_wait3A_597 : memref<1x128x128xf32, #tpu.memory_space<vmem>> -> memref<128x128xf32, #tpu.memory_space<vmem>>
        %dma_wait3A_599 = arith.constant 0 : i32
        %dma_wait3A_600 = tpu.memref_slice %arg13[%run_scoped3A_535, %dma_wait3A_599] : memref<4x128xi32, #tpu.memory_space<vmem>> -> memref<1x128xi32, #tpu.memory_space<vmem>>
        %dma_wait3A_601 = tpu.memref_squeeze %dma_wait3A_600 : memref<1x128xi32, #tpu.memory_space<vmem>> -> memref<128xi32, #tpu.memory_space<vmem>>
        %dma_wait3A_602 = arith.constant 0 : i32
        %dma_wait3A_603 = arith.constant 0 : i32
        %dma_wait3A_604 = tpu.memref_slice %arg10[%dma_wait3A_602, %dma_wait3A_603] : memref<10240x128xf32, #tpu.memory_space<vmem_shared>> -> memref<10240x128xf32, #tpu.memory_space<vmem_shared>>
        tpu.wait_indirect_dma semaphore(%run_scoped3A_584 : memref<!tpu.dma_semaphore, #tpu.memory_space<semaphore_mem>>) src(%dma_wait3A_598 : memref<128x128xf32, #tpu.memory_space<vmem>>) dst(%dma_wait3A_604 : memref<10240x128xf32, #tpu.memory_space<vmem_shared>>)
        tpu.yield
      }) : () -> ()
      %run_scoped3A_536 = arith.constant 0 : i32
      %run_scoped3A_537 = arith.constant 2 : i32
      "tpu.region"() ({
        %run_scoped3A_584 = tpu.sem_alloc : memref<!tpu.dma_semaphore, #tpu.memory_space<semaphore_mem>>
        %dma_start3A_585 = arith.constant 0 : i32
        %dma_start3A_586 = tpu.memref_slice %arg15[%run_scoped3A_536, %dma_start3A_585] : memref<2x128xf32, #tpu.memory_space<vmem>> -> memref<1x128xf32, #tpu.memory_space<vmem>>
        %dma_start3A_587 = tpu.memref_squeeze %dma_start3A_586 : memref<1x128xf32, #tpu.memory_space<vmem>> -> memref<128xf32, #tpu.memory_space<vmem>>
        %dma_start3A_588 = arith.constant 0 : i32
        %dma_start3A_589 = tpu.memref_slice %arg12[%run_scoped3A_537, %dma_start3A_588] : memref<4x128xi32, #tpu.memory_space<vmem>> -> memref<1x128xi32, #tpu.memory_space<vmem>>
        %dma_start3A_590 = tpu.memref_squeeze %dma_start3A_589 : memref<1x128xi32, #tpu.memory_space<vmem>> -> memref<128xi32, #tpu.memory_space<vmem>>
        %dma_start3A_591 = arith.constant 0 : i32
        %dma_start3A_592 = tpu.memref_slice %arg11[%dma_start3A_591] : memref<10240xf32, #tpu.memory_space<vmem_shared>> -> memref<10240xf32, #tpu.memory_space<vmem_shared>>
        tpu.enqueue_indirect_dma source(%dma_start3A_587 : memref<128xf32, #tpu.memory_space<vmem>>) target(%dma_start3A_592 : memref<10240xf32, #tpu.memory_space<vmem_shared>>) offsets(%dma_start3A_590 : memref<128xi32, #tpu.memory_space<vmem>>) semaphore(%run_scoped3A_584 : memref<!tpu.dma_semaphore, #tpu.memory_space<semaphore_mem>>) {add = true}
        %dma_wait3A_593 = arith.constant 0 : i32
        %dma_wait3A_594 = tpu.memref_slice %arg15[%run_scoped3A_536, %dma_wait3A_593] : memref<2x128xf32, #tpu.memory_space<vmem>> -> memref<1x128xf32, #tpu.memory_space<vmem>>
        %dma_wait3A_595 = tpu.memref_squeeze %dma_wait3A_594 : memref<1x128xf32, #tpu.memory_space<vmem>> -> memref<128xf32, #tpu.memory_space<vmem>>
        %dma_wait3A_596 = arith.constant 0 : i32
        %dma_wait3A_597 = tpu.memref_slice %arg12[%run_scoped3A_537, %dma_wait3A_596] : memref<4x128xi32, #tpu.memory_space<vmem>> -> memref<1x128xi32, #tpu.memory_space<vmem>>
        %dma_wait3A_598 = tpu.memref_squeeze %dma_wait3A_597 : memref<1x128xi32, #tpu.memory_space<vmem>> -> memref<128xi32, #tpu.memory_space<vmem>>
        %dma_wait3A_599 = arith.constant 0 : i32
        %dma_wait3A_600 = tpu.memref_slice %arg11[%dma_wait3A_599] : memref<10240xf32, #tpu.memory_space<vmem_shared>> -> memref<10240xf32, #tpu.memory_space<vmem_shared>>
        tpu.wait_indirect_dma semaphore(%run_scoped3A_584 : memref<!tpu.dma_semaphore, #tpu.memory_space<semaphore_mem>>) src(%dma_wait3A_595 : memref<128xf32, #tpu.memory_space<vmem>>) dst(%dma_wait3A_600 : memref<10240xf32, #tpu.memory_space<vmem_shared>>)
        tpu.yield
      }) : () -> ()
      %mul3A_538 = arith.constant 4 : i32
      %mul3A_539 = arith.muli %scan3A_193, %mul3A_538 : i32
      %add3A_540 = arith.constant 3 : i32
      %add3A_541 = arith.addi %mul3A_539, %add3A_540 : i32
      %lt3A_542 = arith.constant 19 : i32
      %lt3A_543 = arith.cmpi slt, %scan3A_193, %lt3A_542 : i32
      %convert_element_type3A_544 = arith.extui %lt3A_543 : i1 to i32
      %cond3A_545 = arith.constant 0 : i32
      %cond3A_546 = arith.cmpi ne, %convert_element_type3A_544, %cond3A_545 : i32
      scf.if %cond3A_546 {
        %add3A_584 = arith.constant 3 : i32
        %add3A_585 = arith.addi %add3A_541, %add3A_584 : i32
        %add3A_586 = arith.addi %mul3A_2, %add3A_585 : i32
        %dma_start3A_587 = arith.constant 2 : i32
        %dma_start3A_588 = arith.constant 2 : i32
        %dma_start3A_589 = arith.constant 0 : i32
        %dma_start3A_590 = tpu.memref_slice %arg12[%dma_start3A_587, %dma_start3A_589] : memref<4x128xi32, #tpu.memory_space<vmem>> -> memref<1x128xi32, #tpu.memory_space<vmem>>
        %dma_start3A_591 = tpu.memref_squeeze %dma_start3A_590 : memref<1x128xi32, #tpu.memory_space<vmem>> -> memref<128xi32, #tpu.memory_space<vmem>>
        %dma_start3A_592 = arith.constant 0 : i32
        %dma_start3A_593 = tpu.memref_slice %arg3[%add3A_586, %dma_start3A_592] : memref<2560x128xi32, #tpu.memory_space<hbm>> -> memref<1x128xi32, #tpu.memory_space<hbm>>
        %dma_start3A_594 = tpu.memref_squeeze %dma_start3A_593 : memref<1x128xi32, #tpu.memory_space<hbm>> -> memref<128xi32, #tpu.memory_space<hbm>>
        %dma_start3A_595 = tpu.memref_slice %arg16[%dma_start3A_588] : memref<4x!tpu.dma_semaphore, #tpu.memory_space<semaphore_mem>> -> memref<1x!tpu.dma_semaphore, #tpu.memory_space<semaphore_mem>>
        %dma_start3A_596 = tpu.memref_squeeze %dma_start3A_595 : memref<1x!tpu.dma_semaphore, #tpu.memory_space<semaphore_mem>> -> memref<!tpu.dma_semaphore, #tpu.memory_space<semaphore_mem>>
        %dma_start3A_597 = arith.constant 0 : i32
        %dma_start3A_598 = tpu.memref_slice %arg12[%dma_start3A_587, %dma_start3A_597] : memref<4x128xi32, #tpu.memory_space<vmem>> -> memref<1x128xi32, #tpu.memory_space<vmem>>
        %dma_start3A_599 = tpu.memref_squeeze %dma_start3A_598 : memref<1x128xi32, #tpu.memory_space<vmem>> -> memref<128xi32, #tpu.memory_space<vmem>>
        %dma_start3A_600 = arith.constant 0 : i32
        %dma_start3A_601 = tpu.memref_slice %arg3[%add3A_586, %dma_start3A_600] : memref<2560x128xi32, #tpu.memory_space<hbm>> -> memref<1x128xi32, #tpu.memory_space<hbm>>
        %dma_start3A_602 = tpu.memref_squeeze %dma_start3A_601 : memref<1x128xi32, #tpu.memory_space<hbm>> -> memref<128xi32, #tpu.memory_space<hbm>>
        tpu.enqueue_dma source(%dma_start3A_602 : memref<128xi32, #tpu.memory_space<hbm>>) target(%dma_start3A_599 : memref<128xi32, #tpu.memory_space<vmem>>) target_semaphore(%dma_start3A_596 : memref<!tpu.dma_semaphore, #tpu.memory_space<semaphore_mem>>)
        %add3A_603 = arith.addi %mul3A_2, %add3A_585 : i32
        %dma_start3A_604 = arith.constant 2 : i32
        %dma_start3A_605 = arith.constant 2 : i32
        %dma_start3A_606 = arith.constant 0 : i32
        %dma_start3A_607 = tpu.memref_slice %arg13[%dma_start3A_604, %dma_start3A_606] : memref<4x128xi32, #tpu.memory_space<vmem>> -> memref<1x128xi32, #tpu.memory_space<vmem>>
        %dma_start3A_608 = tpu.memref_squeeze %dma_start3A_607 : memref<1x128xi32, #tpu.memory_space<vmem>> -> memref<128xi32, #tpu.memory_space<vmem>>
        %dma_start3A_609 = arith.constant 0 : i32
        %dma_start3A_610 = tpu.memref_slice %arg4[%add3A_603, %dma_start3A_609] : memref<2560x128xi32, #tpu.memory_space<hbm>> -> memref<1x128xi32, #tpu.memory_space<hbm>>
        %dma_start3A_611 = tpu.memref_squeeze %dma_start3A_610 : memref<1x128xi32, #tpu.memory_space<hbm>> -> memref<128xi32, #tpu.memory_space<hbm>>
        %dma_start3A_612 = tpu.memref_slice %arg17[%dma_start3A_605] : memref<4x!tpu.dma_semaphore, #tpu.memory_space<semaphore_mem>> -> memref<1x!tpu.dma_semaphore, #tpu.memory_space<semaphore_mem>>
        %dma_start3A_613 = tpu.memref_squeeze %dma_start3A_612 : memref<1x!tpu.dma_semaphore, #tpu.memory_space<semaphore_mem>> -> memref<!tpu.dma_semaphore, #tpu.memory_space<semaphore_mem>>
        %dma_start3A_614 = arith.constant 0 : i32
        %dma_start3A_615 = tpu.memref_slice %arg13[%dma_start3A_604, %dma_start3A_614] : memref<4x128xi32, #tpu.memory_space<vmem>> -> memref<1x128xi32, #tpu.memory_space<vmem>>
        %dma_start3A_616 = tpu.memref_squeeze %dma_start3A_615 : memref<1x128xi32, #tpu.memory_space<vmem>> -> memref<128xi32, #tpu.memory_space<vmem>>
        %dma_start3A_617 = arith.constant 0 : i32
        %dma_start3A_618 = tpu.memref_slice %arg4[%add3A_603, %dma_start3A_617] : memref<2560x128xi32, #tpu.memory_space<hbm>> -> memref<1x128xi32, #tpu.memory_space<hbm>>
        %dma_start3A_619 = tpu.memref_squeeze %dma_start3A_618 : memref<1x128xi32, #tpu.memory_space<hbm>> -> memref<128xi32, #tpu.memory_space<hbm>>
        tpu.enqueue_dma source(%dma_start3A_619 : memref<128xi32, #tpu.memory_space<hbm>>) target(%dma_start3A_616 : memref<128xi32, #tpu.memory_space<vmem>>) target_semaphore(%dma_start3A_613 : memref<!tpu.dma_semaphore, #tpu.memory_space<semaphore_mem>>)
      } else {
      }
      %dma_wait3A_547 = arith.constant 3 : i32
      %dma_wait3A_548 = arith.constant 1 : i32
      %dma_wait3A_549 = arith.constant 1 : i32
      %dma_wait3A_550 = arith.constant 0 : i32
      %dma_wait3A_551 = arith.constant 0 : i32
      %dma_wait3A_552 = tpu.memref_slice %arg14[%dma_wait3A_548, %dma_wait3A_550, %dma_wait3A_551] : memref<2x128x128xf32, #tpu.memory_space<vmem>> -> memref<1x128x128xf32, #tpu.memory_space<vmem>>
      %dma_wait3A_553 = tpu.memref_squeeze %dma_wait3A_552 : memref<1x128x128xf32, #tpu.memory_space<vmem>> -> memref<128x128xf32, #tpu.memory_space<vmem>>
      %dma_wait3A_554 = arith.constant 0 : i32
      %dma_wait3A_555 = tpu.memref_slice %arg12[%dma_wait3A_547, %dma_wait3A_554] : memref<4x128xi32, #tpu.memory_space<vmem>> -> memref<1x128xi32, #tpu.memory_space<vmem>>
      %dma_wait3A_556 = tpu.memref_squeeze %dma_wait3A_555 : memref<1x128xi32, #tpu.memory_space<vmem>> -> memref<128xi32, #tpu.memory_space<vmem>>
      %dma_wait3A_557 = arith.constant 0 : i32
      %dma_wait3A_558 = arith.constant 0 : i32
      %dma_wait3A_559 = tpu.memref_slice %arg2[%dma_wait3A_557, %dma_wait3A_558] : memref<10240x128xf32, #tpu.memory_space<hbm>> -> memref<10240x128xf32, #tpu.memory_space<hbm>>
      %dma_wait3A_560 = tpu.memref_slice %arg18[%dma_wait3A_549] : memref<2x!tpu.dma_semaphore, #tpu.memory_space<semaphore_mem>> -> memref<1x!tpu.dma_semaphore, #tpu.memory_space<semaphore_mem>>
      %dma_wait3A_561 = tpu.memref_squeeze %dma_wait3A_560 : memref<1x!tpu.dma_semaphore, #tpu.memory_space<semaphore_mem>> -> memref<!tpu.dma_semaphore, #tpu.memory_space<semaphore_mem>>
      tpu.wait_indirect_dma semaphore(%dma_wait3A_561 : memref<!tpu.dma_semaphore, #tpu.memory_space<semaphore_mem>>) src(%dma_wait3A_559 : memref<10240x128xf32, #tpu.memory_space<hbm>>) dst(%dma_wait3A_553 : memref<128x128xf32, #tpu.memory_space<vmem>>)
      %dma_wait3A_562 = arith.constant 3 : i32
      %dma_wait3A_563 = arith.constant 1 : i32
      %dma_wait3A_564 = arith.constant 1 : i32
      %dma_wait3A_565 = arith.constant 0 : i32
      %dma_wait3A_566 = tpu.memref_slice %arg15[%dma_wait3A_563, %dma_wait3A_565] : memref<2x128xf32, #tpu.memory_space<vmem>> -> memref<1x128xf32, #tpu.memory_space<vmem>>
      %dma_wait3A_567 = tpu.memref_squeeze %dma_wait3A_566 : memref<1x128xf32, #tpu.memory_space<vmem>> -> memref<128xf32, #tpu.memory_space<vmem>>
      %dma_wait3A_568 = arith.constant 0 : i32
      %dma_wait3A_569 = tpu.memref_slice %arg13[%dma_wait3A_562, %dma_wait3A_568] : memref<4x128xi32, #tpu.memory_space<vmem>> -> memref<1x128xi32, #tpu.memory_space<vmem>>
      %dma_wait3A_570 = tpu.memref_squeeze %dma_wait3A_569 : memref<1x128xi32, #tpu.memory_space<vmem>> -> memref<128xi32, #tpu.memory_space<vmem>>
      %dma_wait3A_571 = arith.constant 0 : i32
      %dma_wait3A_572 = tpu.memref_slice %arg5[%dma_wait3A_571] : memref<10240xf32, #tpu.memory_space<hbm>> -> memref<10240xf32, #tpu.memory_space<hbm>>
      %dma_wait3A_573 = tpu.memref_slice %arg19[%dma_wait3A_564] : memref<2x!tpu.dma_semaphore, #tpu.memory_space<semaphore_mem>> -> memref<1x!tpu.dma_semaphore, #tpu.memory_space<semaphore_mem>>
      %dma_wait3A_574 = tpu.memref_squeeze %dma_wait3A_573 : memref<1x!tpu.dma_semaphore, #tpu.memory_space<semaphore_mem>> -> memref<!tpu.dma_semaphore, #tpu.memory_space<semaphore_mem>>
      tpu.wait_indirect_dma semaphore(%dma_wait3A_574 : memref<!tpu.dma_semaphore, #tpu.memory_space<semaphore_mem>>) src(%dma_wait3A_572 : memref<10240xf32, #tpu.memory_space<hbm>>) dst(%dma_wait3A_567 : memref<128xf32, #tpu.memory_space<vmem>>)
      %lt3A_575 = arith.constant 19 : i32
      %lt3A_576 = arith.cmpi slt, %scan3A_193, %lt3A_575 : i32
      %convert_element_type3A_577 = arith.extui %lt3A_576 : i1 to i32
      %cond3A_578 = arith.constant 0 : i32
      %cond3A_579 = arith.cmpi ne, %convert_element_type3A_577, %cond3A_578 : i32
      scf.if %cond3A_579 {
        %add3A_584 = arith.constant 1 : i32
        %add3A_585 = arith.addi %add3A_541, %add3A_584 : i32
        %add3A_586 = arith.addi %mul3A_2, %add3A_585 : i32
        %dma_wait3A_587 = arith.constant 0 : i32
        %dma_wait3A_588 = arith.constant 0 : i32
        %dma_wait3A_589 = arith.constant 0 : i32
        %dma_wait3A_590 = tpu.memref_slice %arg12[%dma_wait3A_587, %dma_wait3A_589] : memref<4x128xi32, #tpu.memory_space<vmem>> -> memref<1x128xi32, #tpu.memory_space<vmem>>
        %dma_wait3A_591 = tpu.memref_squeeze %dma_wait3A_590 : memref<1x128xi32, #tpu.memory_space<vmem>> -> memref<128xi32, #tpu.memory_space<vmem>>
        %dma_wait3A_592 = arith.constant 0 : i32
        %dma_wait3A_593 = tpu.memref_slice %arg3[%add3A_586, %dma_wait3A_592] : memref<2560x128xi32, #tpu.memory_space<hbm>> -> memref<1x128xi32, #tpu.memory_space<hbm>>
        %dma_wait3A_594 = tpu.memref_squeeze %dma_wait3A_593 : memref<1x128xi32, #tpu.memory_space<hbm>> -> memref<128xi32, #tpu.memory_space<hbm>>
        %dma_wait3A_595 = tpu.memref_slice %arg16[%dma_wait3A_588] : memref<4x!tpu.dma_semaphore, #tpu.memory_space<semaphore_mem>> -> memref<1x!tpu.dma_semaphore, #tpu.memory_space<semaphore_mem>>
        %dma_wait3A_596 = tpu.memref_squeeze %dma_wait3A_595 : memref<1x!tpu.dma_semaphore, #tpu.memory_space<semaphore_mem>> -> memref<!tpu.dma_semaphore, #tpu.memory_space<semaphore_mem>>
        %dma_wait3A_597 = arith.constant 0 : i32
        %dma_wait3A_598 = tpu.memref_slice %arg12[%dma_wait3A_587, %dma_wait3A_597] : memref<4x128xi32, #tpu.memory_space<vmem>> -> memref<1x128xi32, #tpu.memory_space<vmem>>
        %dma_wait3A_599 = tpu.memref_squeeze %dma_wait3A_598 : memref<1x128xi32, #tpu.memory_space<vmem>> -> memref<128xi32, #tpu.memory_space<vmem>>
        %dma_wait3A_600 = arith.constant 0 : i32
        %dma_wait3A_601 = tpu.memref_slice %arg3[%add3A_586, %dma_wait3A_600] : memref<2560x128xi32, #tpu.memory_space<hbm>> -> memref<1x128xi32, #tpu.memory_space<hbm>>
        %dma_wait3A_602 = tpu.memref_squeeze %dma_wait3A_601 : memref<1x128xi32, #tpu.memory_space<hbm>> -> memref<128xi32, #tpu.memory_space<hbm>>
        tpu.wait_dma2 semaphore(%dma_wait3A_596 : memref<!tpu.dma_semaphore, #tpu.memory_space<semaphore_mem>>) src(%dma_wait3A_602 : memref<128xi32, #tpu.memory_space<hbm>>) dst(%dma_wait3A_599 : memref<128xi32, #tpu.memory_space<vmem>>)
        %add3A_603 = arith.addi %mul3A_2, %add3A_585 : i32
        %dma_wait3A_604 = arith.constant 0 : i32
        %dma_wait3A_605 = arith.constant 0 : i32
        %dma_wait3A_606 = arith.constant 0 : i32
        %dma_wait3A_607 = tpu.memref_slice %arg13[%dma_wait3A_604, %dma_wait3A_606] : memref<4x128xi32, #tpu.memory_space<vmem>> -> memref<1x128xi32, #tpu.memory_space<vmem>>
        %dma_wait3A_608 = tpu.memref_squeeze %dma_wait3A_607 : memref<1x128xi32, #tpu.memory_space<vmem>> -> memref<128xi32, #tpu.memory_space<vmem>>
        %dma_wait3A_609 = arith.constant 0 : i32
        %dma_wait3A_610 = tpu.memref_slice %arg4[%add3A_603, %dma_wait3A_609] : memref<2560x128xi32, #tpu.memory_space<hbm>> -> memref<1x128xi32, #tpu.memory_space<hbm>>
        %dma_wait3A_611 = tpu.memref_squeeze %dma_wait3A_610 : memref<1x128xi32, #tpu.memory_space<hbm>> -> memref<128xi32, #tpu.memory_space<hbm>>
        %dma_wait3A_612 = tpu.memref_slice %arg17[%dma_wait3A_605] : memref<4x!tpu.dma_semaphore, #tpu.memory_space<semaphore_mem>> -> memref<1x!tpu.dma_semaphore, #tpu.memory_space<semaphore_mem>>
        %dma_wait3A_613 = tpu.memref_squeeze %dma_wait3A_612 : memref<1x!tpu.dma_semaphore, #tpu.memory_space<semaphore_mem>> -> memref<!tpu.dma_semaphore, #tpu.memory_space<semaphore_mem>>
        %dma_wait3A_614 = arith.constant 0 : i32
        %dma_wait3A_615 = tpu.memref_slice %arg13[%dma_wait3A_604, %dma_wait3A_614] : memref<4x128xi32, #tpu.memory_space<vmem>> -> memref<1x128xi32, #tpu.memory_space<vmem>>
        %dma_wait3A_616 = tpu.memref_squeeze %dma_wait3A_615 : memref<1x128xi32, #tpu.memory_space<vmem>> -> memref<128xi32, #tpu.memory_space<vmem>>
        %dma_wait3A_617 = arith.constant 0 : i32
        %dma_wait3A_618 = tpu.memref_slice %arg4[%add3A_603, %dma_wait3A_617] : memref<2560x128xi32, #tpu.memory_space<hbm>> -> memref<1x128xi32, #tpu.memory_space<hbm>>
        %dma_wait3A_619 = tpu.memref_squeeze %dma_wait3A_618 : memref<1x128xi32, #tpu.memory_space<hbm>> -> memref<128xi32, #tpu.memory_space<hbm>>
        tpu.wait_dma2 semaphore(%dma_wait3A_613 : memref<!tpu.dma_semaphore, #tpu.memory_space<semaphore_mem>>) src(%dma_wait3A_619 : memref<128xi32, #tpu.memory_space<hbm>>) dst(%dma_wait3A_616 : memref<128xi32, #tpu.memory_space<vmem>>)
        %dma_start3A_620 = arith.constant 0 : i32
        %dma_start3A_621 = arith.constant 0 : i32
        %dma_start3A_622 = arith.constant 0 : i32
        %dma_start3A_623 = arith.constant 0 : i32
        %dma_start3A_624 = arith.constant 0 : i32
        %dma_start3A_625 = tpu.memref_slice %arg14[%dma_start3A_621, %dma_start3A_623, %dma_start3A_624] : memref<2x128x128xf32, #tpu.memory_space<vmem>> -> memref<1x128x128xf32, #tpu.memory_space<vmem>>
        %dma_start3A_626 = tpu.memref_squeeze %dma_start3A_625 : memref<1x128x128xf32, #tpu.memory_space<vmem>> -> memref<128x128xf32, #tpu.memory_space<vmem>>
        %dma_start3A_627 = arith.constant 0 : i32
        %dma_start3A_628 = tpu.memref_slice %arg12[%dma_start3A_620, %dma_start3A_627] : memref<4x128xi32, #tpu.memory_space<vmem>> -> memref<1x128xi32, #tpu.memory_space<vmem>>
        %dma_start3A_629 = tpu.memref_squeeze %dma_start3A_628 : memref<1x128xi32, #tpu.memory_space<vmem>> -> memref<128xi32, #tpu.memory_space<vmem>>
        %dma_start3A_630 = arith.constant 0 : i32
        %dma_start3A_631 = arith.constant 0 : i32
        %dma_start3A_632 = tpu.memref_slice %arg2[%dma_start3A_630, %dma_start3A_631] : memref<10240x128xf32, #tpu.memory_space<hbm>> -> memref<10240x128xf32, #tpu.memory_space<hbm>>
        %dma_start3A_633 = tpu.memref_slice %arg18[%dma_start3A_622] : memref<2x!tpu.dma_semaphore, #tpu.memory_space<semaphore_mem>> -> memref<1x!tpu.dma_semaphore, #tpu.memory_space<semaphore_mem>>
        %dma_start3A_634 = tpu.memref_squeeze %dma_start3A_633 : memref<1x!tpu.dma_semaphore, #tpu.memory_space<semaphore_mem>> -> memref<!tpu.dma_semaphore, #tpu.memory_space<semaphore_mem>>
        tpu.enqueue_indirect_dma source(%dma_start3A_632 : memref<10240x128xf32, #tpu.memory_space<hbm>>) target(%dma_start3A_626 : memref<128x128xf32, #tpu.memory_space<vmem>>) offsets(%dma_start3A_629 : memref<128xi32, #tpu.memory_space<vmem>>) semaphore(%dma_start3A_634 : memref<!tpu.dma_semaphore, #tpu.memory_space<semaphore_mem>>)
        %dma_start3A_635 = arith.constant 0 : i32
        %dma_start3A_636 = arith.constant 0 : i32
        %dma_start3A_637 = arith.constant 0 : i32
        %dma_start3A_638 = arith.constant 0 : i32
        %dma_start3A_639 = tpu.memref_slice %arg15[%dma_start3A_636, %dma_start3A_638] : memref<2x128xf32, #tpu.memory_space<vmem>> -> memref<1x128xf32, #tpu.memory_space<vmem>>
        %dma_start3A_640 = tpu.memref_squeeze %dma_start3A_639 : memref<1x128xf32, #tpu.memory_space<vmem>> -> memref<128xf32, #tpu.memory_space<vmem>>
        %dma_start3A_641 = arith.constant 0 : i32
        %dma_start3A_642 = tpu.memref_slice %arg13[%dma_start3A_635, %dma_start3A_641] : memref<4x128xi32, #tpu.memory_space<vmem>> -> memref<1x128xi32, #tpu.memory_space<vmem>>
        %dma_start3A_643 = tpu.memref_squeeze %dma_start3A_642 : memref<1x128xi32, #tpu.memory_space<vmem>> -> memref<128xi32, #tpu.memory_space<vmem>>
        %dma_start3A_644 = arith.constant 0 : i32
        %dma_start3A_645 = tpu.memref_slice %arg5[%dma_start3A_644] : memref<10240xf32, #tpu.memory_space<hbm>> -> memref<10240xf32, #tpu.memory_space<hbm>>
        %dma_start3A_646 = tpu.memref_slice %arg19[%dma_start3A_637] : memref<2x!tpu.dma_semaphore, #tpu.memory_space<semaphore_mem>> -> memref<1x!tpu.dma_semaphore, #tpu.memory_space<semaphore_mem>>
        %dma_start3A_647 = tpu.memref_squeeze %dma_start3A_646 : memref<1x!tpu.dma_semaphore, #tpu.memory_space<semaphore_mem>> -> memref<!tpu.dma_semaphore, #tpu.memory_space<semaphore_mem>>
        tpu.enqueue_indirect_dma source(%dma_start3A_645 : memref<10240xf32, #tpu.memory_space<hbm>>) target(%dma_start3A_640 : memref<128xf32, #tpu.memory_space<vmem>>) offsets(%dma_start3A_643 : memref<128xi32, #tpu.memory_space<vmem>>) semaphore(%dma_start3A_647 : memref<!tpu.dma_semaphore, #tpu.memory_space<semaphore_mem>>)
      } else {
      }
      %run_scoped3A_580 = arith.constant 1 : i32
      %run_scoped3A_581 = arith.constant 3 : i32
      "tpu.region"() ({
        %run_scoped3A_584 = tpu.sem_alloc : memref<!tpu.dma_semaphore, #tpu.memory_space<semaphore_mem>>
        %dma_start3A_585 = arith.constant 0 : i32
        %dma_start3A_586 = arith.constant 0 : i32
        %dma_start3A_587 = tpu.memref_slice %arg14[%run_scoped3A_580, %dma_start3A_585, %dma_start3A_586] : memref<2x128x128xf32, #tpu.memory_space<vmem>> -> memref<1x128x128xf32, #tpu.memory_space<vmem>>
        %dma_start3A_588 = tpu.memref_squeeze %dma_start3A_587 : memref<1x128x128xf32, #tpu.memory_space<vmem>> -> memref<128x128xf32, #tpu.memory_space<vmem>>
        %dma_start3A_589 = arith.constant 0 : i32
        %dma_start3A_590 = tpu.memref_slice %arg13[%run_scoped3A_581, %dma_start3A_589] : memref<4x128xi32, #tpu.memory_space<vmem>> -> memref<1x128xi32, #tpu.memory_space<vmem>>
        %dma_start3A_591 = tpu.memref_squeeze %dma_start3A_590 : memref<1x128xi32, #tpu.memory_space<vmem>> -> memref<128xi32, #tpu.memory_space<vmem>>
        %dma_start3A_592 = arith.constant 0 : i32
        %dma_start3A_593 = arith.constant 0 : i32
        %dma_start3A_594 = tpu.memref_slice %arg10[%dma_start3A_592, %dma_start3A_593] : memref<10240x128xf32, #tpu.memory_space<vmem_shared>> -> memref<10240x128xf32, #tpu.memory_space<vmem_shared>>
        tpu.enqueue_indirect_dma source(%dma_start3A_588 : memref<128x128xf32, #tpu.memory_space<vmem>>) target(%dma_start3A_594 : memref<10240x128xf32, #tpu.memory_space<vmem_shared>>) offsets(%dma_start3A_591 : memref<128xi32, #tpu.memory_space<vmem>>) semaphore(%run_scoped3A_584 : memref<!tpu.dma_semaphore, #tpu.memory_space<semaphore_mem>>) {add = true}
        %dma_wait3A_595 = arith.constant 0 : i32
        %dma_wait3A_596 = arith.constant 0 : i32
        %dma_wait3A_597 = tpu.memref_slice %arg14[%run_scoped3A_580, %dma_wait3A_595, %dma_wait3A_596] : memref<2x128x128xf32, #tpu.memory_space<vmem>> -> memref<1x128x128xf32, #tpu.memory_space<vmem>>
        %dma_wait3A_598 = tpu.memref_squeeze %dma_wait3A_597 : memref<1x128x128xf32, #tpu.memory_space<vmem>> -> memref<128x128xf32, #tpu.memory_space<vmem>>
        %dma_wait3A_599 = arith.constant 0 : i32
        %dma_wait3A_600 = tpu.memref_slice %arg13[%run_scoped3A_581, %dma_wait3A_599] : memref<4x128xi32, #tpu.memory_space<vmem>> -> memref<1x128xi32, #tpu.memory_space<vmem>>
        %dma_wait3A_601 = tpu.memref_squeeze %dma_wait3A_600 : memref<1x128xi32, #tpu.memory_space<vmem>> -> memref<128xi32, #tpu.memory_space<vmem>>
        %dma_wait3A_602 = arith.constant 0 : i32
        %dma_wait3A_603 = arith.constant 0 : i32
        %dma_wait3A_604 = tpu.memref_slice %arg10[%dma_wait3A_602, %dma_wait3A_603] : memref<10240x128xf32, #tpu.memory_space<vmem_shared>> -> memref<10240x128xf32, #tpu.memory_space<vmem_shared>>
        tpu.wait_indirect_dma semaphore(%run_scoped3A_584 : memref<!tpu.dma_semaphore, #tpu.memory_space<semaphore_mem>>) src(%dma_wait3A_598 : memref<128x128xf32, #tpu.memory_space<vmem>>) dst(%dma_wait3A_604 : memref<10240x128xf32, #tpu.memory_space<vmem_shared>>)
        tpu.yield
      }) : () -> ()
      %run_scoped3A_582 = arith.constant 1 : i32
      %run_scoped3A_583 = arith.constant 3 : i32
      "tpu.region"() ({
        %run_scoped3A_584 = tpu.sem_alloc : memref<!tpu.dma_semaphore, #tpu.memory_space<semaphore_mem>>
        %dma_start3A_585 = arith.constant 0 : i32
        %dma_start3A_586 = tpu.memref_slice %arg15[%run_scoped3A_582, %dma_start3A_585] : memref<2x128xf32, #tpu.memory_space<vmem>> -> memref<1x128xf32, #tpu.memory_space<vmem>>
        %dma_start3A_587 = tpu.memref_squeeze %dma_start3A_586 : memref<1x128xf32, #tpu.memory_space<vmem>> -> memref<128xf32, #tpu.memory_space<vmem>>
        %dma_start3A_588 = arith.constant 0 : i32
        %dma_start3A_589 = tpu.memref_slice %arg12[%run_scoped3A_583, %dma_start3A_588] : memref<4x128xi32, #tpu.memory_space<vmem>> -> memref<1x128xi32, #tpu.memory_space<vmem>>
        %dma_start3A_590 = tpu.memref_squeeze %dma_start3A_589 : memref<1x128xi32, #tpu.memory_space<vmem>> -> memref<128xi32, #tpu.memory_space<vmem>>
        %dma_start3A_591 = arith.constant 0 : i32
        %dma_start3A_592 = tpu.memref_slice %arg11[%dma_start3A_591] : memref<10240xf32, #tpu.memory_space<vmem_shared>> -> memref<10240xf32, #tpu.memory_space<vmem_shared>>
        tpu.enqueue_indirect_dma source(%dma_start3A_587 : memref<128xf32, #tpu.memory_space<vmem>>) target(%dma_start3A_592 : memref<10240xf32, #tpu.memory_space<vmem_shared>>) offsets(%dma_start3A_590 : memref<128xi32, #tpu.memory_space<vmem>>) semaphore(%run_scoped3A_584 : memref<!tpu.dma_semaphore, #tpu.memory_space<semaphore_mem>>) {add = true}
        %dma_wait3A_593 = arith.constant 0 : i32
        %dma_wait3A_594 = tpu.memref_slice %arg15[%run_scoped3A_582, %dma_wait3A_593] : memref<2x128xf32, #tpu.memory_space<vmem>> -> memref<1x128xf32, #tpu.memory_space<vmem>>
        %dma_wait3A_595 = tpu.memref_squeeze %dma_wait3A_594 : memref<1x128xf32, #tpu.memory_space<vmem>> -> memref<128xf32, #tpu.memory_space<vmem>>
        %dma_wait3A_596 = arith.constant 0 : i32
        %dma_wait3A_597 = tpu.memref_slice %arg12[%run_scoped3A_583, %dma_wait3A_596] : memref<4x128xi32, #tpu.memory_space<vmem>> -> memref<1x128xi32, #tpu.memory_space<vmem>>
        %dma_wait3A_598 = tpu.memref_squeeze %dma_wait3A_597 : memref<1x128xi32, #tpu.memory_space<vmem>> -> memref<128xi32, #tpu.memory_space<vmem>>
        %dma_wait3A_599 = arith.constant 0 : i32
        %dma_wait3A_600 = tpu.memref_slice %arg11[%dma_wait3A_599] : memref<10240xf32, #tpu.memory_space<vmem_shared>> -> memref<10240xf32, #tpu.memory_space<vmem_shared>>
        tpu.wait_indirect_dma semaphore(%run_scoped3A_584 : memref<!tpu.dma_semaphore, #tpu.memory_space<semaphore_mem>>) src(%dma_wait3A_595 : memref<128xf32, #tpu.memory_space<vmem>>) dst(%dma_wait3A_600 : memref<10240xf32, #tpu.memory_space<vmem_shared>>)
        tpu.yield
      }) : () -> ()
    }
    %scan3A_181 = arith.constant 20 : i32
    %barrier3A_182 = arith.constant 0 : index
    tpu.barrier barrier_id(%barrier3A_182)
    %eq3A_183 = arith.constant 0 : i32
    %eq3A_184 = arith.cmpi eq, %arg0, %eq3A_183 : i32
    %convert_element_type3A_185 = arith.extui %eq3A_184 : i1 to i32
    %cond3A_186 = arith.constant 0 : i32
    %cond3A_187 = arith.cmpi ne, %convert_element_type3A_185, %cond3A_186 : i32
    scf.if %cond3A_187 {
      %run_scoped3A = arith.constant 0 : i32
      "tpu.region"() ({
        %run_scoped3A_198 = tpu.sem_alloc : memref<!tpu.dma_semaphore, #tpu.memory_space<semaphore_mem>>
        %dma_start3A_199 = arith.constant 0 : i32
        %dma_start3A_200 = arith.constant 0 : i32
        %dma_start3A_201 = tpu.memref_slice %arg8[%run_scoped3A, %dma_start3A_199, %dma_start3A_200] : memref<2x10240x128xf32, #tpu.memory_space<hbm>> -> memref<1x10240x128xf32, #tpu.memory_space<hbm>>
        %dma_start3A_202 = tpu.memref_squeeze %dma_start3A_201 : memref<1x10240x128xf32, #tpu.memory_space<hbm>> -> memref<10240x128xf32, #tpu.memory_space<hbm>>
        %dma_start3A_203 = arith.constant 0 : i32
        %dma_start3A_204 = tpu.memref_slice %dma_start3A_202[%mul3A_4, %dma_start3A_203] : memref<10240x128xf32, #tpu.memory_space<hbm>> -> memref<640x128xf32, #tpu.memory_space<hbm>>
        %dma_start3A_205 = arith.constant 0 : i32
        %dma_start3A_206 = tpu.memref_slice %arg10[%mul3A_4, %dma_start3A_205] : memref<10240x128xf32, #tpu.memory_space<vmem_shared>> -> memref<640x128xf32, #tpu.memory_space<vmem_shared>>
        tpu.enqueue_dma source(%dma_start3A_206 : memref<640x128xf32, #tpu.memory_space<vmem_shared>>) target(%dma_start3A_204 : memref<640x128xf32, #tpu.memory_space<hbm>>) target_semaphore(%run_scoped3A_198 : memref<!tpu.dma_semaphore, #tpu.memory_space<semaphore_mem>>)
        %dma_wait3A_207 = arith.constant 0 : i32
        %dma_wait3A_208 = arith.constant 0 : i32
        %dma_wait3A_209 = tpu.memref_slice %arg8[%run_scoped3A, %dma_wait3A_207, %dma_wait3A_208] : memref<2x10240x128xf32, #tpu.memory_space<hbm>> -> memref<1x10240x128xf32, #tpu.memory_space<hbm>>
        %dma_wait3A_210 = tpu.memref_squeeze %dma_wait3A_209 : memref<1x10240x128xf32, #tpu.memory_space<hbm>> -> memref<10240x128xf32, #tpu.memory_space<hbm>>
        %dma_wait3A_211 = arith.constant 0 : i32
        %dma_wait3A_212 = tpu.memref_slice %dma_wait3A_210[%mul3A_4, %dma_wait3A_211] : memref<10240x128xf32, #tpu.memory_space<hbm>> -> memref<640x128xf32, #tpu.memory_space<hbm>>
        %dma_wait3A_213 = arith.constant 0 : i32
        %dma_wait3A_214 = tpu.memref_slice %arg10[%mul3A_4, %dma_wait3A_213] : memref<10240x128xf32, #tpu.memory_space<vmem_shared>> -> memref<640x128xf32, #tpu.memory_space<vmem_shared>>
        tpu.wait_dma2 semaphore(%run_scoped3A_198 : memref<!tpu.dma_semaphore, #tpu.memory_space<semaphore_mem>>) src(%dma_wait3A_214 : memref<640x128xf32, #tpu.memory_space<vmem_shared>>) dst(%dma_wait3A_212 : memref<640x128xf32, #tpu.memory_space<hbm>>)
        tpu.yield
      }) : () -> ()
      %eq3A_193 = arith.constant 0 : i32
      %eq3A_194 = arith.cmpi eq, %arg1, %eq3A_193 : i32
      %convert_element_type3A_195 = arith.extui %eq3A_194 : i1 to i32
      %cond3A_196 = arith.constant 0 : i32
      %cond3A_197 = arith.cmpi ne, %convert_element_type3A_195, %cond3A_196 : i32
      scf.if %cond3A_197 {
        %run_scoped3A_198 = arith.constant 0 : i32
        "tpu.region"() ({
          %run_scoped3A_199 = tpu.sem_alloc : memref<!tpu.dma_semaphore, #tpu.memory_space<semaphore_mem>>
          %dma_start3A_200 = arith.constant 0 : i32
          %dma_start3A_201 = tpu.memref_slice %arg9[%run_scoped3A_198, %dma_start3A_200] : memref<2x10240xf32, #tpu.memory_space<hbm>> -> memref<1x10240xf32, #tpu.memory_space<hbm>>
          %dma_start3A_202 = tpu.memref_squeeze %dma_start3A_201 : memref<1x10240xf32, #tpu.memory_space<hbm>> -> memref<10240xf32, #tpu.memory_space<hbm>>
          tpu.enqueue_dma source(%arg11 : memref<10240xf32, #tpu.memory_space<vmem_shared>>) target(%dma_start3A_202 : memref<10240xf32, #tpu.memory_space<hbm>>) target_semaphore(%run_scoped3A_199 : memref<!tpu.dma_semaphore, #tpu.memory_space<semaphore_mem>>)
          %dma_wait3A_203 = arith.constant 0 : i32
          %dma_wait3A_204 = tpu.memref_slice %arg9[%run_scoped3A_198, %dma_wait3A_203] : memref<2x10240xf32, #tpu.memory_space<hbm>> -> memref<1x10240xf32, #tpu.memory_space<hbm>>
          %dma_wait3A_205 = tpu.memref_squeeze %dma_wait3A_204 : memref<1x10240xf32, #tpu.memory_space<hbm>> -> memref<10240xf32, #tpu.memory_space<hbm>>
          tpu.wait_dma2 semaphore(%run_scoped3A_199 : memref<!tpu.dma_semaphore, #tpu.memory_space<semaphore_mem>>) src(%arg11 : memref<10240xf32, #tpu.memory_space<vmem_shared>>) dst(%dma_wait3A_205 : memref<10240xf32, #tpu.memory_space<hbm>>)
          tpu.yield
        }) : () -> ()
      } else {
      }
    } else {
    }
    %eq3A_188 = arith.constant 1 : i32
    %eq3A_189 = arith.cmpi eq, %arg0, %eq3A_188 : i32
    %convert_element_type3A_190 = arith.extui %eq3A_189 : i1 to i32
    %cond3A_191 = arith.constant 0 : i32
    %cond3A_192 = arith.cmpi ne, %convert_element_type3A_190, %cond3A_191 : i32
    scf.if %cond3A_192 {
      %run_scoped3A = arith.constant 1 : i32
      "tpu.region"() ({
        %run_scoped3A_198 = tpu.sem_alloc : memref<!tpu.dma_semaphore, #tpu.memory_space<semaphore_mem>>
        %dma_start3A_199 = arith.constant 0 : i32
        %dma_start3A_200 = arith.constant 0 : i32
        %dma_start3A_201 = tpu.memref_slice %arg8[%run_scoped3A, %dma_start3A_199, %dma_start3A_200] : memref<2x10240x128xf32, #tpu.memory_space<hbm>> -> memref<1x10240x128xf32, #tpu.memory_space<hbm>>
        %dma_start3A_202 = tpu.memref_squeeze %dma_start3A_201 : memref<1x10240x128xf32, #tpu.memory_space<hbm>> -> memref<10240x128xf32, #tpu.memory_space<hbm>>
        %dma_start3A_203 = arith.constant 0 : i32
        %dma_start3A_204 = tpu.memref_slice %dma_start3A_202[%mul3A_4, %dma_start3A_203] : memref<10240x128xf32, #tpu.memory_space<hbm>> -> memref<640x128xf32, #tpu.memory_space<hbm>>
        %dma_start3A_205 = arith.constant 0 : i32
        %dma_start3A_206 = tpu.memref_slice %arg10[%mul3A_4, %dma_start3A_205] : memref<10240x128xf32, #tpu.memory_space<vmem_shared>> -> memref<640x128xf32, #tpu.memory_space<vmem_shared>>
        tpu.enqueue_dma source(%dma_start3A_206 : memref<640x128xf32, #tpu.memory_space<vmem_shared>>) target(%dma_start3A_204 : memref<640x128xf32, #tpu.memory_space<hbm>>) target_semaphore(%run_scoped3A_198 : memref<!tpu.dma_semaphore, #tpu.memory_space<semaphore_mem>>)
        %dma_wait3A_207 = arith.constant 0 : i32
        %dma_wait3A_208 = arith.constant 0 : i32
        %dma_wait3A_209 = tpu.memref_slice %arg8[%run_scoped3A, %dma_wait3A_207, %dma_wait3A_208] : memref<2x10240x128xf32, #tpu.memory_space<hbm>> -> memref<1x10240x128xf32, #tpu.memory_space<hbm>>
        %dma_wait3A_210 = tpu.memref_squeeze %dma_wait3A_209 : memref<1x10240x128xf32, #tpu.memory_space<hbm>> -> memref<10240x128xf32, #tpu.memory_space<hbm>>
        %dma_wait3A_211 = arith.constant 0 : i32
        %dma_wait3A_212 = tpu.memref_slice %dma_wait3A_210[%mul3A_4, %dma_wait3A_211] : memref<10240x128xf32, #tpu.memory_space<hbm>> -> memref<640x128xf32, #tpu.memory_space<hbm>>
        %dma_wait3A_213 = arith.constant 0 : i32
        %dma_wait3A_214 = tpu.memref_slice %arg10[%mul3A_4, %dma_wait3A_213] : memref<10240x128xf32, #tpu.memory_space<vmem_shared>> -> memref<640x128xf32, #tpu.memory_space<vmem_shared>>
        tpu.wait_dma2 semaphore(%run_scoped3A_198 : memref<!tpu.dma_semaphore, #tpu.memory_space<semaphore_mem>>) src(%dma_wait3A_214 : memref<640x128xf32, #tpu.memory_space<vmem_shared>>) dst(%dma_wait3A_212 : memref<640x128xf32, #tpu.memory_space<hbm>>)
        tpu.yield
      }) : () -> ()
      %eq3A_193 = arith.constant 0 : i32
      %eq3A_194 = arith.cmpi eq, %arg1, %eq3A_193 : i32
      %convert_element_type3A_195 = arith.extui %eq3A_194 : i1 to i32
      %cond3A_196 = arith.constant 0 : i32
      %cond3A_197 = arith.cmpi ne, %convert_element_type3A_195, %cond3A_196 : i32
      scf.if %cond3A_197 {
        %run_scoped3A_198 = arith.constant 1 : i32
        "tpu.region"() ({
          %run_scoped3A_199 = tpu.sem_alloc : memref<!tpu.dma_semaphore, #tpu.memory_space<semaphore_mem>>
          %dma_start3A_200 = arith.constant 0 : i32
          %dma_start3A_201 = tpu.memref_slice %arg9[%run_scoped3A_198, %dma_start3A_200] : memref<2x10240xf32, #tpu.memory_space<hbm>> -> memref<1x10240xf32, #tpu.memory_space<hbm>>
          %dma_start3A_202 = tpu.memref_squeeze %dma_start3A_201 : memref<1x10240xf32, #tpu.memory_space<hbm>> -> memref<10240xf32, #tpu.memory_space<hbm>>
          tpu.enqueue_dma source(%arg11 : memref<10240xf32, #tpu.memory_space<vmem_shared>>) target(%dma_start3A_202 : memref<10240xf32, #tpu.memory_space<hbm>>) target_semaphore(%run_scoped3A_199 : memref<!tpu.dma_semaphore, #tpu.memory_space<semaphore_mem>>)
          %dma_wait3A_203 = arith.constant 0 : i32
          %dma_wait3A_204 = tpu.memref_slice %arg9[%run_scoped3A_198, %dma_wait3A_203] : memref<2x10240xf32, #tpu.memory_space<hbm>> -> memref<1x10240xf32, #tpu.memory_space<hbm>>
          %dma_wait3A_205 = tpu.memref_squeeze %dma_wait3A_204 : memref<1x10240xf32, #tpu.memory_space<hbm>> -> memref<10240xf32, #tpu.memory_space<hbm>>
          tpu.wait_dma2 semaphore(%run_scoped3A_199 : memref<!tpu.dma_semaphore, #tpu.memory_space<semaphore_mem>>) src(%arg11 : memref<10240xf32, #tpu.memory_space<vmem_shared>>) dst(%dma_wait3A_205 : memref<10240xf32, #tpu.memory_space<hbm>>)
          tpu.yield
        }) : () -> ()
      } else {
      }
    } else {
    }
    return
  }
}

module attributes {stable_mosaic.version = 14 : i64} {
  func.func @_prep_body(%arg0: memref<10000x128xf32, #tpu.memory_space<vmem>>, %arg1: memref<128x128xf32, #tpu.memory_space<vmem>>, %arg2: memref<2x10240x1xf32, #tpu.memory_space<vmem>>, %arg3: memref<2x10240x1xf32, #tpu.memory_space<vmem>>, %arg4: memref<10240x128xf32, #tpu.memory_space<vmem>>, %arg5: memref<10240x1xf32, #tpu.memory_space<vmem>>, %arg6: memref<10240x1xf32, #tpu.memory_space<vmem>>) attributes {dimension_semantics = [], scalar_prefetch = 0 : i64, scratch_operands = 0 : i64, tpu.core_type = #tpu.core_type<tc>} {
    %get3A = arith.constant 0 : index
    %get3A_0 = arith.constant 0 : index
    %get3A_1 = arith.constant 0 : index
    %get3A_2 = vector.load %arg2[%get3A, %get3A_0, %get3A_1] : memref<2x10240x1xf32, #tpu.memory_space<vmem>>, vector<1x10240x1xf32>
    %get3A_3 = vector.shape_cast %get3A_2 : vector<1x10240x1xf32> to vector<10240x1xf32>
    %get3A_4 = arith.constant 1 : index
    %get3A_5 = arith.constant 0 : index
    %get3A_6 = arith.constant 0 : index
    %get3A_7 = vector.load %arg2[%get3A_4, %get3A_5, %get3A_6] : memref<2x10240x1xf32, #tpu.memory_space<vmem>>, vector<1x10240x1xf32>
    %get3A_8 = vector.shape_cast %get3A_7 : vector<1x10240x1xf32> to vector<10240x1xf32>
    %add3A = arith.addf %get3A_3, %get3A_8 : vector<10240x1xf32>
    %get3A_9 = arith.constant 0 : index
    %get3A_10 = arith.constant 0 : index
    %get3A_11 = arith.constant 0 : index
    %get3A_12 = vector.load %arg3[%get3A_9, %get3A_10, %get3A_11] : memref<2x10240x1xf32, #tpu.memory_space<vmem>>, vector<1x10240x1xf32>
    %get3A_13 = vector.shape_cast %get3A_12 : vector<1x10240x1xf32> to vector<10240x1xf32>
    %get3A_14 = arith.constant 1 : index
    %get3A_15 = arith.constant 0 : index
    %get3A_16 = arith.constant 0 : index
    %get3A_17 = vector.load %arg3[%get3A_14, %get3A_15, %get3A_16] : memref<2x10240x1xf32, #tpu.memory_space<vmem>>, vector<1x10240x1xf32>
    %get3A_18 = vector.shape_cast %get3A_17 : vector<1x10240x1xf32> to vector<10240x1xf32>
    %add3A_19 = arith.addf %get3A_13, %get3A_18 : vector<10240x1xf32>
    %gt3A = arith.constant 0.000000e+00 : f32
    %gt3A_20 = vector.broadcast %gt3A : f32 to vector<10240x1xf32>
    %gt3A_21 = arith.cmpf ogt, %add3A, %gt3A_20 : vector<10240x1xf32>
    %jit3A = arith.constant 1.000000e+00 : f32
    %broadcast_in_dim3A = vector.broadcast %jit3A : f32 to vector<10240x1xf32>
    %select_n3A = arith.select %gt3A_21, %add3A, %broadcast_in_dim3A : vector<10240x1xi1>, vector<10240x1xf32>
    %rsqrt3A = math.rsqrt %select_n3A : vector<10240x1xf32>
    %gt3A_22 = arith.constant 0.000000e+00 : f32
    %gt3A_23 = vector.broadcast %gt3A_22 : f32 to vector<10240x1xf32>
    %gt3A_24 = arith.cmpf ogt, %add3A_19, %gt3A_23 : vector<10240x1xf32>
    %jit3A_25 = arith.constant 1.000000e+00 : f32
    %broadcast_in_dim3A_26 = vector.broadcast %jit3A_25 : f32 to vector<10240x1xf32>
    %select_n3A_27 = arith.select %gt3A_24, %add3A_19, %broadcast_in_dim3A_26 : vector<10240x1xi1>, vector<10240x1xf32>
    %rsqrt3A_28 = math.rsqrt %select_n3A_27 : vector<10240x1xf32>
    %get3A_29 = arith.constant 0 : index
    %get3A_30 = arith.constant 0 : index
    %get3A_31 = vector.load %arg0[%get3A_29, %get3A_30] : memref<10000x128xf32, #tpu.memory_space<vmem>>, vector<10000x128xf32>
    %get3A_32 = arith.constant 0 : index
    %get3A_33 = arith.constant 0 : index
    %get3A_34 = vector.load %arg1[%get3A_32, %get3A_33] : memref<128x128xf32, #tpu.memory_space<vmem>>, vector<128x128xf32>
    %dot_general3A = arith.constant dense<0.000000e+00> : vector<10000x128xf32>
    %dot_general3A_35 = tpu.matmul %get3A_31, %get3A_34, %dot_general3A {dimension_numbers = #tpu.dot_dimension_numbers<[1], [0], [0], [1], [0, 0, 1, 1], [], []>, transpose_lhs_hint = false} : vector<10000x128xf32>, vector<128x128xf32>, vector<10000x128xf32> -> vector<10000x128xf32>
    %slice3A = vector.extract_strided_slice %rsqrt3A {offsets = [0, 0], sizes = [10000, 1], strides = [1, 1]} : vector<10240x1xf32> to vector<10000x1xf32>
    %mul3A = vector.broadcast %slice3A : vector<10000x1xf32> to vector<10000x128xf32>
    %mul3A_36 = arith.mulf %dot_general3A_35, %mul3A : vector<10000x128xf32>
    %swap3A = arith.constant 0 : index
    %swap3A_37 = arith.constant 0 : index
    %swap3A_38 = vector.load %arg4[%swap3A, %swap3A_37] : memref<10240x128xf32, #tpu.memory_space<vmem>>, vector<10000x128xf32>
    tpu.vector_store %arg4[%swap3A, %swap3A_37], %mul3A_36 {strides = array<i32>} : memref<10240x128xf32, #tpu.memory_space<vmem>>, vector<10000x128xf32>,
    %broadcast_in_dim3A_39 = arith.constant 0.000000e+00 : f32
    %broadcast_in_dim3A_40 = vector.broadcast %broadcast_in_dim3A_39 : f32 to vector<240x128xf32>
    %swap3A_41 = arith.constant 10000 : index
    %swap3A_42 = arith.constant 0 : index
    %swap3A_43 = vector.load %arg4[%swap3A_41, %swap3A_42] : memref<10240x128xf32, #tpu.memory_space<vmem>>, vector<240x128xf32>
    tpu.vector_store %arg4[%swap3A_41, %swap3A_42], %broadcast_in_dim3A_40 {strides = array<i32>} : memref<10240x128xf32, #tpu.memory_space<vmem>>, vector<240x128xf32>,
    %swap3A_44 = arith.constant 0 : index
    %swap3A_45 = arith.constant 0 : index
    %swap3A_46 = vector.load %arg5[%swap3A_44, %swap3A_45] : memref<10240x1xf32, #tpu.memory_space<vmem>>, vector<10240x1xf32>
    tpu.vector_store %arg5[%swap3A_44, %swap3A_45], %rsqrt3A {strides = array<i32>} : memref<10240x1xf32, #tpu.memory_space<vmem>>, vector<10240x1xf32>,
    %swap3A_47 = arith.constant 0 : index
    %swap3A_48 = arith.constant 0 : index
    %swap3A_49 = vector.load %arg6[%swap3A_47, %swap3A_48] : memref<10240x1xf32, #tpu.memory_space<vmem>>, vector<10240x1xf32>
    tpu.vector_store %arg6[%swap3A_47, %swap3A_48], %rsqrt3A_28 {strides = array<i32>} : memref<10240x1xf32, #tpu.memory_space<vmem>>, vector<10240x1xf32>,
    return
  }
}

module attributes {stable_mosaic.version = 14 : i64} {
  func.func @_final_body(%arg0: memref<2x10240x128xf32, #tpu.memory_space<vmem>>, %arg1: memref<10240x1xf32, #tpu.memory_space<vmem>>, %arg2: memref<10240x1xf32, #tpu.memory_space<vmem>>, %arg3: memref<2x10240x1xf32, #tpu.memory_space<vmem>>, %arg4: memref<128xf32, #tpu.memory_space<vmem>>, %arg5: memref<128x128xf32, #tpu.memory_space<vmem>>, %arg6: memref<128xf32, #tpu.memory_space<vmem>>, %arg7: memref<128x16xf32, #tpu.memory_space<vmem>>, %arg8: memref<16xf32, #tpu.memory_space<vmem>>, %arg9: memref<1x16xf32, #tpu.memory_space<vmem>>) attributes {dimension_semantics = [], scalar_prefetch = 0 : i64, scratch_operands = 0 : i64, tpu.core_type = #tpu.core_type<tc>} {
    %get3A = arith.constant 0 : index
    %get3A_0 = arith.constant 0 : index
    %get3A_1 = arith.constant 0 : index
    %get3A_2 = vector.load %arg0[%get3A, %get3A_0, %get3A_1] : memref<2x10240x128xf32, #tpu.memory_space<vmem>>, vector<1x10240x128xf32>
    %get3A_3 = vector.shape_cast %get3A_2 : vector<1x10240x128xf32> to vector<10240x128xf32>
    %get3A_4 = arith.constant 1 : index
    %get3A_5 = arith.constant 0 : index
    %get3A_6 = arith.constant 0 : index
    %get3A_7 = vector.load %arg0[%get3A_4, %get3A_5, %get3A_6] : memref<2x10240x128xf32, #tpu.memory_space<vmem>>, vector<1x10240x128xf32>
    %get3A_8 = vector.shape_cast %get3A_7 : vector<1x10240x128xf32> to vector<10240x128xf32>
    %add3A = arith.addf %get3A_3, %get3A_8 : vector<10240x128xf32>
    %get3A_9 = arith.constant 0 : index
    %get3A_10 = arith.constant 0 : index
    %get3A_11 = vector.load %arg2[%get3A_9, %get3A_10] : memref<10240x1xf32, #tpu.memory_space<vmem>>, vector<10240x1xf32>
    %mul3A = vector.broadcast %get3A_11 : vector<10240x1xf32> to vector<10240x128xf32>
    %mul3A_12 = arith.mulf %add3A, %mul3A : vector<10240x128xf32>
    %get3A_13 = arith.constant 0 : index
    %get3A_14 = vector.load %arg4[%get3A_13] : memref<128xf32, #tpu.memory_space<vmem>>, vector<128xf32>
    %broadcast_in_dim3A = vector.shape_cast %get3A_14 : vector<128xf32> to vector<1x128xf32>
    %add3A_15 = vector.broadcast %broadcast_in_dim3A : vector<1x128xf32> to vector<10240x128xf32>
    %add3A_16 = arith.addf %mul3A_12, %add3A_15 : vector<10240x128xf32>
    %max3A = arith.constant 0.000000e+00 : f32
    %max3A_17 = vector.broadcast %max3A : f32 to vector<10240x128xf32>
    %max3A_18 = arith.maximumf %add3A_16, %max3A_17 : vector<10240x128xf32>
    %get3A_19 = arith.constant 0 : index
    %get3A_20 = arith.constant 0 : index
    %get3A_21 = vector.load %arg1[%get3A_19, %get3A_20] : memref<10240x1xf32, #tpu.memory_space<vmem>>, vector<10240x1xf32>
    %get3A_22 = arith.constant 0 : index
    %get3A_23 = arith.constant 0 : index
    %get3A_24 = arith.constant 0 : index
    %get3A_25 = vector.load %arg3[%get3A_22, %get3A_23, %get3A_24] : memref<2x10240x1xf32, #tpu.memory_space<vmem>>, vector<1x10240x1xf32>
    %get3A_26 = vector.shape_cast %get3A_25 : vector<1x10240x1xf32> to vector<10240x1xf32>
    %get3A_27 = arith.constant 1 : index
    %get3A_28 = arith.constant 0 : index
    %get3A_29 = arith.constant 0 : index
    %get3A_30 = vector.load %arg3[%get3A_27, %get3A_28, %get3A_29] : memref<2x10240x1xf32, #tpu.memory_space<vmem>>, vector<1x10240x1xf32>
    %get3A_31 = vector.shape_cast %get3A_30 : vector<1x10240x1xf32> to vector<10240x1xf32>
    %add3A_32 = arith.addf %get3A_26, %get3A_31 : vector<10240x1xf32>
    %mul3A_33 = arith.mulf %get3A_21, %add3A_32 : vector<10240x1xf32>
    %iota3A = tpu.iota {dimensions = array<i32: 0>} : vector<10240x1xi32>
    %lt3A = arith.constant 10000 : i32
    %lt3A_34 = vector.broadcast %lt3A : i32 to vector<10240x1xi32>
    %lt3A_35 = arith.cmpi slt, %iota3A, %lt3A_34 : vector<10240x1xi32>
    %jit3A = arith.constant 0.000000e+00 : f32
    %broadcast_in_dim3A_36 = vector.broadcast %jit3A : f32 to vector<10240x1xf32>
    %select_n3A = arith.select %lt3A_35, %mul3A_33, %broadcast_in_dim3A_36 : vector<10240x1xi1>, vector<10240x1xf32>
    %mul3A_37 = vector.broadcast %select_n3A : vector<10240x1xf32> to vector<10240x128xf32>
    %mul3A_38 = arith.mulf %max3A_18, %mul3A_37 : vector<10240x128xf32>
    %reduce_sum3A = arith.constant dense<0.000000e+00> : vector<128xf32>
    %reduce_sum3A_39 = vector.multi_reduction <add>, %mul3A_38, %reduce_sum3A [0] : vector<10240x128xf32> to vector<128xf32>
    %broadcast_in_dim3A_40 = vector.shape_cast %reduce_sum3A_39 : vector<128xf32> to vector<1x128xf32>
    %mul3A_41 = arith.constant 9.99999974E-5 : f32
    %mul3A_42 = vector.broadcast %mul3A_41 : f32 to vector<1x128xf32>
    %mul3A_43 = arith.mulf %broadcast_in_dim3A_40, %mul3A_42 : vector<1x128xf32>
    %get3A_44 = arith.constant 0 : index
    %get3A_45 = arith.constant 0 : index
    %get3A_46 = vector.load %arg5[%get3A_44, %get3A_45] : memref<128x128xf32, #tpu.memory_space<vmem>>, vector<128x128xf32>
    %dot_general3A = arith.constant dense<0.000000e+00> : vector<1x128xf32>
    %dot_general3A_47 = tpu.matmul %mul3A_43, %get3A_46, %dot_general3A {dimension_numbers = #tpu.dot_dimension_numbers<[1], [0], [0], [1], [0, 0, 1, 1], [], []>, transpose_lhs_hint = false} : vector<1x128xf32>, vector<128x128xf32>, vector<1x128xf32> -> vector<1x128xf32>
    %get3A_48 = arith.constant 0 : index
    %get3A_49 = vector.load %arg6[%get3A_48] : memref<128xf32, #tpu.memory_space<vmem>>, vector<128xf32>
    %broadcast_in_dim3A_50 = vector.shape_cast %get3A_49 : vector<128xf32> to vector<1x128xf32>
    %add3A_51 = arith.addf %dot_general3A_47, %broadcast_in_dim3A_50 : vector<1x128xf32>
    %get3A_52 = arith.constant 0 : index
    %get3A_53 = arith.constant 0 : index
    %get3A_54 = vector.load %arg7[%get3A_52, %get3A_53] : memref<128x16xf32, #tpu.memory_space<vmem>>, vector<128x16xf32>
    %dot_general3A_55 = arith.constant dense<0.000000e+00> : vector<1x16xf32>
    %dot_general3A_56 = tpu.matmul %add3A_51, %get3A_54, %dot_general3A_55 {dimension_numbers = #tpu.dot_dimension_numbers<[1], [0], [0], [1], [0, 0, 1, 1], [], []>, transpose_lhs_hint = false} : vector<1x128xf32>, vector<128x16xf32>, vector<1x16xf32> -> vector<1x16xf32>
    %get3A_57 = arith.constant 0 : index
    %get3A_58 = vector.load %arg8[%get3A_57] : memref<16xf32, #tpu.memory_space<vmem>>, vector<16xf32>
    %broadcast_in_dim3A_59 = vector.shape_cast %get3A_58 : vector<16xf32> to vector<1x16xf32>
    %add3A_60 = arith.addf %dot_general3A_56, %broadcast_in_dim3A_59 : vector<1x16xf32>
    %swap3A = arith.constant 0 : index
    %swap3A_61 = arith.constant 0 : index
    %swap3A_62 = vector.load %arg9[%swap3A, %swap3A_61] : memref<1x16xf32, #tpu.memory_space<vmem>>, vector<1x16xf32>
    tpu.vector_store %arg9[%swap3A, %swap3A_61], %add3A_60 {strides = array<i32>} : memref<1x16xf32, #tpu.memory_space<vmem>>, vector<1x16xf32>,
    return
  }
}

</mosaic_0001>

<sc_bundles>
// kernel: kernel.6.cloned.1.call-start
scs
__scs_entry_jumppad:
0x0: {  	(pc) =	sbr.rel $0x88, $3  }
0x1: {  	(tag) =	ssettag $0x0;
	lr =	simm.s32 $0x1  }
0x2: {  	[smem:$0x3F99] =	sst lr;
	_ =	strace $0xD0000000  }
0x3: {  	_ = 	snop  }
0x4: {  	_ = 	snop  }
0x5: {  	_ = 	snop  }
0x6: {  	_ = 	snop  }
0x7: {  	_ = 	snop  }
__scs_overlays_trampoline_lowered:
0x8: {  	[smem:$0x3FA8] =	sst s0  }
0x9: {  	[smem:$0x3FA9] =	sst s1  }
0xa: {  	[smem:$0x3FAA] =	sst s2  }
0xb: {  	[smem:$0x3FAB] =	sst s3  }
0xc: {  	[smem:$0x3FAC] =	sst s4  }
0xd: {  	[smem:$0x3FAD] =	sst s5  }
0xe: {  	[smem:$0x3FAE] =	sst s6  }
0xf: {  	[smem:$0x3FAF] =	sst s7  }
0x10: {  	[smem:$0x3FB0] =	sst s8  }
0x11: {  	[smem:$0x3FB1] =	sst s9;
	s0 =	simm.s32 @!p0 $0x0  }
0x12: {  	s1 =	sld [smem:$0x3F97];
	s0 =	simm.s32 @p0 $0x1  }
0x13: {  	[smem:$0x3FB2] =	sst s0;
	s0 =	simm.s32 @!p1 $0x0  }
0x14: {  	s2 =	sld [smem:$0x3F96];
	s0 =	simm.s32 @p1 $0x1  }
0x15: {  	[smem:$0x3FB3] =	sst s0;
	s0 =	simm.s32 @!p2 $0x0  }
0x16: {  	s3 =	sld [smem:$0x3FDB];
	s0 =	simm.s32 @p2 $0x1  }
0x17: {  	s4 =	simm.s32 $0x1BF5;
	[smem:$0x3FB5] =	sst s0  }
0x18: {  	s0 =	sld [smem:$0x3F98];
	_ =	swait.ge [sflag:s4], $0x0  }
0x19: {  	s7 =	sld [smem:$0x3F99]  }
0x1a: {  	s8 =	sadd.s32 $0xFFFFE003, lr  }
0x1b: {  	s9 =	sadd.s32 $0xFFFFFEF7, lr;
	s5 =	simm.s32 $0xFFFFFFFF;
	p2 =	slt.u32 s8, $0xFFFFF086  }
0x1c: {  	p1 =	slt.u32 s9, $0xF7A;
	s5 =	simm.s32 @!p2 $0x0  }
0x1d: {  	s5 =	simm.s32 @p1 $0x1;
	p0 =	seq.s32 s7, s2  }
0x1e: {  	s7 =	smul.u32 @!p0 $0xF7A, s2;
	p2 =	seq.s32 @!p0 s5, $0x0  }
0x1f: {  	s9 =	smul.u32 $0xF7A, s1;
	s8 =	simm.s32 @!p0 $0x1BF5;
	p2 =	por !p2, p0  }
0x20: {  	[sflag:s8] =	ssyncset.s32 @!p0 $0xFFFFF086;
	s6 =	sadd.s32 @!p0 s3, s7;
	s7 =	simm.s32 @!p0 $0x108  }
0x21: {  	s3 =	sadd.s32 s3, s9;
	s6 =	sadd.s32 @!p0 $0x88, s6;
	s7 =	simm.s32 @p2 $0x1082  }
0x22: {  	[simem:s7], [sflag:s8] =	dma.local @!p0 [hbm:s6], $0xF7A  }
0x23: {  	s9 =	sor.u32 $0xD0000000, s2;
	s6 =	simm.s32 $0x108;
	_ =	swait.ge @!p0 [sflag:s8], $0x0  }
0x24: {  	s3 =	sadd.s32 $0x88, s3;
	s6 =	simm.s32 @!p1 $0x1082;
	[sflag:s4] =	ssyncset.s32 $0xFFFFF086  }
0x25: {  	[simem:s6], [sflag:s4] =	dma.local [hbm:s3], $0xF7A  }
0x26: {  	[smem:$0x3F99] =	sst s1;
	(tag) =	ssettag s2;
	_ =	strace s9  }
0x27: {  	s1 =	sld [smem:$0x3FA9]  }
0x28: {  	s2 =	sld [smem:$0x3FAA]  }
0x29: {  	s4 =	sld [smem:$0x3FAC]  }
0x2a: {  	p0 =	seq.s32 s5, $0x0;
	s5 =	sld [smem:$0x3FAD]  }
0x2b: {  	s6 =	sld [smem:$0x3FAE]  }
0x2c: {  	s7 =	sld [smem:$0x3FAF]  }
0x2d: {  	s3 =	simm.s32 $0x108;
	s8 =	sld [smem:$0x3FB0]  }
0x2e: {  	s3 =	simm.s32 @!p0 $0x1082;
	s9 =	sld [smem:$0x3FB1]  }
0x2f: {  	lr =	sadd.s32 s0, s3;
	s0 =	sld [smem:$0x3FA8]  }
0x30: {  	s3 =	sld [smem:$0x3FAB]  }
0x31: {  	[smem:$0x3FB4] =	sst s10  }
0x32: {  	s10 =	sld [smem:$0x3FB2];
	_ =	sdelay $0x3  }
0x33: {  	p0 =	seq.s32 s10, $0x1;
	s10 =	sld [smem:$0x3FB4];
	_ =	sdelay $0x3  }
0x34: {  	[smem:$0x3FB4] =	sst s10  }
0x35: {  	s10 =	sld [smem:$0x3FB3];
	_ =	sdelay $0x3  }
0x36: {  	p1 =	seq.s32 s10, $0x1;
	s10 =	sld [smem:$0x3FB4];
	_ =	sdelay $0x3  }
0x37: {  	[smem:$0x3FB4] =	sst s10  }
0x38: {  	s10 =	sld [smem:$0x3FB5]  }
0x39: {  	_ = 	snop;
	(pc) =	sbr.ind lr, $3  }
0x3a: {  	_ = 	snop  }
0x3b: {  	_ = 	snop  }
0x3c: {  	p2 =	seq.s32 s10, $0x1;
	s10 =	sld [smem:$0x3FB4]  }
0x3d: {  	_ =	shalt  }
0x3e: {  	_ =	shalt  }
0x3f: {  	_ =	shalt  }
0x40: {  	_ =	shalt  }
0x41: {  	_ =	shalt  }
0x42: {  	_ =	shalt  }
0x43: {  	_ =	shalt  }
0x44: {  	_ =	shalt  }
0x45: {  	_ =	shalt  }
0x46: {  	_ =	shalt  }
0x47: {  	_ =	shalt  }
0x48: {  	_ =	shalt  }
0x49: {  	_ =	shalt  }
0x4a: {  	_ =	shalt  }
0x4b: {  	_ =	shalt  }
0x4c: {  	_ =	shalt  }
0x4d: {  	_ =	shalt  }
0x4e: {  	_ =	shalt  }
0x4f: {  	_ =	shalt  }
0x50: {  	_ =	shalt  }
0x51: {  	_ =	shalt  }
0x52: {  	_ =	shalt  }
0x53: {  	_ =	shalt  }
0x54: {  	_ =	shalt  }
0x55: {  	_ =	shalt  }
0x56: {  	_ =	shalt  }
0x57: {  	_ =	shalt  }
0x58: {  	_ =	shalt  }
0x59: {  	_ =	shalt  }
0x5a: {  	_ =	shalt  }
0x5b: {  	_ =	shalt  }
0x5c: {  	_ =	shalt  }
0x5d: {  	_ =	shalt  }
0x5e: {  	_ =	shalt  }
0x5f: {  	_ =	shalt  }
0x60: {  	_ =	shalt  }
0x61: {  	_ =	shalt  }
0x62: {  	_ =	shalt  }
0x63: {  	_ =	shalt  }
0x64: {  	_ =	shalt  }
0x65: {  	_ =	shalt  }
0x66: {  	_ =	shalt  }
0x67: {  	_ =	shalt  }
0x68: {  	_ =	shalt  }
0x69: {  	_ =	shalt  }
0x6a: {  	_ =	shalt  }
0x6b: {  	_ =	shalt  }
0x6c: {  	_ =	shalt  }
0x6d: {  	_ =	shalt  }
0x6e: {  	_ =	shalt  }
0x6f: {  	_ =	shalt  }
0x70: {  	_ =	shalt  }
0x71: {  	_ =	shalt  }
0x72: {  	_ =	shalt  }
0x73: {  	_ =	shalt  }
0x74: {  	_ =	shalt  }
0x75: {  	_ =	shalt  }
0x76: {  	_ =	shalt  }
0x77: {  	_ =	shalt  }
0x78: {  	_ =	shalt  }
0x79: {  	_ =	shalt  }
0x7a: {  	_ =	shalt  }
0x7b: {  	_ =	shalt  }
0x7c: {  	_ =	shalt  }
0x7d: {  	_ =	shalt  }
0x7e: {  	_ =	shalt  }
0x7f: {  	_ =	shalt  }
0x80: {  	_ =	shalt  }
0x81: {  	_ =	shalt  }
0x82: {  	_ =	shalt  }
0x83: {  	_ =	shalt  }
0x84: {  	_ =	shalt  }
0x85: {  	_ =	shalt  }
0x86: {  	_ =	shalt  }
0x87: {  	_ =	shalt  }
.Lfunc_end0:
.L_simem_size_0:
called_computation_lowered:
.L_overlay_start_0:
0x88: {  	s2 =	sld [smem:$0x3FD9]  }
0x89: {  	s3 =	sld [smem:$0x3FFE];
	_ =	sdelay $0x1  }
0x8a: {  	s1 =	srdreg.scid  }
0x8b: {  	s0 =	sand.u32 $0x1, s1  }
0x8c: {  	s17 =	sshll.u32 s0, $0xA;
	s2 =	sadd.s32 s3, s2  }
0x8d: {  	s2 =	sadd.s32 s2, s17  }
0x8e: {  	[smem:$0x3FC0] =	sst s2  }
0x8f: {  	_ = 	snop  }
0x90: {  	s2 =	sld [smem:$0x3FD0];
	(tm) =	ssettm $0x1  }
0x91: {  	s18 =	sld [smem:$0x3FFB];
	_ =	sdelay $0x3  }
0x92: {  	_ =	strace s18  }
0x93: {  	s3 =	sld [smem:$0x3FFC];
	_ =	sdelay $0x3  }
0x94: {  	_ =	strace s3  }
0x95: {  	s3 =	sld [smem:$0x3FFD];
	_ =	sdelay $0x3  }
0x96: {  	_ =	strace s3  }
0x97: {  	_ =	strace $0x8FFFFFFF  }
0x98: {  	s19 =	sld [smem:$0x3FDB];
	_ =	sdelay $0x1  }
0x99: {  	s4 =	simm.s32 $_scs_section_size  }
0x9a: {  	s5 =	simm.s32 $_size__tile_overlayer_lowered;
	s6 =	simm.s32 $_tile_overlayer_lowered  }
0x9b: {  	s22 =	simm.s32 $0x1BFF;
	s21 =	sshll.u32 s6, $0x1;
	s3 =	sadd.s32 s4, s19  }
0x9c: {  	s7 =	simm.s32 $0x0;
	s20 =	sshll.u32 s5, $0x1;
	s5 =	sadd.s32 s21, s3  }
0x9d: {  	[timem:s7], [sflag:s22] =	dma.local [hbm:s5], s20  }
0x9e: {  	_ =	swait.ge [sflag:s22], s20  }
0x9f: {  	s4 =	ssub.s32 $0x0, s20;
	[sflag:s22] =	ssyncset.done $0x0  }
0xa0: {  	[sflag:s22] =	ssyncadd.s32 s4;
	_ =	sdelay $0x1  }
0xa1: {  	s23 =	simm.s32 $0x1B8B  }
0xa2: {  	_ =	swait.ge [sflag:s23], $0x1  }
0xa3: {  	[sflag:s23] =	ssyncset.done $0x0  }
0xa4: {  	s25 =	simm.s32 $0x1B8E;
	s24 =	sld [smem:$0x3FFE];
	[sflag:s23] =	ssyncadd.s32 $0xFFFFFFFF  }
0xa5: {  	s26 =	simm.s32 $execute0_lowered;
	[smem:$0x3FD2] =	sst s25  }
0xa6: {  	s5 =	sshll.u32 s26, $0x1;
	_ =	strace $0x80000046;
	[dreg:$0x1] =	wrdreg $0xFFFFFFFF  }
0xa7: {  	s28 =	simm.s32 $_size_execute0_lowered;
	s3 =	sadd.s32 s3, s5;
	[dreg:$0x0] =	wrdreg $0x0  }
0xa8: {  	s5 =	sshll.u32 s28, $0x1;
	[dreg:$0x2] =	wrdreg s3  }
0xa9: {  	[dreg:$0x3] =	wrdreg s5  }
0xaa: {  	[dreg:$0x4] =	wrdreg $0xC0  }
0xab: {  	_ =	task [dreg:s7], $0x5FFFF  }
0xac: {  	[dreg:$0x1] =	wrdreg $0xFFFFFFFF  }
0xad: {  	[dreg:$0x0] =	wrdreg $0x60  }
0xae: {  	[dreg:$0x2] =	wrdreg s24  }
0xaf: {  	[dreg:$0x3] =	wrdreg s2  }
0xb0: {  	[dreg:$0x4] =	wrdreg $0x0  }
0xb1: {  	[dreg:$0x5] =	wrdreg $0x2800  }
0xb2: {  	[dreg:$0x6] =	wrdreg $0x9  }
0xb3: {  	_ =	task.clear_ibuf [dreg:s7], $0x7FFFF;
	_ =	strace $0x90000046  }
0xb4: {  	s29 =	simm.s32 $0x9;
	_ =	strace $0x80000048  }
0xb5: {  	_ =	swait.ge [sflag:s29], $0x1  }
0xb6: {  	[sflag:s29] =	ssyncadd.s32 $0xFFFFFFFF  }
0xb7: {  	_ =	strace $0x90000048  }
0xb8: {  	_ =	sfence  }
0xb9: {  	s30 =	sld [smem:$0x0];
	_ =	sdelay $0x2  }
0xba: {  	s31 =	sshll.u32 s1, $0xD;
	s1 =	sshrl.u32 s1, $0x2  }
0xbb: {  	s3 =	sand.u32 $0x4000, s31;
	s1 =	sadd.s32 s1, s30  }
0xbc: {  	s0 =	sor.u32 s3, s0;
	s1 =	sshll.u32 s1, $0x11  }
0xbd: {  	s0 =	sor.u32 s1, s0  }
0xbe: {  	s0 =	sadd.s32 $0x8F2B, s0  }
0xbf: {  	[sflag:s0] =	ssyncadd.remote.s32 $0x1  }
0xc0: {  	_ =	sfence.sel $0xFFFF  }
0xc1: {  	[dreg:$0x0] =	wrdreg $0xFFFFFFFF;
	(pc) =	sbr.abs _section_cstart, $3  }
0xc2: {  	[dreg:$0x1] =	wrdreg $0xFFFFFFFF  }
0xc3: {  	_ =	task.clear_ibuf [dreg:s7], $0x2FFFF;
	_ =	strace $0x9FFFFFFF  }
0xc4: {  	(tm) =	ssettm $0x7FFFFFFF  }
0xc5: {  	_ =	shalt  }
tec
execute0_lowered:
.L_overlay_start_1:
0x0: {  	(tag) =	ssettag $0x1  }
0x1: {  	s5 =	rddreg [dreg:$0x0]  }
0x2: {  	s0 =	rddreg [dreg:$0x1]  }
0x3: {  	s1 =	srdreg.scid;
	s2 =	rddreg [dreg:$0x2]  }
0x4: {  	s19 =	stileid.u32;
	s3 =	rddreg [dreg:$0x3];
	s4 =	simm.s32 $0x0  }
0x5: {  	s15 =	simm.s32 $0x5500;
	s16 =	simm.s32 $0x500;
	s17 =	simm.s32 $0x2D00  }
0x6: {  	s18 =	simm.s32 $0x80;
	s6 =	sand.u32 $0x1, s1;
	s1 =	rddreg [dreg:$0x4]  }
0x7: {  	s21 =	simm.s32 $0x0;
	[smem:$0x7FF] =	sst s4;
	s9 =	smul.u32 $0x280, s19  }
0x8: {  	s31 =	sshll.u32 s19, $0x6;
	p0 =	sne.s32 s19, $0x0;
	s7 =	sshll.u32 s6, $0x4  }
0x9: {  	_ =	strace $0x80000047;
	s6 =	ssub.s32 $0x2, s6;
	s20 =	sshrl.u32 @!p0 s3, $0x3  }
0xa: {  	s8 =	sor.u32 s19, s7;
	s10 =	sshrl.u32 s9, $0x3;
	s11 =	sshrl.u32 s6, $0x1  }
0xb: {  	s12 =	sadd.s32 s7, s5;
	s13 =	sadd.s32 s9, s2;
	s14 =	sadd.s32 s9, s3  }
0xc: {  	s19 =	sshrl.u32 @!p0 s2, $0x3;
	s8 =	smul.u32 $0x500, s8;
	s10 =	sadd.s32 s10, s5  }
0xd: {  	s11 =	ssub.s32 s6, s11;
	s6 =	sor.u32 $0x1C01, s31;
	s9 =	sadd.s32 $0x16600, s12  }
0xe: {  	s14 =	sshrl.u32 s14, $0x3;
	s11 =	smax.u32 s11, $0x1;
	s8 =	sadd.s32 s8, s5  }
0xf: {  	s5 =	sadd.s32 $0x16000, s10;
	s10 =	sadd.s32 $0x17000, s12;
	s12 =	sshrl.u32 s13, $0x3  }
0x10: {  	s13 =	simm.s32 $0x1;
	s7 =	sadd.s32 $0xC000, s8;
	s8 =	sadd.s32 $0x2000, s8  }
.LBB2_1:
0x11: {  	[spmem:s12], [sflag:s6] =	dma.local [hbm:s5], $0x50  }
0x12: {  	_ =	swait.ge [sflag:s13], $0x50  }
0x13: {  	[sflag:s13] =	ssyncset.done $0x0  }
0x14: {  	[sflag:s13] =	ssyncadd.s32 $0xFFFFFFB0  }
0x15: {  	[spmem:s14], [sflag:s6] =	dma.local [hbm:s5], $0x50  }
0x16: {  	_ =	swait.ge [sflag:s13], $0x50  }
0x17: {  	[sflag:s13] =	ssyncset.done $0x0  }
0x18: {  	[sflag:s13] =	ssyncadd.s32 $0xFFFFFFB0  }
0x19: {  	[tilespmem:s15], [sflag:$0x1] =	stream.linear.gather [hbm4b:s0+s4], $0x80, $0x38;
	[tilespmem:$0x5580] =	vst v63  }
0x1a: {  	_ =	swait.ge [sflag:s13], $0x80  }
0x1b: {  	[sflag:s13] =	ssyncset.done $0x0  }
0x1c: {  	[sflag:s13] =	ssyncadd.s32 $0xFFFFFF80  }
0x1d: {  	[tilespmem:s16], [sflag:$0x1] =	stream.linear.gather [hbm4b:s7+s4], $0x2800, $0x38;
	[tilespmem:$0x5580] =	vst v63  }
0x1e: {  	_ =	swait.ge [sflag:s13], $0x2800  }
0x1f: {  	[sflag:s13] =	ssyncset.done $0x0  }
0x20: {  	[sflag:s13] =	ssyncadd.s32 $0xFFFFD800  }
0x21: {  	[tilespmem:s17], [sflag:$0x1] =	stream.linear.gather [hbm4b:s8+s4], $0x2800, $0x38;
	[tilespmem:$0x5580] =	vst v63  }
0x22: {  	_ =	swait.ge [sflag:s13], $0x2800  }
0x23: {  	[sflag:s13] =	ssyncset.done $0x0  }
0x24: {  	[sflag:s13] =	ssyncadd.s32 $0xFFFFD800  }
0x25: {  	s22 =	simm.s32 $0x500;
	[bflag:$0x0] =	sbarrier.arrive $0xFFFF  }
0x26: {  	[spmem:s2] =	stream.indirect.scatter.add.f32 [tilespmem:s15], [sflag:$0x1], $0x1, s22, s18, $0xb8;
	[tilespmem:$0x5580] =	vst v63  }
0x27: {  	_ =	swait.ge [sflag:s13], $0x80  }
0x28: {  	[sflag:s13] =	ssyncset.done $0x0  }
0x29: {  	s31 =	simm.s32 $0x2D00;
	[sflag:s13] =	ssyncadd.s32 $0xFFFFFF80  }
0x2a: {  	[spmem:s3] =	stream.indirect.scatter.add.f32 [tilespmem:s15], [sflag:$0x1], $0x1, s31, s18, $0xb8;
	[tilespmem:$0x5580] =	vst v63  }
0x2b: {  	_ =	swait.ge [sflag:s13], $0x80  }
0x2c: {  	s23 =	simm.s32 $0x400;
	s22 =	simm.s32 $0x80;
	[sflag:s13] =	ssyncset.done $0x0  }
.LBB2_2:
0x2d: {  	s24 =	sadd.s32 $0x500, s22  }
0x2e: {  	[sflag:s13] =	ssyncadd.s32 $0xFFFFFF80;
	s25 =	smov.u32 s23;
	s26 =	sadd.s32 $0x200, s23  }
0x2f: {  	[spmem:s2] =	stream.indirect.scatter.add.f32 [tilespmem:s15], [sflag:$0x1], $0x1, s24, s18, $0xb8;
	[tilespmem:$0x5580] =	vst v63  }
0x30: {  	p1 =	sne.s32 s23, $0x9E00;
	_ =	swait.ge [sflag:s13], $0x80  }
.Ltmp0:
0x31: {  	[sflag:s13] =	ssyncset.done $0x0;
	(pc) =	sbr.rel @p1 .LBB2_2-.Ltmp0, $4  }
0x32: {  	s22 =	sadd.s32 $0x2D00, s22;
	[sflag:s13] =	ssyncadd.s32 $0xFFFFFF80  }
0x33: {  	[spmem:s3] =	stream.indirect.scatter.add.f32 [tilespmem:s15], [sflag:$0x1], $0x1, s22, s18, $0xb8;
	[tilespmem:$0x5580] =	vst v63  }
0x34: {  	_ =	swait.ge [sflag:s13], $0x80  }
0x35: {  	s23 =	smov.u32 s26;
	s22 =	sshra.s32 s25, $0x2;
	[sflag:s13] =	ssyncset.done $0x0  }
0x36: {  	s23 =	sadd.s32 $0x500, s22;
	[sflag:s13] =	ssyncadd.s32 $0xFFFFFF80  }
0x37: {  	[spmem:s2] =	stream.indirect.scatter.add.f32 [tilespmem:s15], [sflag:$0x1], $0x1, s23, s18, $0xb8;
	[tilespmem:$0x5580] =	vst v63  }
0x38: {  	_ =	swait.ge [sflag:s13], $0x80  }
0x39: {  	[sflag:s13] =	ssyncset.done $0x0  }
0x3a: {  	s31 =	sadd.s32 $0x2D00, s22;
	[sflag:s13] =	ssyncadd.s32 $0xFFFFFF80  }
0x3b: {  	[spmem:s3] =	stream.indirect.scatter.add.f32 [tilespmem:s15], [sflag:$0x1], $0x1, s31, s18, $0xb8;
	[tilespmem:$0x5580] =	vst v63  }
0x3c: {  	_ =	swait.ge [sflag:s13], $0x80  }
0x3d: {  	[sflag:s13] =	ssyncset.done $0x0  }
0x3e: {  	s22 =	simm.s32 @!p0 $0x1;
	[sflag:s13] =	ssyncadd.s32 $0xFFFFFF80  }
0x3f: {  	s24 =	simm.s32 @!p0 $0x10;
	s23 =	simm.s32 @!p0 $0x20;
	[bflag:$0x0] =	sbarrier.arrive $0xFFFF  }
0x40: {  	[hbm:s9@s23], [sflag:s6] =	dma.strided @!p0 [spmem:s19@s24], $0x500, s22, $0x10   }
0x41: {  	s21 =	sadd.s32 $0x1, s21;
	_ =	swait.ge @!p0 [sflag:s22], $0x500  }
0x42: {  	p1 =	sne.s32 s21, s11;
	[sflag:s22] =	ssyncset.done @!p0 $0x0  }
.Ltmp1:
0x43: {  	[sflag:s22] =	ssyncadd.s32 @!p0 $0xFFFFFB00;
	(pc) =	sbr.rel @p1 .LBB2_1-.Ltmp1, $4  }
0x44: {  	[hbm:s10@s23], [sflag:s6] =	dma.strided @!p0 [spmem:s20@s24], $0x500, s22, $0x10   }
0x45: {  	_ =	swait.ge @!p0 [sflag:s22], $0x500  }
0x46: {  	[sflag:s22] =	ssyncset.done @!p0 $0x0  }
0x47: {  	[sflag:s22] =	ssyncadd.s32 @!p0 $0xFFFFFB00  }
0x48: {  	_ =	sfence.sel $0x180000  }
0x49: {  	[bflag:$0x0] =	sbarrier.arrive $0xFFFF  }
0x4a: {  	_ =	strace $0x90000047  }
0x4b: {  	s0 =	sadd.s32 @!p0 $0x100000, s1;
	[bflag:$0x2] =	sbarrier.arrive $0xFFFF  }
0x4c: {  	[sflag:s0] =	ssyncadd.tile.s32 @!p0 $0x1;
	_ =	shalt  }
.Lfunc_end2:
_tile_overlayer_lowered:
.L_overlay_start_2:
0x4d: {  	(tag) =	ssettag $0x2  }
0x4e: {  	s0 =	rddreg [dreg:$0x0];
	s2 =	stileid.u32  }
0x4f: {  	s1 =	rddreg [dreg:$0x1];
	p0 =	sne.s32 s2, $0x0  }
0x50: {  	s3 =	rddreg [dreg:$0x2];
	[bflag:$0x3] =	sbarrier.arrive $0xFFFF;
	s2 =	simm.s32 @!p0 $0x1C01  }
0x51: {  	[timem:s3], [sflag:s2] =	dma.local @!p0 [hbm:s0], s1  }
0x52: {  	s0 =	simm.s32 @!p0 $0x1  }
0x53: {  	_ =	swait.ge @!p0 [sflag:s0], s1  }
0x54: {  	s1 =	ssub.s32 @!p0 $0x0, s1;
	[sflag:s0] =	ssyncset.done @!p0 $0x0  }
0x55: {  	[sflag:s0] =	ssyncadd.s32 @!p0 s1  }
0x56: {  	[bflag:$0x3] =	sbarrier.arrive $0xFFFF  }
0x57: {  	_ =	shalt  }

// kernel: kernel.9.cloned.1.call-start
scs
__scs_entry_jumppad:
0x0: {  	(pc) =	sbr.rel $0x88, $3  }
0x1: {  	(tag) =	ssettag $0x0;
	lr =	simm.s32 $0x1  }
0x2: {  	[smem:$0x3F99] =	sst lr;
	_ =	strace $0xD0000000  }
0x3: {  	_ = 	snop  }
0x4: {  	_ = 	snop  }
0x5: {  	_ = 	snop  }
0x6: {  	_ = 	snop  }
0x7: {  	_ = 	snop  }
__scs_overlays_trampoline_lowered:
0x8: {  	[smem:$0x3FA8] =	sst s0  }
0x9: {  	[smem:$0x3FA9] =	sst s1  }
0xa: {  	[smem:$0x3FAA] =	sst s2  }
0xb: {  	[smem:$0x3FAB] =	sst s3  }
0xc: {  	[smem:$0x3FAC] =	sst s4  }
0xd: {  	[smem:$0x3FAD] =	sst s5  }
0xe: {  	[smem:$0x3FAE] =	sst s6  }
0xf: {  	[smem:$0x3FAF] =	sst s7  }
0x10: {  	[smem:$0x3FB0] =	sst s8  }
0x11: {  	[smem:$0x3FB1] =	sst s9;
	s0 =	simm.s32 @!p0 $0x0  }
0x12: {  	s1 =	sld [smem:$0x3F97];
	s0 =	simm.s32 @p0 $0x1  }
0x13: {  	[smem:$0x3FB2] =	sst s0;
	s0 =	simm.s32 @!p1 $0x0  }
0x14: {  	s2 =	sld [smem:$0x3F96];
	s0 =	simm.s32 @p1 $0x1  }
0x15: {  	[smem:$0x3FB3] =	sst s0;
	s0 =	simm.s32 @!p2 $0x0  }
0x16: {  	s3 =	sld [smem:$0x3FDB];
	s0 =	simm.s32 @p2 $0x1  }
0x17: {  	s4 =	simm.s32 $0x1BF5;
	[smem:$0x3FB5] =	sst s0  }
0x18: {  	s0 =	sld [smem:$0x3F98];
	_ =	swait.ge [sflag:s4], $0x0  }
0x19: {  	s7 =	sld [smem:$0x3F99]  }
0x1a: {  	s8 =	sadd.s32 $0xFFFFE003, lr  }
0x1b: {  	s9 =	sadd.s32 $0xFFFFFEF7, lr;
	s5 =	simm.s32 $0xFFFFFFFF;
	p2 =	slt.u32 s8, $0xFFFFF086  }
0x1c: {  	p1 =	slt.u32 s9, $0xF7A;
	s5 =	simm.s32 @!p2 $0x0  }
0x1d: {  	s5 =	simm.s32 @p1 $0x1;
	p0 =	seq.s32 s7, s2  }
0x1e: {  	s7 =	smul.u32 @!p0 $0xF7A, s2;
	p2 =	seq.s32 @!p0 s5, $0x0  }
0x1f: {  	s9 =	smul.u32 $0xF7A, s1;
	s8 =	simm.s32 @!p0 $0x1BF5;
	p2 =	por !p2, p0  }
0x20: {  	[sflag:s8] =	ssyncset.s32 @!p0 $0xFFFFF086;
	s6 =	sadd.s32 @!p0 s3, s7;
	s7 =	simm.s32 @!p0 $0x108  }
0x21: {  	s3 =	sadd.s32 s3, s9;
	s6 =	sadd.s32 @!p0 $0x88, s6;
	s7 =	simm.s32 @p2 $0x1082  }
0x22: {  	[simem:s7], [sflag:s8] =	dma.local @!p0 [hbm:s6], $0xF7A  }
0x23: {  	s9 =	sor.u32 $0xD0000000, s2;
	s6 =	simm.s32 $0x108;
	_ =	swait.ge @!p0 [sflag:s8], $0x0  }
0x24: {  	s3 =	sadd.s32 $0x88, s3;
	s6 =	simm.s32 @!p1 $0x1082;
	[sflag:s4] =	ssyncset.s32 $0xFFFFF086  }
0x25: {  	[simem:s6], [sflag:s4] =	dma.local [hbm:s3], $0xF7A  }
0x26: {  	[smem:$0x3F99] =	sst s1;
	(tag) =	ssettag s2;
	_ =	strace s9  }
0x27: {  	s1 =	sld [smem:$0x3FA9]  }
0x28: {  	s2 =	sld [smem:$0x3FAA]  }
0x29: {  	s4 =	sld [smem:$0x3FAC]  }
0x2a: {  	p0 =	seq.s32 s5, $0x0;
	s5 =	sld [smem:$0x3FAD]  }
0x2b: {  	s6 =	sld [smem:$0x3FAE]  }
0x2c: {  	s7 =	sld [smem:$0x3FAF]  }
0x2d: {  	s3 =	simm.s32 $0x108;
	s8 =	sld [smem:$0x3FB0]  }
0x2e: {  	s3 =	simm.s32 @!p0 $0x1082;
	s9 =	sld [smem:$0x3FB1]  }
0x2f: {  	lr =	sadd.s32 s0, s3;
	s0 =	sld [smem:$0x3FA8]  }
0x30: {  	s3 =	sld [smem:$0x3FAB]  }
0x31: {  	[smem:$0x3FB4] =	sst s10  }
0x32: {  	s10 =	sld [smem:$0x3FB2];
	_ =	sdelay $0x3  }
0x33: {  	p0 =	seq.s32 s10, $0x1;
	s10 =	sld [smem:$0x3FB4];
	_ =	sdelay $0x3  }
0x34: {  	[smem:$0x3FB4] =	sst s10  }
0x35: {  	s10 =	sld [smem:$0x3FB3];
	_ =	sdelay $0x3  }
0x36: {  	p1 =	seq.s32 s10, $0x1;
	s10 =	sld [smem:$0x3FB4];
	_ =	sdelay $0x3  }
0x37: {  	[smem:$0x3FB4] =	sst s10  }
0x38: {  	s10 =	sld [smem:$0x3FB5]  }
0x39: {  	_ = 	snop;
	(pc) =	sbr.ind lr, $3  }
0x3a: {  	_ = 	snop  }
0x3b: {  	_ = 	snop  }
0x3c: {  	p2 =	seq.s32 s10, $0x1;
	s10 =	sld [smem:$0x3FB4]  }
0x3d: {  	_ =	shalt  }
0x3e: {  	_ =	shalt  }
0x3f: {  	_ =	shalt  }
0x40: {  	_ =	shalt  }
0x41: {  	_ =	shalt  }
0x42: {  	_ =	shalt  }
0x43: {  	_ =	shalt  }
0x44: {  	_ =	shalt  }
0x45: {  	_ =	shalt  }
0x46: {  	_ =	shalt  }
0x47: {  	_ =	shalt  }
0x48: {  	_ =	shalt  }
0x49: {  	_ =	shalt  }
0x4a: {  	_ =	shalt  }
0x4b: {  	_ =	shalt  }
0x4c: {  	_ =	shalt  }
0x4d: {  	_ =	shalt  }
0x4e: {  	_ =	shalt  }
0x4f: {  	_ =	shalt  }
0x50: {  	_ =	shalt  }
0x51: {  	_ =	shalt  }
0x52: {  	_ =	shalt  }
0x53: {  	_ =	shalt  }
0x54: {  	_ =	shalt  }
0x55: {  	_ =	shalt  }
0x56: {  	_ =	shalt  }
0x57: {  	_ =	shalt  }
0x58: {  	_ =	shalt  }
0x59: {  	_ =	shalt  }
0x5a: {  	_ =	shalt  }
0x5b: {  	_ =	shalt  }
0x5c: {  	_ =	shalt  }
0x5d: {  	_ =	shalt  }
0x5e: {  	_ =	shalt  }
0x5f: {  	_ =	shalt  }
0x60: {  	_ =	shalt  }
0x61: {  	_ =	shalt  }
0x62: {  	_ =	shalt  }
0x63: {  	_ =	shalt  }
0x64: {  	_ =	shalt  }
0x65: {  	_ =	shalt  }
0x66: {  	_ =	shalt  }
0x67: {  	_ =	shalt  }
0x68: {  	_ =	shalt  }
0x69: {  	_ =	shalt  }
0x6a: {  	_ =	shalt  }
0x6b: {  	_ =	shalt  }
0x6c: {  	_ =	shalt  }
0x6d: {  	_ =	shalt  }
0x6e: {  	_ =	shalt  }
0x6f: {  	_ =	shalt  }
0x70: {  	_ =	shalt  }
0x71: {  	_ =	shalt  }
0x72: {  	_ =	shalt  }
0x73: {  	_ =	shalt  }
0x74: {  	_ =	shalt  }
0x75: {  	_ =	shalt  }
0x76: {  	_ =	shalt  }
0x77: {  	_ =	shalt  }
0x78: {  	_ =	shalt  }
0x79: {  	_ =	shalt  }
0x7a: {  	_ =	shalt  }
0x7b: {  	_ =	shalt  }
0x7c: {  	_ =	shalt  }
0x7d: {  	_ =	shalt  }
0x7e: {  	_ =	shalt  }
0x7f: {  	_ =	shalt  }
0x80: {  	_ =	shalt  }
0x81: {  	_ =	shalt  }
0x82: {  	_ =	shalt  }
0x83: {  	_ =	shalt  }
0x84: {  	_ =	shalt  }
0x85: {  	_ =	shalt  }
0x86: {  	_ =	shalt  }
0x87: {  	_ =	shalt  }
.Lfunc_end0:
.L_simem_size_0:
called_computation.1_lowered:
.L_overlay_start_0:
0x88: {  	s2 =	sld [smem:$0x3FD9]  }
0x89: {  	s3 =	sld [smem:$0x3FFE];
	_ =	sdelay $0x1  }
0x8a: {  	s1 =	srdreg.scid  }
0x8b: {  	s0 =	sand.u32 $0x1, s1  }
0x8c: {  	s16 =	sshll.u32 s0, $0xA;
	s2 =	sadd.s32 s3, s2  }
0x8d: {  	s2 =	sadd.s32 s2, s16  }
0x8e: {  	[smem:$0x3FC0] =	sst s2  }
0x8f: {  	_ = 	snop  }
0x90: {  	(tm) =	ssettm $0x1  }
0x91: {  	s17 =	sld [smem:$0x3FFB];
	_ =	sdelay $0x3  }
0x92: {  	_ =	strace s17  }
0x93: {  	s2 =	sld [smem:$0x3FFC];
	_ =	sdelay $0x3  }
0x94: {  	_ =	strace s2  }
0x95: {  	s2 =	sld [smem:$0x3FFD];
	_ =	sdelay $0x3  }
0x96: {  	_ =	strace s2  }
0x97: {  	_ =	strace $0x8FFFFFFF  }
0x98: {  	s18 =	sld [smem:$0x3FDB];
	_ =	sdelay $0x1  }
0x99: {  	s19 =	simm.s32 $_scs_section_size  }
0x9a: {  	s4 =	simm.s32 $_size__tile_overlayer_lowered;
	s5 =	simm.s32 $_tile_overlayer_lowered  }
0x9b: {  	s22 =	simm.s32 $0x1BFF;
	s21 =	sshll.u32 s5, $0x1;
	s2 =	sadd.s32 s19, s18  }
0x9c: {  	s6 =	simm.s32 $0x0;
	s20 =	sshll.u32 s4, $0x1;
	s4 =	sadd.s32 s21, s2  }
0x9d: {  	[timem:s6], [sflag:s22] =	dma.local [hbm:s4], s20  }
0x9e: {  	_ =	swait.ge [sflag:s22], s20  }
0x9f: {  	s3 =	ssub.s32 $0x0, s20;
	[sflag:s22] =	ssyncset.done $0x0  }
0xa0: {  	[sflag:s22] =	ssyncadd.s32 s3;
	_ =	sdelay $0x1  }
0xa1: {  	s23 =	simm.s32 $0x1B8B  }
0xa2: {  	_ =	swait.ge [sflag:s23], $0x1  }
0xa3: {  	[sflag:s23] =	ssyncset.done $0x0  }
0xa4: {  	s25 =	simm.s32 $0x1B8E;
	s24 =	sld [smem:$0x3FFE];
	[sflag:s23] =	ssyncadd.s32 $0xFFFFFFFF  }
0xa5: {  	s26 =	simm.s32 $execute0_lowered;
	[smem:$0x3FD2] =	sst s25  }
0xa6: {  	s4 =	sshll.u32 s26, $0x1;
	_ =	strace $0x80000049;
	[dreg:$0x1] =	wrdreg $0xFFFFFFFF  }
0xa7: {  	s28 =	simm.s32 $_size_execute0_lowered;
	s2 =	sadd.s32 s2, s4;
	[dreg:$0x0] =	wrdreg $0x0  }
0xa8: {  	s4 =	sshll.u32 s28, $0x1;
	[dreg:$0x2] =	wrdreg s2  }
0xa9: {  	[dreg:$0x3] =	wrdreg s4  }
0xaa: {  	[dreg:$0x4] =	wrdreg $0xC0  }
0xab: {  	_ =	task [dreg:s6], $0x5FFFF  }
0xac: {  	[dreg:$0x1] =	wrdreg $0xFFFFFFFF  }
0xad: {  	[dreg:$0x0] =	wrdreg $0x60  }
0xae: {  	[dreg:$0x2] =	wrdreg s24  }
0xaf: {  	[dreg:$0x3] =	wrdreg $0x0  }
0xb0: {  	[dreg:$0x4] =	wrdreg $0x140000  }
0xb1: {  	[dreg:$0x5] =	wrdreg $0x9  }
0xb2: {  	_ =	task.clear_ibuf [dreg:s6], $0x6FFFF;
	_ =	strace $0x90000049  }
0xb3: {  	s29 =	simm.s32 $0x9;
	_ =	strace $0x8000004B  }
0xb4: {  	_ =	swait.ge [sflag:s29], $0x1  }
0xb5: {  	[sflag:s29] =	ssyncadd.s32 $0xFFFFFFFF  }
0xb6: {  	_ =	strace $0x9000004B  }
0xb7: {  	_ =	sfence  }
0xb8: {  	s30 =	sld [smem:$0x0];
	_ =	sdelay $0x2  }
0xb9: {  	s31 =	sshll.u32 s1, $0xD;
	s1 =	sshrl.u32 s1, $0x2  }
0xba: {  	s3 =	sand.u32 $0x4000, s31;
	s1 =	sadd.s32 s1, s30  }
0xbb: {  	s0 =	sor.u32 s3, s0;
	s1 =	sshll.u32 s1, $0x11  }
0xbc: {  	s0 =	sor.u32 s1, s0  }
0xbd: {  	s0 =	sadd.s32 $0x8F2B, s0  }
0xbe: {  	[sflag:s0] =	ssyncadd.remote.s32 $0x1  }
0xbf: {  	_ =	sfence.sel $0xFFFF  }
0xc0: {  	[dreg:$0x0] =	wrdreg $0xFFFFFFFF;
	(pc) =	sbr.abs _section_cstart, $3  }
0xc1: {  	[dreg:$0x1] =	wrdreg $0xFFFFFFFF  }
0xc2: {  	_ =	task.clear_ibuf [dreg:s6], $0x2FFFF;
	_ =	strace $0x9FFFFFFF  }
0xc3: {  	(tm) =	ssettm $0x7FFFFFFF  }
tec
execute0_lowered:
.L_overlay_start_1:
0x0: {  	(tag) =	ssettag $0x1  }
0x1: {  	s0 =	rddreg [dreg:$0x0]  }
0x2: {  	s2 =	rddreg [dreg:$0x1]  }
0x3: {  	s1 =	rddreg [dreg:$0x2]  }
0x4: {  	s23 =	simm.s32 $0x0;
	s3 =	stileid.u32;
	s9 =	srdreg.scid  }
0x5: {  	s31 =	simm.s32 $0x14280;
	s29 =	simm.s32 $0x14500;
	s30 =	simm.s32 $0x14580  }
0x6: {  	[smem:$0x7FF] =	sst s23;
	s4 =	sadd.s32 $0x16600, s0;
	s5 =	sadd.s32 $0xC000, s0  }
0x7: {  	s8 =	smul.u32 $0x2800, s3;
	s6 =	sadd.s32 $0x2000, s0;
	s7 =	sadd.s32 $0x3E600, s0  }
0x8: {  	s9 =	sand.u32 $0x1, s9;
	s10 =	sadd.s32 $0x16000, s0;
	s14 =	smul.u32 $0x50000, s3  }
0x9: {  	s15 =	sadd.s32 $0x66C00, s0;
	s22 =	smul.u32 $0x500, s3;
	s25 =	sadd.s32 $0x8F600, s0  }
0xa: {  	p1 =	sne.s32 s3, $0x0;
	p2 =	seq.s32 s3, $0x0;
	_ =	strace $0x8000004A  }
0xb: {  	[dreg:$0x4] =	wrdreg s10;
	s11 =	ssub.s32 $0x2, s9;
	s13 =	sshll.u32 s9, $0x4  }
0xc: {  	[dreg:$0x5] =	wrdreg s15;
	s15 =	sshll.u32 s3, $0x6;
	s21 =	smul.u32 $0x5000, s9  }
0xd: {  	s28 =	sadd.s32 s8, s0;
	s12 =	sshrl.u32 s11, $0x1;
	s13 =	sor.u32 s3, s13  }
0xe: {  	s14 =	sshrl.u32 s14, $0x2;
	s0 =	sadd.s32 $0x66C10, s0;
	s11 =	ssub.s32 s11, s12  }
0xf: {  	s12 =	smul.u32 $0x500, s13;
	s13 =	sadd.s32 s14, s2;
	[dreg:$0x10] =	wrdreg s0  }
0x10: {  	p0 =	seq.s32 s9, $0x1;
	s16 =	sadd.s32 $0x3EC00, s28;
	[dreg:$0x6] =	wrdreg s13  }
0x11: {  	s9 =	simm.s32 $0x80;
	s10 =	sadd.s32 $0x67600, s28;
	[dreg:$0x7] =	wrdreg s16  }
0x12: {  	s14 =	sor.u32 $0x1C0D, s15;
	s28 =	sadd.s32 s8, s25;
	[dreg:$0xf] =	wrdreg s10  }
0x13: {  	s15 =	simm.s32 $0x14680;
	s0 =	simm.s32 $0x18680;
	[dreg:$0x12] =	wrdreg s28  }
0x14: {  	s26 =	smax.u32 s11, $0x1;
	s10 =	simm.s32 $0x14480;
	[dreg:$0x8] =	wrdreg s14  }
0x15: {  	s11 =	simm.s32 $0x9;
	s17 =	sadd.s32 s5, s12;
	[dreg:$0x11] =	wrdreg s26  }
0x16: {  	s18 =	sadd.s32 s6, s12;
	s19 =	sor.u32 $0x10, s12;
	[dreg:$0x9] =	wrdreg s17  }
0x17: {  	s12 =	sor.u32 $0x20, s12;
	[dreg:$0xa] =	wrdreg s18;
	s20 =	sadd.s32 s5, s19  }
0x18: {  	s26 =	simm.s32 $0x14300;
	s13 =	sadd.s32 s6, s19;
	[dreg:$0xb] =	wrdreg s20  }
.Ltmp0:
0x19: {  	s24 =	sadd.s32 s5, s12;
	[dreg:$0xc] =	wrdreg s13;
	(pc) =	sbr.rel .LBB2_1-.Ltmp0, $4  }
0x1a: {  	s12 =	sadd.s32 s6, s12;
	s19 =	simm.s32 $0x14380;
	[dreg:$0xd] =	wrdreg s24  }
0x1b: {  	s18 =	simm.s32 $0x1C680;
	s17 =	simm.s32 $0x0;
	[dreg:$0xe] =	wrdreg s12  }
0x1c: {  	s20 =	sadd.s32 s22, s21;
	s24 =	simm.s32 $0xD;
	s22 =	simm.s32 $0x14600  }
0x1d: {  	s13 =	simm.s32 $0xB;
	s21 =	simm.s32 $0x6;
	s12 =	simm.s32 $0x1C700  }
.LBB2_7:
0x1e: {  	s8 =	sshrl.u32 s1, $0x3  }
0x1f: {  	s10 =	simm.s32 $0x1;
	s15 =	simm.s32 $0x20;
	s16 =	simm.s32 $0x10  }
0x20: {  	[hbm:s3@s15], [sflag:s14] =	dma.strided [spmem:s8@s16], $0x500, s10, $0x10   }
0x21: {  	_ =	swait.ge [sflag:s24], $0x500  }
0x22: {  	[sflag:s24] =	ssyncset.done $0x0  }
0x23: {  	[sflag:s24] =	ssyncadd.s32 $0xFFFFFB00  }
.LBB2_8:
0x24: {  	s17 =	sadd.s32 $0x1, s17;
	s3 =	rddreg [dreg:$0x11]  }
0x25: {  	p3 =	sne.s32 s17, s3  }
.Ltmp1:
0x26: {  	_ = 	snop;
	(pc) =	sbr.rel @!p3 .LBB2_9-.Ltmp1, $3  }
0x27: {  	_ =	sdelay $0x1  }
0x28: {  	s10 =	simm.s32 $0x14480  }
0x29: {  	s15 =	simm.s32 $0x14680;
	s18 =	simm.s32 $0x1C680;
	s21 =	simm.s32 $0x6  }
.LBB2_1:
0x2a: {  	[dreg:$0x13] =	wrdreg s17  }
0x2b: {  	s3 =	rddreg [dreg:$0x6]  }
0x2c: {  	s28 =	rddreg [dreg:$0x7];
	s8 =	sshrl.u32 s3, $0x3  }
0x2d: {  	[dreg:$0x14] =	wrdreg s8  }
0x2e: {  	[spmem:s8], [sflag:s14] =	dma.local [hbm:s28], $0x2800  }
0x2f: {  	_ =	swait.ge [sflag:s24], $0x2800  }
0x30: {  	[sflag:s24] =	ssyncset.done $0x0  }
0x31: {  	s3 =	sshrl.u32 @!p1 s1, $0x3;
	s8 =	rddreg [dreg:$0x4];
	[sflag:s24] =	ssyncadd.s32 $0xFFFFD800  }
0x32: {  	[spmem:s3], [sflag:s14] =	dma.local @!p1 [hbm:s8], $0x500  }
0x33: {  	s3 =	simm.s32 @!p1 $0xD  }
0x34: {  	_ =	swait.ge @!p1 [sflag:s3], $0x500  }
0x35: {  	[sflag:s3] =	ssyncset.done @!p1 $0x0  }
0x36: {  	[sflag:s3] =	ssyncadd.s32 @!p1 $0xFFFFFB00  }
0x37: {  	[bflag:$0x0] =	sbarrier.arrive $0xFFFF  }
0x38: {  	s8 =	rddreg [dreg:$0x9]  }
0x39: {  	[tilespmem:s31], [sflag:$0x1] =	stream.linear.gather [hbm4b:s8+s23], $0x80, $0x38;
	[tilespmem:$0x1C780] =	vst v63  }
0x3a: {  	s14 =	rddreg [dreg:$0xa]  }
0x3b: {  	[tilespmem:s10], [sflag:$0x5] =	stream.linear.gather [hbm4b:s14+s23], $0x80, $0x38;
	[tilespmem:$0x1C780] =	vst v63  }
0x3c: {  	s16 =	rddreg [dreg:$0xb]  }
0x3d: {  	[tilespmem:s26], [sflag:$0x2] =	stream.linear.gather [hbm4b:s16+s23], $0x80, $0x38;
	[tilespmem:$0x1C780] =	vst v63  }
0x3e: {  	s17 =	rddreg [dreg:$0xc]  }
0x3f: {  	[tilespmem:s29], [sflag:$0x6] =	stream.linear.gather [hbm4b:s17+s23], $0x80, $0x38;
	[tilespmem:$0x1C780] =	vst v63  }
0x40: {  	s25 =	rddreg [dreg:$0xd]  }
0x41: {  	[tilespmem:s19], [sflag:$0x3] =	stream.linear.gather [hbm4b:s25+s23], $0x80, $0x38;
	[tilespmem:$0x1C780] =	vst v63  }
0x42: {  	s28 =	rddreg [dreg:$0xe];
	s8 =	simm.s32 $0x1  }
0x43: {  	[tilespmem:s30], [sflag:$0x7] =	stream.linear.gather [hbm4b:s28+s23], $0x80, $0x38;
	[tilespmem:$0x1C780] =	vst v63  }
0x44: {  	_ =	swait.ge [sflag:s8], $0x80  }
0x45: {  	[sflag:s8] =	ssyncset.done $0x0  }
0x46: {  	s14 =	simm.s32 $0x5;
	[sflag:s8] =	ssyncadd.s32 $0xFFFFFF80  }
0x47: {  	_ =	swait.ge [sflag:s14], $0x80  }
0x48: {  	[sflag:s14] =	ssyncset.done $0x0  }
0x49: {  	[sflag:s14] =	ssyncadd.s32 $0xFFFFFF80  }
0x4a: {  	[tilespmem:s15], [sflag:$0x9] =	stream.indirect.gather [hbm4b:s4+s9], $0x80, s31, s9, $0xb8;
	[tilespmem:$0x1C780] =	vst v63  }
0x4b: {  	s15 =	sadd.s32 $0x0, s20  }
0x4c: {  	s17 =	sand.u32 $0x40, s23;
	s3 =	sand.u32 $0xFFFFF80, s15  }
0x4d: {  	[tilespmem:s18], [sflag:$0xB] =	stream.indirect.gather [hbm4b:s7+s9], $0x1, s10, s9, $0xb8;
	[tilespmem:$0x1C780] =	vst v63  }
0x4e: {  	s3 =	sor.u32 s3, s17  }
0x4f: {  	s3 =	sor.u32 $0x30, s3  }
0x50: {  	s25 =	simm.s32 $0x14400;
	s18 =	sadd.s32 s5, s3  }
0x51: {  	[tilespmem:s25], [sflag:$0x4] =	stream.linear.gather [hbm4b:s18+s23], $0x80, $0x38;
	[tilespmem:$0x1C780] =	vst v63  }
0x52: {  	s3 =	sadd.s32 s6, s3  }
0x53: {  	[tilespmem:s22], [sflag:$0x8] =	stream.linear.gather [hbm4b:s3+s23], $0x80, $0x38;
	[tilespmem:$0x1C780] =	vst v63  }
0x54: {  	_ =	swait.ge [sflag:s11], $0x4000  }
0x55: {  	[sflag:s11] =	ssyncset.done $0x0  }
0x56: {  	[sflag:s11] =	ssyncadd.s32 $0xFFFFC000  }
0x57: {  	_ =	swait.ge [sflag:s13], $0x80  }
0x58: {  	[sflag:s13] =	ssyncset.done $0x0  }
0x59: {  	s14 =	simm.s32 $0x2;
	[sflag:s13] =	ssyncadd.s32 $0xFFFFFF80  }
0x5a: {  	_ =	swait.ge [sflag:s14], $0x80  }
0x5b: {  	[sflag:s14] =	ssyncset.done $0x0  }
0x5c: {  	[sflag:s14] =	ssyncadd.s32 $0xFFFFFF80  }
0x5d: {  	_ =	swait.ge [sflag:s21], $0x80  }
0x5e: {  	[sflag:s21] =	ssyncset.done $0x0  }
0x5f: {  	[sflag:s21] =	ssyncadd.s32 $0xFFFFFF80  }
0x60: {  	[tilespmem:s0], [sflag:$0xA] =	stream.indirect.gather [hbm4b:s4+s9], $0x80, s26, s9, $0xb8;
	[tilespmem:$0x1C780] =	vst v63  }
0x61: {  	_ = 	snop  }
0x62: {  	[tilespmem:s12], [sflag:$0xC] =	stream.indirect.gather [hbm4b:s7+s9], $0x1, s29, s9, $0xb8;
	[tilespmem:$0x1C780] =	vst v63  }
0x63: {  	s16 =	simm.s32 $0x14680  }
0x64: {  	[spmem:s2] =	stream.indirect.scatter.add.f32 [tilespmem:s16], [sflag:$0xD], $0x80, s10, s9, $0xb8;
	[tilespmem:$0x1C780] =	vst v63  }
0x65: {  	p3 =	por $0x0, $0x0;
	_ =	swait.ge [sflag:s24], $0x4000  }
0x66: {  	s19 =	sxor.u32 @!p3 $0xFFFFFFFF, s23;
	s3 =	sadd.s32 @!p3 $0x0, s20;
	[sflag:s24] =	ssyncset.done $0x0  }
0x67: {  	s15 =	simm.s32 $0x1C680;
	s3 =	sadd.s32 @!p3 $0x40, s3;
	[sflag:s24] =	ssyncadd.s32 $0xFFFFC000  }
0x68: {  	[spmem:s1] =	stream.indirect.scatter.add.f32 [tilespmem:s15], [sflag:$0xD], $0x1, s31, s9, $0xb8;
	[tilespmem:$0x1C780] =	vst v63  }
0x69: {  	s19 =	sand.u32 @!p3 $0x40, s19;
	s26 =	sand.u32 @!p3 $0xFFFFF80, s3;
	_ =	swait.ge [sflag:s24], $0x80  }
0x6a: {  	s0 =	simm.s32 @!p3 $0x14280;
	s19 =	sor.u32 @!p3 s19, s26;
	[sflag:s24] =	ssyncset.done $0x0  }
0x6b: {  	s26 =	simm.s32 @!p3 $0x0;
	s28 =	sadd.s32 @!p3 s5, s19;
	[sflag:s24] =	ssyncadd.s32 $0xFFFFFF80  }
0x6c: {  	[tilespmem:s0], [sflag:$0x1] =	stream.linear.gather @!p3 [hbm4b:s28+s26], $0x80, $0x38;
	[tilespmem:$0x1C780] =	vst v63  }
0x6d: {  	s28 =	sadd.s32 @!p3 s6, s19;
	s19 =	simm.s32 @!p3 $0x14480  }
0x6e: {  	[tilespmem:s19], [sflag:$0x5] =	stream.linear.gather @!p3 [hbm4b:s28+s26], $0x80, $0x38;
	[tilespmem:$0x1C780] =	vst v63  }
0x6f: {  	s28 =	simm.s32 $0xA  }
0x70: {  	_ =	swait.ge [sflag:s28], $0x4000  }
0x71: {  	[sflag:s28] =	ssyncset.done $0x0  }
0x72: {  	s25 =	simm.s32 $0xC;
	[sflag:s28] =	ssyncadd.s32 $0xFFFFC000  }
0x73: {  	_ =	swait.ge [sflag:s25], $0x80  }
0x74: {  	[sflag:s25] =	ssyncset.done $0x0  }
0x75: {  	s12 =	simm.s32 $0x3;
	[sflag:s25] =	ssyncadd.s32 $0xFFFFFF80  }
0x76: {  	_ =	swait.ge [sflag:s12], $0x80  }
0x77: {  	[sflag:s12] =	ssyncset.done $0x0  }
0x78: {  	s8 =	simm.s32 $0x7;
	[sflag:s12] =	ssyncadd.s32 $0xFFFFFF80  }
0x79: {  	_ =	swait.ge [sflag:s8], $0x80  }
0x7a: {  	[sflag:s8] =	ssyncset.done $0x0  }
0x7b: {  	s21 =	simm.s32 $0x14680;
	s28 =	simm.s32 $0x14380;
	[sflag:s8] =	ssyncadd.s32 $0xFFFFFF80  }
0x7c: {  	[tilespmem:s21], [sflag:$0x9] =	stream.indirect.gather [hbm4b:s4+s9], $0x80, s28, s9, $0xb8;
	[tilespmem:$0x1C780] =	vst v63  }
0x7d: {  	_ = 	snop  }
0x7e: {  	[tilespmem:s15], [sflag:$0xB] =	stream.indirect.gather [hbm4b:s7+s9], $0x1, s30, s9, $0xb8;
	[tilespmem:$0x1C780] =	vst v63  }
0x7f: {  	s17 =	simm.s32 $0x18680  }
0x80: {  	[spmem:s2] =	stream.indirect.scatter.add.f32 [tilespmem:s17], [sflag:$0xD], $0x80, s29, s9, $0xb8;
	[tilespmem:$0x1C780] =	vst v63  }
0x81: {  	s18 =	smov.u32 s1;
	_ =	swait.ge [sflag:s24], $0x4000  }
0x82: {  	s16 =	simm.s32 $0x1C700;
	s8 =	simm.s32 $0x14300;
	[sflag:s24] =	ssyncset.done $0x0  }
0x83: {  	s28 =	simm.s32 @!p3 $0x50;
	s29 =	sadd.s32 @!p3 $0x50, s20;
	[sflag:s24] =	ssyncadd.s32 $0xFFFFC000  }
0x84: {  	[spmem:s18] =	stream.indirect.scatter.add.f32 [tilespmem:s16], [sflag:$0xD], $0x1, s8, s9, $0xb8;
	[tilespmem:$0x1C780] =	vst v63  }
0x85: {  	s28 =	sand.u32 @!p3 $0x50, s28;
	s29 =	sand.u32 @!p3 $0xFFFFF80, s29;
	_ =	swait.ge [sflag:s24], $0x80  }
0x86: {  	s28 =	sor.u32 @!p3 s28, s29;
	[sflag:s24] =	ssyncset.done $0x0  }
0x87: {  	s30 =	simm.s32 @!p3 $0x14300;
	s29 =	sadd.s32 @!p3 s5, s28;
	[sflag:s24] =	ssyncadd.s32 $0xFFFFFF80  }
0x88: {  	[tilespmem:s30], [sflag:$0x2] =	stream.linear.gather @!p3 [hbm4b:s29+s26], $0x80, $0x38;
	[tilespmem:$0x1C780] =	vst v63  }
0x89: {  	s28 =	sadd.s32 @!p3 s6, s28;
	s29 =	simm.s32 @!p3 $0x14500  }
0x8a: {  	[tilespmem:s29], [sflag:$0x6] =	stream.linear.gather @!p3 [hbm4b:s28+s26], $0x80, $0x38;
	[tilespmem:$0x1C780] =	vst v63  }
0x8b: {  	_ =	swait.ge [sflag:s11], $0x4000  }
0x8c: {  	[sflag:s11] =	ssyncset.done $0x0  }
0x8d: {  	[sflag:s11] =	ssyncadd.s32 $0xFFFFC000  }
0x8e: {  	_ =	swait.ge [sflag:s13], $0x80  }
0x8f: {  	[sflag:s13] =	ssyncset.done $0x0  }
0x90: {  	s1 =	simm.s32 $0x4;
	[sflag:s13] =	ssyncadd.s32 $0xFFFFFF80  }
0x91: {  	_ =	swait.ge [sflag:s1], $0x80  }
0x92: {  	[sflag:s1] =	ssyncset.done $0x0  }
0x93: {  	s3 =	simm.s32 $0x8;
	[sflag:s1] =	ssyncadd.s32 $0xFFFFFF80  }
0x94: {  	_ =	swait.ge [sflag:s3], $0x80  }
0x95: {  	[sflag:s3] =	ssyncset.done $0x0  }
0x96: {  	s15 =	simm.s32 $0x14400;
	[sflag:s3] =	ssyncadd.s32 $0xFFFFFF80  }
0x97: {  	[tilespmem:s17], [sflag:$0xA] =	stream.indirect.gather [hbm4b:s4+s9], $0x80, s15, s9, $0xb8;
	[tilespmem:$0x1C780] =	vst v63  }
0x98: {  	_ = 	snop  }
0x99: {  	[tilespmem:s16], [sflag:$0xC] =	stream.indirect.gather [hbm4b:s7+s9], $0x1, s22, s9, $0xb8;
	[tilespmem:$0x1C780] =	vst v63  }
0x9a: {  	s8 =	simm.s32 $0x14580  }
0x9b: {  	[spmem:s2] =	stream.indirect.scatter.add.f32 [tilespmem:s21], [sflag:$0xD], $0x80, s8, s9, $0xb8;
	[tilespmem:$0x1C780] =	vst v63  }
0x9c: {  	_ =	swait.ge [sflag:s24], $0x4000  }
0x9d: {  	[sflag:s24] =	ssyncset.done $0x0  }
0x9e: {  	s25 =	simm.s32 $0x14380;
	s12 =	simm.s32 $0x1C680;
	[sflag:s24] =	ssyncadd.s32 $0xFFFFC000  }
0x9f: {  	[spmem:s18] =	stream.indirect.scatter.add.f32 [tilespmem:s12], [sflag:$0xD], $0x1, s25, s9, $0xb8;
	[tilespmem:$0x1C780] =	vst v63  }
0xa0: {  	_ =	swait.ge [sflag:s24], $0x80  }
0xa1: {  	[sflag:s24] =	ssyncset.done $0x0  }
0xa2: {  	s28 =	simm.s32 @p3 $0xA;
	[sflag:s24] =	ssyncadd.s32 $0xFFFFFF80  }
0xa3: {  	_ =	swait.ge @p3 [sflag:s28], $0x4000  }
0xa4: {  	s30 =	sadd.s32 @!p3 $0x60, s20;
	[sflag:s28] =	ssyncset.done @p3 $0x0  }
0xa5: {  	s29 =	simm.s32 @!p3 $0x60;
	[sflag:s28] =	ssyncadd.s32 @p3 $0xFFFFC000;
	s28 =	simm.s32 @p3 $0xC  }
0xa6: {  	s30 =	sand.u32 @!p3 $0xFFFFF80, s30;
	s29 =	sand.u32 @!p3 $0x60, s29;
	_ =	swait.ge @p3 [sflag:s28], $0x80  }
0xa7: {  	s29 =	sor.u32 @!p3 s29, s30;
	[sflag:s28] =	ssyncset.done @p3 $0x0  }
0xa8: {  	s30 =	sadd.s32 @!p3 s5, s29;
	[sflag:s28] =	ssyncadd.s32 @p3 $0xFFFFFF80;
	s28 =	simm.s32 @!p3 $0x14380  }
0xa9: {  	[tilespmem:s28], [sflag:$0x3] =	stream.linear.gather @!p3 [hbm4b:s30+s26], $0x80, $0x38;
	[tilespmem:$0x1C780] =	vst v63  }
0xaa: {  	s28 =	sadd.s32 @!p3 s6, s29;
	s29 =	simm.s32 @!p3 $0x14580  }
0xab: {  	[tilespmem:s29], [sflag:$0x7] =	stream.linear.gather @!p3 [hbm4b:s28+s26], $0x80, $0x38;
	[tilespmem:$0x1C780] =	vst v63  }
0xac: {  	s26 =	simm.s32 @!p3 $0xA  }
0xad: {  	_ =	swait.ge @!p3 [sflag:s26], $0x4000  }
0xae: {  	[sflag:s26] =	ssyncset.done @!p3 $0x0  }
0xaf: {  	s28 =	simm.s32 @!p3 $0xC;
	[sflag:s26] =	ssyncadd.s32 @!p3 $0xFFFFC000  }
0xb0: {  	_ =	swait.ge @!p3 [sflag:s28], $0x80  }
0xb1: {  	[sflag:s28] =	ssyncset.done @!p3 $0x0  }
0xb2: {  	s26 =	simm.s32 @!p3 $0x1;
	[sflag:s28] =	ssyncadd.s32 @!p3 $0xFFFFFF80  }
0xb3: {  	_ =	swait.ge @!p3 [sflag:s26], $0x80  }
0xb4: {  	[sflag:s26] =	ssyncset.done @!p3 $0x0  }
0xb5: {  	s28 =	simm.s32 @!p3 $0x5;
	[sflag:s26] =	ssyncadd.s32 @!p3 $0xFFFFFF80  }
0xb6: {  	_ =	swait.ge @!p3 [sflag:s28], $0x80  }
0xb7: {  	s0 =	simm.s32 @!p3 $0x14280;
	[sflag:s28] =	ssyncset.done @!p3 $0x0  }
0xb8: {  	s26 =	simm.s32 @!p3 $0x80;
	[sflag:s28] =	ssyncadd.s32 @!p3 $0xFFFFFF80;
	s28 =	simm.s32 @!p3 $0x14680  }
0xb9: {  	[tilespmem:s28], [sflag:$0x9] =	stream.indirect.gather @!p3 [hbm4b:s4+s26], $0x80, s0, s26, $0xb8;
	[tilespmem:$0x1C780] =	vst v63  }
0xba: {  	s3 =	simm.s32 @!p3 $0x1C680  }
0xbb: {  	[tilespmem:s3], [sflag:$0xB] =	stream.indirect.gather @!p3 [hbm4b:s7+s26], $0x1, s19, s26, $0xb8;
	[tilespmem:$0x1C780] =	vst v63  }
0xbc: {  	s30 =	simm.s32 $0x14400  }
0xbd: {  	[spmem:s2] =	stream.indirect.scatter.add.f32 [tilespmem:s17], [sflag:$0xD], $0x80, s22, s9, $0xb8;
	[tilespmem:$0x1C780] =	vst v63  }
0xbe: {  	s28 =	sadd.s32 $0x40, s20;
	s26 =	simm.s32 $0x40;
	_ =	swait.ge [sflag:s24], $0x4000  }
0xbf: {  	s3 =	sand.u32 $0xFFFFF80, s28;
	s29 =	sand.u32 $0x40, s26;
	[sflag:s24] =	ssyncset.done $0x0  }
0xc0: {  	s19 =	sor.u32 s3, s29;
	s3 =	simm.s32 $0x80;
	[sflag:s24] =	ssyncadd.s32 $0xFFFFC000  }
0xc1: {  	[spmem:s18] =	stream.indirect.scatter.add.f32 [tilespmem:s16], [sflag:$0xD], $0x1, s30, s9, $0xb8;
	[tilespmem:$0x1C780] =	vst v63  }
.LBB2_2:
0xc2: {  	s28 =	sor.u32 $0x30, s19  }
0xc3: {  	_ =	swait.ge [sflag:s24], $0x80;
	s19 =	smov.u32 s3;
	s3 =	sadd.s32 $0x40, s3  }
0xc4: {  	p3 =	sne.s32 s3, $0x500;
	s29 =	sadd.s32 s5, s28;
	[sflag:s24] =	ssyncset.done $0x0  }
0xc5: {  	[sflag:s24] =	ssyncadd.s32 $0xFFFFFF80  }
0xc6: {  	[tilespmem:s30], [sflag:$0x4] =	stream.linear.gather [hbm4b:s29+s23], $0x80, $0x38;
	[tilespmem:$0x1C780] =	vst v63  }
0xc7: {  	s28 =	sadd.s32 s6, s28  }
0xc8: {  	[tilespmem:s22], [sflag:$0x8] =	stream.linear.gather [hbm4b:s28+s23], $0x80, $0x38;
	[tilespmem:$0x1C780] =	vst v63  }
0xc9: {  	_ =	swait.ge [sflag:s11], $0x4000  }
0xca: {  	[sflag:s11] =	ssyncset.done $0x0  }
0xcb: {  	[sflag:s11] =	ssyncadd.s32 $0xFFFFC000  }
0xcc: {  	_ =	swait.ge [sflag:s13], $0x80  }
0xcd: {  	[sflag:s13] =	ssyncset.done $0x0  }
0xce: {  	[sflag:s13] =	ssyncadd.s32 $0xFFFFFF80  }
0xcf: {  	_ =	swait.ge [sflag:s14], $0x80  }
0xd0: {  	[sflag:s14] =	ssyncset.done $0x0  }
0xd1: {  	s0 =	simm.s32 $0x6;
	[sflag:s14] =	ssyncadd.s32 $0xFFFFFF80  }
0xd2: {  	_ =	swait.ge [sflag:s0], $0x80  }
0xd3: {  	[sflag:s0] =	ssyncset.done $0x0  }
0xd4: {  	[sflag:s0] =	ssyncadd.s32 $0xFFFFFF80;
	s0 =	simm.s32 $0x14300  }
0xd5: {  	[tilespmem:s17], [sflag:$0xA] =	stream.indirect.gather [hbm4b:s4+s9], $0x80, s0, s9, $0xb8;
	[tilespmem:$0x1C780] =	vst v63  }
0xd6: {  	s21 =	simm.s32 $0x14500  }
0xd7: {  	[tilespmem:s16], [sflag:$0xC] =	stream.indirect.gather [hbm4b:s7+s9], $0x1, s21, s9, $0xb8;
	[tilespmem:$0x1C780] =	vst v63  }
0xd8: {  	s1 =	simm.s32 $0x14680;
	p4 =	seq.s32 s26, $0x4C0  }
0xd9: {  	[spmem:s2] =	stream.indirect.scatter.add.f32 [tilespmem:s1], [sflag:$0xD], $0x80, s10, s9, $0xb8;
	[tilespmem:$0x1C780] =	vst v63  }
0xda: {  	s15 =	simm.s32 $0x1C680;
	s29 =	sxor.u32 @!p4 $0xFFFFFFFF, s26;
	_ =	swait.ge [sflag:s24], $0x4000  }
0xdb: {  	s29 =	sand.u32 @!p4 $0x40, s29;
	s28 =	sadd.s32 @!p4 s26, s20;
	[sflag:s24] =	ssyncset.done $0x0  }
0xdc: {  	s22 =	simm.s32 $0x14400;
	s28 =	sadd.s32 @!p4 $0x40, s28;
	[sflag:s24] =	ssyncadd.s32 $0xFFFFC000  }
0xdd: {  	[spmem:s18] =	stream.indirect.scatter.add.f32 [tilespmem:s15], [sflag:$0xD], $0x1, s31, s9, $0xb8;
	[tilespmem:$0x1C780] =	vst v63  }
0xde: {  	s30 =	sand.u32 @!p4 $0xFFFFF80, s28;
	s28 =	simm.s32 @!p4 $0x14280;
	_ =	swait.ge [sflag:s24], $0x80  }
0xdf: {  	s29 =	sor.u32 @!p4 s29, s30;
	s30 =	simm.s32 @!p4 $0x0;
	[sflag:s24] =	ssyncset.done $0x0  }
0xe0: {  	s23 =	sadd.s32 @!p4 s6, s29;
	s31 =	sadd.s32 @!p4 s5, s29;
	[sflag:s24] =	ssyncadd.s32 $0xFFFFFF80  }
0xe1: {  	[tilespmem:s28], [sflag:$0x1] =	stream.linear.gather @!p4 [hbm4b:s31+s30], $0x80, $0x38;
	[tilespmem:$0x1C780] =	vst v63  }
0xe2: {  	s12 =	simm.s32 $0xA;
	s31 =	sadd.s32 @!p4 $0x50, s26  }
0xe3: {  	s29 =	simm.s32 @!p4 $0x14480;
	s26 =	sadd.s32 @!p4 $0x60, s26;
	s8 =	sadd.s32 @!p4 s20, s31  }
0xe4: {  	s31 =	sand.u32 @!p4 $0x50, s31;
	s10 =	sand.u32 @!p4 $0x60, s26;
	s8 =	sand.u32 @!p4 $0xFFFFF80, s8  }
0xe5: {  	[tilespmem:s29], [sflag:$0x5] =	stream.linear.gather @!p4 [hbm4b:s23+s30], $0x80, $0x38;
	[tilespmem:$0x1C780] =	vst v63  }
0xe6: {  	s23 =	sadd.s32 @!p4 s20, s26;
	s8 =	sor.u32 @!p4 s31, s8;
	_ =	swait.ge [sflag:s12], $0x4000  }
0xe7: {  	s23 =	sand.u32 @!p4 $0xFFFFF80, s23;
	s14 =	sadd.s32 @!p4 s5, s8;
	[sflag:s12] =	ssyncset.done $0x0  }
0xe8: {  	s8 =	sadd.s32 @!p4 s6, s8;
	[sflag:s12] =	ssyncadd.s32 $0xFFFFC000;
	s12 =	simm.s32 $0xC  }
0xe9: {  	s26 =	smov.u32 s19;
	s10 =	sor.u32 @!p4 s10, s23;
	_ =	swait.ge [sflag:s12], $0x80  }
0xea: {  	s19 =	sadd.s32 @!p4 s5, s10;
	s31 =	sadd.s32 @!p4 s6, s10;
	[sflag:s12] =	ssyncset.done $0x0  }
0xeb: {  	s10 =	simm.s32 $0x3;
	[sflag:s12] =	ssyncadd.s32 $0xFFFFFF80  }
0xec: {  	_ =	swait.ge [sflag:s10], $0x80  }
0xed: {  	[sflag:s10] =	ssyncset.done $0x0  }
0xee: {  	[sflag:s10] =	ssyncadd.s32 $0xFFFFFF80;
	s10 =	simm.s32 $0x7  }
0xef: {  	_ =	swait.ge [sflag:s10], $0x80  }
0xf0: {  	[sflag:s10] =	ssyncset.done $0x0  }
0xf1: {  	s25 =	simm.s32 $0x14380;
	[sflag:s10] =	ssyncadd.s32 $0xFFFFFF80  }
0xf2: {  	[tilespmem:s1], [sflag:$0x9] =	stream.indirect.gather [hbm4b:s4+s9], $0x80, s25, s9, $0xb8;
	[tilespmem:$0x1C780] =	vst v63  }
0xf3: {  	s12 =	simm.s32 $0x14580  }
0xf4: {  	[tilespmem:s15], [sflag:$0xB] =	stream.indirect.gather [hbm4b:s7+s9], $0x1, s12, s9, $0xb8;
	[tilespmem:$0x1C780] =	vst v63  }
0xf5: {  	_ = 	snop  }
0xf6: {  	[spmem:s2] =	stream.indirect.scatter.add.f32 [tilespmem:s17], [sflag:$0xD], $0x80, s21, s9, $0xb8;
	[tilespmem:$0x1C780] =	vst v63  }
0xf7: {  	_ =	swait.ge [sflag:s24], $0x4000  }
0xf8: {  	[sflag:s24] =	ssyncset.done $0x0  }
0xf9: {  	[sflag:s24] =	ssyncadd.s32 $0xFFFFC000  }
0xfa: {  	[spmem:s18] =	stream.indirect.scatter.add.f32 [tilespmem:s16], [sflag:$0xD], $0x1, s0, s9, $0xb8;
	[tilespmem:$0x1C780] =	vst v63  }
0xfb: {  	s10 =	simm.s32 @!p4 $0x14300;
	_ =	swait.ge [sflag:s24], $0x80  }
0xfc: {  	s23 =	simm.s32 @!p4 $0x14500;
	[sflag:s24] =	ssyncset.done $0x0  }
0xfd: {  	[sflag:s24] =	ssyncadd.s32 $0xFFFFFF80  }
0xfe: {  	[tilespmem:s10], [sflag:$0x2] =	stream.linear.gather @!p4 [hbm4b:s14+s30], $0x80, $0x38;
	[tilespmem:$0x1C780] =	vst v63  }
0xff: {  	_ = 	snop  }
0x100: {  	[tilespmem:s23], [sflag:$0x6] =	stream.linear.gather @!p4 [hbm4b:s8+s30], $0x80, $0x38;
	[tilespmem:$0x1C780] =	vst v63  }
0x101: {  	s23 =	simm.s32 $0x0  }
0x102: {  	_ =	swait.ge [sflag:s11], $0x4000  }
0x103: {  	[sflag:s11] =	ssyncset.done $0x0  }
0x104: {  	[sflag:s11] =	ssyncadd.s32 $0xFFFFC000  }
0x105: {  	_ =	swait.ge [sflag:s13], $0x80  }
0x106: {  	[sflag:s13] =	ssyncset.done $0x0  }
0x107: {  	s8 =	simm.s32 $0x4;
	[sflag:s13] =	ssyncadd.s32 $0xFFFFFF80  }
0x108: {  	_ =	swait.ge [sflag:s8], $0x80  }
0x109: {  	[sflag:s8] =	ssyncset.done $0x0  }
0x10a: {  	[sflag:s8] =	ssyncadd.s32 $0xFFFFFF80;
	s8 =	simm.s32 $0x8  }
0x10b: {  	_ =	swait.ge [sflag:s8], $0x80  }
0x10c: {  	[sflag:s8] =	ssyncset.done $0x0  }
0x10d: {  	[sflag:s8] =	ssyncadd.s32 $0xFFFFFF80  }
0x10e: {  	[tilespmem:s17], [sflag:$0xA] =	stream.indirect.gather [hbm4b:s4+s9], $0x80, s22, s9, $0xb8;
	[tilespmem:$0x1C780] =	vst v63  }
0x10f: {  	s22 =	simm.s32 $0x14600;
	_ =	sdelay $0x1  }
0x110: {  	[tilespmem:s16], [sflag:$0xC] =	stream.indirect.gather [hbm4b:s7+s9], $0x1, s22, s9, $0xb8;
	[tilespmem:$0x1C780] =	vst v63  }
0x111: {  	_ = 	snop  }
0x112: {  	[spmem:s2] =	stream.indirect.scatter.add.f32 [tilespmem:s1], [sflag:$0xD], $0x80, s12, s9, $0xb8;
	[tilespmem:$0x1C780] =	vst v63  }
0x113: {  	_ =	swait.ge [sflag:s24], $0x4000  }
0x114: {  	[sflag:s24] =	ssyncset.done $0x0  }
0x115: {  	[sflag:s24] =	ssyncadd.s32 $0xFFFFC000  }
0x116: {  	[spmem:s18] =	stream.indirect.scatter.add.f32 [tilespmem:s15], [sflag:$0xD], $0x1, s25, s9, $0xb8;
	[tilespmem:$0x1C780] =	vst v63  }
0x117: {  	s8 =	simm.s32 @p4 $0xA;
	_ =	swait.ge [sflag:s24], $0x80  }
0x118: {  	[sflag:s24] =	ssyncset.done $0x0  }
0x119: {  	[sflag:s24] =	ssyncadd.s32 $0xFFFFFF80  }
0x11a: {  	s10 =	simm.s32 @p4 $0xC;
	_ =	swait.ge @p4 [sflag:s8], $0x4000  }
0x11b: {  	[sflag:s8] =	ssyncset.done @p4 $0x0  }
0x11c: {  	[sflag:s8] =	ssyncadd.s32 @p4 $0xFFFFC000  }
0x11d: {  	_ =	swait.ge @p4 [sflag:s10], $0x80  }
0x11e: {  	s8 =	simm.s32 @!p4 $0x14380;
	[sflag:s10] =	ssyncset.done @p4 $0x0  }
0x11f: {  	[sflag:s10] =	ssyncadd.s32 @p4 $0xFFFFFF80;
	s10 =	simm.s32 @!p4 $0x14580  }
0x120: {  	[tilespmem:s8], [sflag:$0x3] =	stream.linear.gather @!p4 [hbm4b:s19+s30], $0x80, $0x38;
	[tilespmem:$0x1C780] =	vst v63  }
0x121: {  	s8 =	simm.s32 @!p4 $0xA  }
0x122: {  	[tilespmem:s10], [sflag:$0x7] =	stream.linear.gather @!p4 [hbm4b:s31+s30], $0x80, $0x38;
	[tilespmem:$0x1C780] =	vst v63  }
0x123: {  	s30 =	simm.s32 $0x14400;
	s31 =	simm.s32 $0x14280  }
0x124: {  	_ =	swait.ge @!p4 [sflag:s8], $0x4000  }
0x125: {  	s10 =	simm.s32 @!p4 $0xC;
	[sflag:s8] =	ssyncset.done @!p4 $0x0  }
0x126: {  	[sflag:s8] =	ssyncadd.s32 @!p4 $0xFFFFC000  }
0x127: {  	_ =	swait.ge @!p4 [sflag:s10], $0x80  }
0x128: {  	s8 =	simm.s32 @!p4 $0x1;
	[sflag:s10] =	ssyncset.done @!p4 $0x0  }
0x129: {  	[sflag:s10] =	ssyncadd.s32 @!p4 $0xFFFFFF80  }
0x12a: {  	_ =	swait.ge @!p4 [sflag:s8], $0x80  }
0x12b: {  	s10 =	simm.s32 @!p4 $0x5;
	[sflag:s8] =	ssyncset.done @!p4 $0x0  }
0x12c: {  	[sflag:s8] =	ssyncadd.s32 @!p4 $0xFFFFFF80  }
0x12d: {  	_ =	swait.ge @!p4 [sflag:s10], $0x80  }
0x12e: {  	s14 =	simm.s32 @!p4 $0x14680;
	s8 =	simm.s32 @!p4 $0x80;
	[sflag:s10] =	ssyncset.done @!p4 $0x0  }
0x12f: {  	[sflag:s10] =	ssyncadd.s32 @!p4 $0xFFFFFF80;
	s10 =	simm.s32 @!p4 $0x1C680  }
0x130: {  	[tilespmem:s14], [sflag:$0x9] =	stream.indirect.gather @!p4 [hbm4b:s4+s8], $0x80, s28, s8, $0xb8;
	[tilespmem:$0x1C780] =	vst v63  }
0x131: {  	s14 =	simm.s32 $0x2;
	_ =	sdelay $0x1  }
0x132: {  	[tilespmem:s10], [sflag:$0xB] =	stream.indirect.gather @!p4 [hbm4b:s7+s8], $0x1, s29, s8, $0xb8;
	[tilespmem:$0x1C780] =	vst v63  }
0x133: {  	_ = 	snop  }
0x134: {  	[spmem:s2] =	stream.indirect.scatter.add.f32 [tilespmem:s17], [sflag:$0xD], $0x80, s22, s9, $0xb8;
	[tilespmem:$0x1C780] =	vst v63  }
.Ltmp2:
0x135: {  	_ = 	snop;
	(pc) =	sbr.rel @p3 .LBB2_2-.Ltmp2, $4  }
0x136: {  	s8 =	sadd.s32 s26, s20;
	_ =	swait.ge [sflag:s24], $0x4000  }
0x137: {  	s10 =	sand.u32 $0x40, s26;
	s8 =	sand.u32 $0xFFFFF80, s8;
	[sflag:s24] =	ssyncset.done $0x0  }
0x138: {  	s19 =	sor.u32 s8, s10;
	s10 =	simm.s32 $0x14480;
	[sflag:s24] =	ssyncadd.s32 $0xFFFFC000  }
0x139: {  	[spmem:s18] =	stream.indirect.scatter.add.f32 [tilespmem:s16], [sflag:$0xD], $0x1, s30, s9, $0xb8;
	[tilespmem:$0x1C780] =	vst v63  }
0x13a: {  	_ =	swait.ge [sflag:s24], $0x80  }
0x13b: {  	s3 =	sor.u32 $0x30, s19;
	[sflag:s24] =	ssyncset.done $0x0  }
0x13c: {  	s8 =	sadd.s32 s5, s3;
	[sflag:s24] =	ssyncadd.s32 $0xFFFFFF80  }
0x13d: {  	[tilespmem:s30], [sflag:$0x4] =	stream.linear.gather [hbm4b:s8+s23], $0x80, $0x38;
	[tilespmem:$0x1C780] =	vst v63  }
0x13e: {  	s3 =	sadd.s32 s6, s3  }
0x13f: {  	[tilespmem:s22], [sflag:$0x8] =	stream.linear.gather [hbm4b:s3+s23], $0x80, $0x38;
	[tilespmem:$0x1C780] =	vst v63  }
0x140: {  	_ =	swait.ge [sflag:s11], $0x4000  }
0x141: {  	[sflag:s11] =	ssyncset.done $0x0  }
0x142: {  	[sflag:s11] =	ssyncadd.s32 $0xFFFFC000  }
0x143: {  	_ =	swait.ge [sflag:s13], $0x80  }
0x144: {  	[sflag:s13] =	ssyncset.done $0x0  }
0x145: {  	[sflag:s13] =	ssyncadd.s32 $0xFFFFFF80  }
0x146: {  	_ =	swait.ge [sflag:s14], $0x80  }
0x147: {  	[sflag:s14] =	ssyncset.done $0x0  }
0x148: {  	s0 =	simm.s32 $0x6;
	[sflag:s14] =	ssyncadd.s32 $0xFFFFFF80  }
0x149: {  	_ =	swait.ge [sflag:s0], $0x80  }
0x14a: {  	[sflag:s0] =	ssyncset.done $0x0  }
0x14b: {  	s14 =	simm.s32 $0x14300;
	[sflag:s0] =	ssyncadd.s32 $0xFFFFFF80  }
0x14c: {  	[tilespmem:s17], [sflag:$0xA] =	stream.indirect.gather [hbm4b:s4+s9], $0x80, s14, s9, $0xb8;
	[tilespmem:$0x1C780] =	vst v63  }
0x14d: {  	s25 =	simm.s32 $0x14500  }
0x14e: {  	[tilespmem:s16], [sflag:$0xC] =	stream.indirect.gather [hbm4b:s7+s9], $0x1, s25, s9, $0xb8;
	[tilespmem:$0x1C780] =	vst v63  }
0x14f: {  	s1 =	simm.s32 $0x14680  }
0x150: {  	[spmem:s2] =	stream.indirect.scatter.add.f32 [tilespmem:s1], [sflag:$0xD], $0x80, s10, s9, $0xb8;
	[tilespmem:$0x1C780] =	vst v63  }
0x151: {  	p3 =	seq.s32 s26, $0x4C0;
	_ =	swait.ge [sflag:s24], $0x4000  }
0x152: {  	s15 =	simm.s32 $0x1C680;
	s3 =	sadd.s32 @!p3 s26, s20;
	[sflag:s24] =	ssyncset.done $0x0  }
0x153: {  	s8 =	sxor.u32 @!p3 $0xFFFFFFFF, s26;
	s3 =	sadd.s32 @!p3 $0x40, s3;
	[sflag:s24] =	ssyncadd.s32 $0xFFFFC000  }
0x154: {  	[spmem:s18] =	stream.indirect.scatter.add.f32 [tilespmem:s15], [sflag:$0xD], $0x1, s31, s9, $0xb8;
	[tilespmem:$0x1C780] =	vst v63  }
0x155: {  	s8 =	sand.u32 @!p3 $0x40, s8;
	s10 =	sand.u32 @!p3 $0xFFFFF80, s3;
	_ =	swait.ge [sflag:s24], $0x80  }
0x156: {  	s28 =	simm.s32 @!p3 $0x0;
	s8 =	sor.u32 @!p3 s8, s10;
	[sflag:s24] =	ssyncset.done $0x0  }
0x157: {  	s3 =	simm.s32 @!p3 $0x14280;
	s10 =	sadd.s32 @!p3 s5, s8;
	[sflag:s24] =	ssyncadd.s32 $0xFFFFFF80  }
0x158: {  	[tilespmem:s3], [sflag:$0x1] =	stream.linear.gather @!p3 [hbm4b:s10+s28], $0x80, $0x38;
	[tilespmem:$0x1C780] =	vst v63  }
0x159: {  	s21 =	simm.s32 $0xA;
	s19 =	simm.s32 @!p3 $0x14480;
	s8 =	sadd.s32 @!p3 s6, s8  }
0x15a: {  	[tilespmem:s19], [sflag:$0x5] =	stream.linear.gather @!p3 [hbm4b:s8+s28], $0x80, $0x38;
	[tilespmem:$0x1C780] =	vst v63  }
0x15b: {  	_ =	swait.ge [sflag:s21], $0x4000  }
0x15c: {  	[sflag:s21] =	ssyncset.done $0x0  }
0x15d: {  	s8 =	simm.s32 $0xC;
	[sflag:s21] =	ssyncadd.s32 $0xFFFFC000  }
0x15e: {  	_ =	swait.ge [sflag:s8], $0x80  }
0x15f: {  	[sflag:s8] =	ssyncset.done $0x0  }
0x160: {  	s10 =	simm.s32 $0x3;
	[sflag:s8] =	ssyncadd.s32 $0xFFFFFF80  }
0x161: {  	_ =	swait.ge [sflag:s10], $0x80  }
0x162: {  	[sflag:s10] =	ssyncset.done $0x0  }
0x163: {  	s12 =	simm.s32 $0x7;
	[sflag:s10] =	ssyncadd.s32 $0xFFFFFF80  }
0x164: {  	_ =	swait.ge [sflag:s12], $0x80  }
0x165: {  	[sflag:s12] =	ssyncset.done $0x0  }
0x166: {  	[sflag:s12] =	ssyncadd.s32 $0xFFFFFF80;
	s12 =	simm.s32 $0x14380  }
0x167: {  	[tilespmem:s1], [sflag:$0x9] =	stream.indirect.gather [hbm4b:s4+s9], $0x80, s12, s9, $0xb8;
	[tilespmem:$0x1C780] =	vst v63  }
0x168: {  	s21 =	simm.s32 $0x14580  }
0x169: {  	[tilespmem:s15], [sflag:$0xB] =	stream.indirect.gather [hbm4b:s7+s9], $0x1, s21, s9, $0xb8;
	[tilespmem:$0x1C780] =	vst v63  }
0x16a: {  	_ = 	snop  }
0x16b: {  	[spmem:s2] =	stream.indirect.scatter.add.f32 [tilespmem:s17], [sflag:$0xD], $0x80, s25, s9, $0xb8;
	[tilespmem:$0x1C780] =	vst v63  }
0x16c: {  	_ =	swait.ge [sflag:s24], $0x4000  }
0x16d: {  	s8 =	sadd.s32 @!p3 $0x50, s26;
	[sflag:s24] =	ssyncset.done $0x0  }
0x16e: {  	s10 =	sadd.s32 @!p3 s20, s8;
	[sflag:s24] =	ssyncadd.s32 $0xFFFFC000  }
0x16f: {  	[spmem:s18] =	stream.indirect.scatter.add.f32 [tilespmem:s16], [sflag:$0xD], $0x1, s14, s9, $0xb8;
	[tilespmem:$0x1C780] =	vst v63  }
0x170: {  	s8 =	sand.u32 @!p3 $0x50, s8;
	s10 =	sand.u32 @!p3 $0xFFFFF80, s10;
	_ =	swait.ge [sflag:s24], $0x80  }
0x171: {  	s8 =	sor.u32 @!p3 s8, s10;
	[sflag:s24] =	ssyncset.done $0x0  }
0x172: {  	s10 =	sadd.s32 @!p3 s5, s8;
	s14 =	simm.s32 @!p3 $0x14300;
	[sflag:s24] =	ssyncadd.s32 $0xFFFFFF80  }
0x173: {  	[tilespmem:s14], [sflag:$0x2] =	stream.linear.gather @!p3 [hbm4b:s10+s28], $0x80, $0x38;
	[tilespmem:$0x1C780] =	vst v63  }
0x174: {  	s8 =	sadd.s32 @!p3 s6, s8;
	s10 =	simm.s32 @!p3 $0x14500  }
0x175: {  	[tilespmem:s10], [sflag:$0x6] =	stream.linear.gather @!p3 [hbm4b:s8+s28], $0x80, $0x38;
	[tilespmem:$0x1C780] =	vst v63  }
0x176: {  	_ =	swait.ge [sflag:s11], $0x4000  }
0x177: {  	[sflag:s11] =	ssyncset.done $0x0  }
0x178: {  	[sflag:s11] =	ssyncadd.s32 $0xFFFFC000  }
0x179: {  	_ =	swait.ge [sflag:s13], $0x80  }
0x17a: {  	[sflag:s13] =	ssyncset.done $0x0  }
0x17b: {  	s14 =	simm.s32 $0x4;
	[sflag:s13] =	ssyncadd.s32 $0xFFFFFF80  }
0x17c: {  	_ =	swait.ge [sflag:s14], $0x80  }
0x17d: {  	[sflag:s14] =	ssyncset.done $0x0  }
0x17e: {  	s25 =	simm.s32 $0x8;
	[sflag:s14] =	ssyncadd.s32 $0xFFFFFF80  }
0x17f: {  	_ =	swait.ge [sflag:s25], $0x80  }
0x180: {  	[sflag:s25] =	ssyncset.done $0x0  }
0x181: {  	[sflag:s25] =	ssyncadd.s32 $0xFFFFFF80  }
0x182: {  	[tilespmem:s17], [sflag:$0xA] =	stream.indirect.gather [hbm4b:s4+s9], $0x80, s30, s9, $0xb8;
	[tilespmem:$0x1C780] =	vst v63  }
0x183: {  	_ = 	snop  }
0x184: {  	[tilespmem:s16], [sflag:$0xC] =	stream.indirect.gather [hbm4b:s7+s9], $0x1, s22, s9, $0xb8;
	[tilespmem:$0x1C780] =	vst v63  }
0x185: {  	_ = 	snop  }
0x186: {  	[spmem:s2] =	stream.indirect.scatter.add.f32 [tilespmem:s1], [sflag:$0xD], $0x80, s21, s9, $0xb8;
	[tilespmem:$0x1C780] =	vst v63  }
0x187: {  	_ =	swait.ge [sflag:s24], $0x4000  }
0x188: {  	[sflag:s24] =	ssyncset.done $0x0  }
0x189: {  	[sflag:s24] =	ssyncadd.s32 $0xFFFFC000  }
0x18a: {  	[spmem:s18] =	stream.indirect.scatter.add.f32 [tilespmem:s15], [sflag:$0xD], $0x1, s12, s9, $0xb8;
	[tilespmem:$0x1C780] =	vst v63  }
0x18b: {  	_ =	swait.ge [sflag:s24], $0x80  }
0x18c: {  	[sflag:s24] =	ssyncset.done $0x0  }
0x18d: {  	s8 =	simm.s32 @p3 $0xA;
	[sflag:s24] =	ssyncadd.s32 $0xFFFFFF80  }
0x18e: {  	_ =	swait.ge @p3 [sflag:s8], $0x4000  }
0x18f: {  	s10 =	sadd.s32 @!p3 $0x60, s26;
	[sflag:s8] =	ssyncset.done @p3 $0x0  }
0x190: {  	s14 =	sadd.s32 @!p3 s20, s10;
	[sflag:s8] =	ssyncadd.s32 @p3 $0xFFFFC000;
	s8 =	simm.s32 @p3 $0xC  }
0x191: {  	s10 =	sand.u32 @!p3 $0x60, s10;
	s14 =	sand.u32 @!p3 $0xFFFFF80, s14;
	_ =	swait.ge @p3 [sflag:s8], $0x80  }
0x192: {  	s10 =	sor.u32 @!p3 s10, s14;
	[sflag:s8] =	ssyncset.done @p3 $0x0  }
0x193: {  	s14 =	sadd.s32 @!p3 s5, s10;
	[sflag:s8] =	ssyncadd.s32 @p3 $0xFFFFFF80;
	s8 =	simm.s32 @!p3 $0x14380  }
0x194: {  	[tilespmem:s8], [sflag:$0x3] =	stream.linear.gather @!p3 [hbm4b:s14+s28], $0x80, $0x38;
	[tilespmem:$0x1C780] =	vst v63  }
0x195: {  	s8 =	sadd.s32 @!p3 s6, s10;
	s10 =	simm.s32 @!p3 $0x14580  }
0x196: {  	[tilespmem:s10], [sflag:$0x7] =	stream.linear.gather @!p3 [hbm4b:s8+s28], $0x80, $0x38;
	[tilespmem:$0x1C780] =	vst v63  }
0x197: {  	s8 =	simm.s32 @!p3 $0xA  }
0x198: {  	_ =	swait.ge @!p3 [sflag:s8], $0x4000  }
0x199: {  	[sflag:s8] =	ssyncset.done @!p3 $0x0  }
0x19a: {  	s10 =	simm.s32 @!p3 $0xC;
	[sflag:s8] =	ssyncadd.s32 @!p3 $0xFFFFC000  }
0x19b: {  	_ =	swait.ge @!p3 [sflag:s10], $0x80  }
0x19c: {  	[sflag:s10] =	ssyncset.done @!p3 $0x0  }
0x19d: {  	s8 =	simm.s32 @!p3 $0x1;
	[sflag:s10] =	ssyncadd.s32 @!p3 $0xFFFFFF80  }
0x19e: {  	_ =	swait.ge @!p3 [sflag:s8], $0x80  }
0x19f: {  	[sflag:s8] =	ssyncset.done @!p3 $0x0  }
0x1a0: {  	s10 =	simm.s32 @!p3 $0x5;
	[sflag:s8] =	ssyncadd.s32 @!p3 $0xFFFFFF80  }
0x1a1: {  	_ =	swait.ge @!p3 [sflag:s10], $0x80  }
0x1a2: {  	[sflag:s10] =	ssyncset.done @!p3 $0x0  }
0x1a3: {  	s8 =	simm.s32 @!p3 $0x80;
	[sflag:s10] =	ssyncadd.s32 @!p3 $0xFFFFFF80;
	s10 =	simm.s32 @!p3 $0x14680  }
0x1a4: {  	[tilespmem:s10], [sflag:$0x9] =	stream.indirect.gather @!p3 [hbm4b:s4+s8], $0x80, s3, s8, $0xb8;
	[tilespmem:$0x1C780] =	vst v63  }
0x1a5: {  	s3 =	simm.s32 @!p3 $0x1C680  }
0x1a6: {  	[tilespmem:s3], [sflag:$0xB] =	stream.indirect.gather @!p3 [hbm4b:s7+s8], $0x1, s19, s8, $0xb8;
	[tilespmem:$0x1C780] =	vst v63  }
0x1a7: {  	_ = 	snop  }
0x1a8: {  	[spmem:s2] =	stream.indirect.scatter.add.f32 [tilespmem:s17], [sflag:$0xD], $0x80, s22, s9, $0xb8;
	[tilespmem:$0x1C780] =	vst v63  }
0x1a9: {  	_ =	swait.ge [sflag:s24], $0x4000  }
0x1aa: {  	[sflag:s24] =	ssyncset.done $0x0  }
0x1ab: {  	[sflag:s24] =	ssyncadd.s32 $0xFFFFC000  }
0x1ac: {  	[spmem:s18] =	stream.indirect.scatter.add.f32 [tilespmem:s16], [sflag:$0xD], $0x1, s30, s9, $0xb8;
	[tilespmem:$0x1C780] =	vst v63  }
.Ltmp3:
0x1ad: {  	_ =	swait.ge [sflag:s24], $0x80;
	(pc) =	sbr.rel @!p0 .LBB2_4-.Ltmp3, $4  }
0x1ae: {  	[sflag:s24] =	ssyncset.done $0x0  }
0x1af: {  	s29 =	simm.s32 $0x14500;
	s0 =	simm.s32 $0x18680;
	[sflag:s24] =	ssyncadd.s32 $0xFFFFFF80  }
0x1b0: {  	s26 =	simm.s32 $0x14300;
	s1 =	smov.u32 s18;
	[bflag:$0x0] =	sbarrier.arrive $0xFFFF  }
0x1b1: {  	s12 =	simm.s32 $0x1C700;
	s19 =	simm.s32 $0x14380;
	s30 =	simm.s32 $0x14580  }
0x1b2: {  	s14 =	rddreg [dreg:$0x8]  }
0x1b3: {  	s3 =	rddreg [dreg:$0x12]  }
.Ltmp4:
0x1b4: {  	s8 =	rddreg [dreg:$0x14];
	(pc) =	sbr.rel @p1 .LBB2_8-.Ltmp4, $4  }
0x1b5: {  	[hbm:s3], [sflag:s14] =	dma.local [spmem:s8], $0x2800  }
0x1b6: {  	_ =	swait.ge [sflag:s24], $0x2800  }
0x1b7: {  	[sflag:s24] =	ssyncset.done $0x0  }
0x1b8: {  	s17 =	rddreg [dreg:$0x13];
	[sflag:s24] =	ssyncadd.s32 $0xFFFFD800  }
.Ltmp5:
0x1b9: {  	(pc) =	sbr.rel .LBB2_7-.Ltmp5, $2  }
0x1ba: {  	_ =	sdelay $0x2  }
0x1bb: {  	s3 =	rddreg [dreg:$0x10]  }
.LBB2_4:
0x1bc: {  	s14 =	rddreg [dreg:$0x8]  }
0x1bd: {  	s3 =	rddreg [dreg:$0xf]  }
0x1be: {  	s8 =	rddreg [dreg:$0x14]  }
0x1bf: {  	[hbm:s3], [sflag:s14] =	dma.local [spmem:s8], $0x2800  }
.Ltmp6:
0x1c0: {  	_ = 	snop;
	(pc) =	sbr.rel @!p2 .LBB2_8-.Ltmp6, $4  }
.Ltmp7:
0x1c1: {  	_ = 	snop;
	(pc) =	sbr.rel @p2 .LBB2_7-.Ltmp7, $4  }
0x1c2: {  	_ =	swait.ge [sflag:s24], $0x2800  }
0x1c3: {  	[sflag:s24] =	ssyncset.done $0x0;
	s3 =	rddreg [dreg:$0x5]  }
0x1c4: {  	s17 =	rddreg [dreg:$0x13];
	[sflag:s24] =	ssyncadd.s32 $0xFFFFD800  }
0x1c5: {  	_ = 	snop  }
.LBB2_9:
0x1c6: {  	_ =	sfence.sel $0x180000  }
0x1c7: {  	[bflag:$0x0] =	sbarrier.arrive $0xFFFF  }
0x1c8: {  	_ =	strace $0x9000004A  }
0x1c9: {  	[bflag:$0x2] =	sbarrier.arrive $0xFFFF  }
0x1ca: {  	s0 =	rddreg [dreg:$0x3]  }
0x1cb: {  	s0 =	sadd.s32 @!p1 $0x100000, s0  }
0x1cc: {  	[sflag:s0] =	ssyncadd.tile.s32 @!p1 $0x1;
	_ =	shalt  }
.Lfunc_end2:
_tile_overlayer_lowered:
.L_overlay_start_2:
0x1cd: {  	(tag) =	ssettag $0x2  }
0x1ce: {  	s0 =	rddreg [dreg:$0x0];
	s2 =	stileid.u32  }
0x1cf: {  	s1 =	rddreg [dreg:$0x1];
	p0 =	sne.s32 s2, $0x0  }
0x1d0: {  	s3 =	rddreg [dreg:$0x2];
	[bflag:$0x3] =	sbarrier.arrive $0xFFFF;
	s2 =	simm.s32 @!p0 $0x1C0D  }
0x1d1: {  	[timem:s3], [sflag:s2] =	dma.local @!p0 [hbm:s0], s1  }
0x1d2: {  	s0 =	simm.s32 @!p0 $0xD  }
0x1d3: {  	_ =	swait.ge @!p0 [sflag:s0], s1  }
0x1d4: {  	s1 =	ssub.s32 @!p0 $0x0, s1;
	[sflag:s0] =	ssyncset.done @!p0 $0x0  }
0x1d5: {  	[sflag:s0] =	ssyncadd.s32 @!p0 s1  }
0x1d6: {  	[bflag:$0x3] =	sbarrier.arrive $0xFFFF  }
0x1d7: {  	_ =	shalt  }

</sc_bundles>
